<compile_context>
chip_gen: v7x
topology: tpu7x:2x2x1
jax: 0.10.2.dev20260603
libtpu: 0.0.44.dev20260713+nightly
codegen_flags: <defaults>
</compile_context>

<pallas_src>
import functools

import jax
import jax.numpy as jnp
from jax import lax
from jax.experimental import pallas as pl
from jax.experimental.pallas import tpu as pltpu
from jax.experimental.pallas import tpu_sc as plsc

_AT = 10000
_NBR = 32
_E = _AT * _NBR
_F = 128
_GF_END = 5.5
_SEG = 2
_ATS = _AT // _SEG
_ES = _E // _SEG
_BA = 200
_EB = _BA * _NBR
_NBLK = _ATS // _BA
_NW = 32
_LN2 = 0.6931471805599453

_F32 = jnp.float32
_BF16 = jnp.bfloat16


_LOG2E = 1.4426950408889634


def _ssp(x):
    return (jnp.log2(1.0 + jnp.exp2(x)) - 1.0) * _LN2


def _gauss(d):
    iw = (_F - 1) / _GF_END
    k = lax.broadcasted_iota(jnp.int32, (1, 1, _F), 2).astype(_F32)
    z = (d * iw)[:, :, None] - k
    return jnp.exp2(z * z * (-0.5 * _LOG2E))


def _unpack_hi(pk):
    return lax.bitcast_convert_type(pk & jnp.uint32(0xFFFF0000), _F32)


def _unpack_lo(pk):
    return lax.bitcast_convert_type(pk << 16, _F32)


def _sc_gather(table, idx, chunk=None):
    _CHUNK = chunk or (128 if idx.shape[0] % 128 == 0 else 80)
    n_out = idx.shape[0]
    total_chunks = n_out // _CHUNK
    per_w = -(-total_chunks // _NW)
    mesh = plsc.VectorSubcoreMesh(core_axis_name="c", subcore_axis_name="s")

    @functools.partial(
        pl.kernel,
        out_type=jax.ShapeDtypeStruct((n_out, _F), table.dtype),
        mesh=mesh,
        scratch_types=[
            pltpu.VMEM((_CHUNK,), jnp.int32),
            pltpu.VMEM((_CHUNK,), jnp.int32),
            pltpu.VMEM((_CHUNK, _F), table.dtype),
            pltpu.VMEM((_CHUNK, _F), table.dtype),
            pltpu.SemaphoreType.DMA,
            pltpu.SemaphoreType.DMA,
        ],
    )
    def gk(table_hbm, idx_hbm, out_hbm, idxa, idxb, rows0, rows1,
           sem0, sem1):
        wid = lax.axis_index("s") * 2 + lax.axis_index("c")
        nvalid = jnp.clip(total_chunks - wid * per_w, 0, per_w)

        def fetch_idx(i, idxv):
            base = (wid * per_w + i) * _CHUNK
            pltpu.sync_copy(idx_hbm.at[pl.ds(base, _CHUNK)], idxv)

        def start(idxv, rows, sem):
            pltpu.async_copy(table_hbm.at[idxv], rows, sem)

        def finish(i, idxv, rows, sem):
            pltpu.make_async_copy(table_hbm.at[idxv], rows, sem).wait()
            base = (wid * per_w + i) * _CHUNK
            pltpu.sync_copy(rows, out_hbm.at[pl.ds(base, _CHUNK)])

        @pl.when(nvalid > 0)
        def _():
            fetch_idx(0, idxa)
            start(idxa, rows0, sem0)

        def body(i, carry):
            @pl.when(i < nvalid)
            def _():
                @pl.when(i % 2 == 0)
                def _():
                    @pl.when(i + 1 < nvalid)
                    def _():
                        fetch_idx(i + 1, idxb)
                        start(idxb, rows1, sem1)
                    finish(i, idxa, rows0, sem0)

                @pl.when(i % 2 == 1)
                def _():
                    @pl.when(i + 1 < nvalid)
                    def _():
                        fetch_idx(i + 1, idxa)
                        start(idxa, rows0, sem0)
                    finish(i, idxb, rows1, sem1)

            return carry

        lax.fori_loop(0, per_w, body, None)

    return gk(table, idx)


def _sc_zgather(z, nb):
    n_out = nb.shape[0]
    per_w = n_out // _NW
    ch = 2000
    n_ch = per_w // ch
    mesh = plsc.VectorSubcoreMesh(core_axis_name="c", subcore_axis_name="s")

    @functools.partial(
        pl.kernel,
        out_type=jax.ShapeDtypeStruct((n_out,), jnp.int32),
        mesh=mesh,
        compiler_params=pltpu.CompilerParams(needs_layout_passes=False),
        scratch_types=[
            pltpu.VMEM((_AT,), jnp.int32),
            pltpu.VMEM((ch,), jnp.int32),
            pltpu.VMEM((ch,), jnp.int32),
        ],
    )
    def zk(z_hbm, nb_hbm, out_hbm, zv, nbv, ov):
        wid = lax.axis_index("s") * 2 + lax.axis_index("c")
        pltpu.sync_copy(z_hbm, zv)

        def chunk_body(c, carry):
            base = wid * per_w + c * ch
            pltpu.sync_copy(nb_hbm.at[pl.ds(base, ch)], nbv)

            def lane_body(j, carry2):
                idx = nbv[pl.ds(j * 16, 16)]
                ov[pl.ds(j * 16, 16)] = plsc.load_gather(zv, [idx])
                return carry2

            lax.fori_loop(0, ch // 16, lane_body, None)
            pltpu.sync_copy(ov, out_hbm.at[pl.ds(base, ch)])
            return carry

        lax.fori_loop(0, n_ch, chunk_body, None)

    return zk(z, nb)


def _dot(a, b):
    return jnp.dot(a, b, preferred_element_type=_F32)


def _edge_update(e3, gn32, h, ewh, ewe, eb):
    a = _dot(h, ewh) + eb
    lin2 = gn32 + _dot(e3.reshape(_EB, _F).astype(_BF16), ewe.astype(_BF16))
    lin3 = lin2.reshape(_BA, _NBR, _F) + a[:, None, :]
    return e3 + _ssp(lin3)


def _msg_pass(e3, g32, h, fw, fb, nw, nb):
    filt = _ssp(_dot(e3.reshape(_EB, _F).astype(_BF16),
                     fw.astype(_BF16)) + fb)
    msg = g32.reshape(_BA, _NBR, _F) * filt.reshape(_BA, _NBR, _F)
    agg = jnp.sum(msg, axis=1)
    return h + _ssp(_dot(agg, nw) + nb)


def _pack_out(h_new, ewn_next):
    n_new = _dot(h_new, ewn_next)
    hb = lax.bitcast_convert_type(h_new, jnp.uint32)
    nb_ = lax.bitcast_convert_type(n_new, jnp.uint32)
    hr = (hb + jnp.uint32(0x8000)) & jnp.uint32(0xFFFF0000)
    nr = (nb_ + jnp.uint32(0x8000)) >> 16
    return hr | nr


def _p0_body(z_ref, zn_ref, d_ref, emb_ref, fw_ref, fb_ref, nw_ref,
             nb_ref, ewn_ref, h_out_ref, pk_out_ref):
    lanes2 = lax.broadcasted_iota(jnp.int32, (1, _F), 1)
    emb = emb_ref[...]
    oh_a = (z_ref[...] == lanes2).astype(_F32)
    h0 = _dot(oh_a, emb)
    lanes3 = lax.broadcasted_iota(jnp.int32, (1, 1, _F), 2)
    oh_e = (zn_ref[...][:, :, None] == lanes3).astype(_F32)
    g32 = _dot(oh_e.reshape(_EB, _F), emb)
    e3 = _gauss(d_ref[...])
    h_new = _msg_pass(e3, g32, h0, fw_ref[...], fb_ref[...],
                      nw_ref[...], nb_ref[...])
    h_out_ref[...] = h_new
    pk_out_ref[...] = _pack_out(h_new, ewn_ref[...])


def _pmid_body(first, e_ref, g_ref, h_ref,
               ewh_ref, ewe_ref, eb_ref,
               fw_ref, fb_ref, nw_ref, nb_ref, ewn_ref,
               e_out_ref, h_out_ref, pk_out_ref):
    if first:
        e3 = _gauss(e_ref[...])
    else:
        e3 = e_ref[...].astype(_F32).reshape(_BA, _NBR, _F)
    pk = g_ref[...]
    g32 = _unpack_hi(pk)
    gn32 = _unpack_lo(pk)
    h = h_ref[...]
    e_new = _edge_update(e3, gn32, h, ewh_ref[...], ewe_ref[...],
                         eb_ref[...])
    e_out_ref[...] = e_new.reshape(_EB, _F).astype(_BF16)
    h_new = _msg_pass(e_new, g32, h, fw_ref[...], fb_ref[...],
                      nw_ref[...], nb_ref[...])
    h_out_ref[...] = h_new
    pk_out_ref[...] = _pack_out(h_new, ewn_ref[...])


def _pfin_body(e_ref, g_ref, h_ref, u_ref,
               ewh_ref, ewe_ref, eb_ref,
               ow1_ref, ob1_ref, ow2_ref, ob2_ref,
               f_out_ref):
    e3 = e_ref[...].astype(_F32).reshape(_BA, _NBR, _F)
    gn32 = _unpack_lo(g_ref[...])
    e_new = _edge_update(e3, gn32, h_ref[...], ewh_ref[...],
                         ewe_ref[...], eb_ref[...])
    t = _ssp(_dot(e_new.reshape(_EB, _F), ow1_ref[...]) + ob1_ref[...])
    fm = _dot(t, ow2_ref[...]) + ob2_ref[...]
    f_out_ref[...] = jnp.sum(fm.reshape(_BA, _NBR, 1) * u_ref[...], axis=1)


def _spec_w(shape):
    nd = len(shape)
    return pl.BlockSpec(shape, lambda i, _n=nd: (0,) * _n)


_SPEC_D = pl.BlockSpec((_BA, _NBR), lambda i: (i, 0))
_SPEC_E = pl.BlockSpec((_EB, _F), lambda i: (i, 0))
_SPEC_G = pl.BlockSpec((_EB, _F), lambda i: (i, 0))
_SPEC_H = pl.BlockSpec((_BA, _F), lambda i: (i, 0))
_SPEC_PK = pl.BlockSpec((_BA, _F), lambda i: (i, 0))
_SPEC_U = pl.BlockSpec((_BA, _NBR, 3), lambda i: (i, 0, 0))
_SPEC_F = pl.BlockSpec((_BA, 3), lambda i: (i, 0))
_PARAMS = pltpu.CompilerParams(dimension_semantics=("arbitrary",))


_SPEC_Z = pl.BlockSpec((_BA, 1), lambda i: (i, 0))


def _pass0(z2, zn2, d2, emb, fw, fb, nw, nb, ewn_next):
    return pl.pallas_call(
        _p0_body,
        grid=(_NBLK,),
        in_specs=[_SPEC_Z, _SPEC_D, _SPEC_D,
                  _spec_w((_F, _F)),
                  _spec_w((_F, _F)), _spec_w((1, _F)),
                  _spec_w((_F, _F)), _spec_w((1, _F)),
                  _spec_w((_F, _F))],
        out_specs=[_SPEC_H, _SPEC_PK],
        out_shape=[jax.ShapeDtypeStruct((_ATS, _F), _F32),
                   jax.ShapeDtypeStruct((_ATS, _F), jnp.uint32)],
        compiler_params=_PARAMS,
    )(z2, zn2, d2, emb, fw, fb, nw, nb, ewn_next)


def _pass_mid(first, e_in, g, h, ewh, ewe, eb, fw, fb, nw, nb, ewn_next):
    e_spec = _SPEC_D if first else _SPEC_E
    return pl.pallas_call(
        functools.partial(_pmid_body, first),
        grid=(_NBLK,),
        in_specs=[e_spec, _SPEC_G, _SPEC_H,
                  _spec_w((_F, _F)), _spec_w((_F, _F)), _spec_w((1, _F)),
                  _spec_w((_F, _F)), _spec_w((1, _F)),
                  _spec_w((_F, _F)), _spec_w((1, _F)),
                  _spec_w((_F, _F))],
        out_specs=[_SPEC_E, _SPEC_H, _SPEC_PK],
        out_shape=[jax.ShapeDtypeStruct((_ES, _F), _BF16),
                   jax.ShapeDtypeStruct((_ATS, _F), _F32),
                   jax.ShapeDtypeStruct((_ATS, _F), jnp.uint32)],
        compiler_params=_PARAMS,
    )(e_in, g, h, ewh, ewe, eb, fw, fb, nw, nb, ewn_next)


def _pass_fin(e_in, g, h, u3, ewh, ewe, eb, ow1, ob1, ow2, ob2):
    return pl.pallas_call(
        _pfin_body,
        grid=(_NBLK,),
        in_specs=[_SPEC_E, _SPEC_G, _SPEC_H, _SPEC_U,
                  _spec_w((_F, _F)), _spec_w((_F, _F)), _spec_w((1, _F)),
                  _spec_w((_F, _F // 2)), _spec_w((1, _F // 2)),
                  _spec_w((_F // 2, 1)), _spec_w((1, 1))],
        out_specs=_SPEC_F,
        out_shape=jax.ShapeDtypeStruct((_ATS, 3), _F32),
        compiler_params=_PARAMS,
    )(e_in, g, h, u3, ewh, ewe, eb, ow1, ob1, ow2, ob2)


def kernel(Z, distances, neighbors, neighbor_mask, unit_vecs, params):
    del neighbor_mask
    zf = Z.reshape(_AT).astype(jnp.int32)
    nb_flat = neighbors.reshape(_E).astype(jnp.int32)
    d2 = distances.reshape(_AT, _NBR)
    u3 = unit_vecs.reshape(_AT, _NBR, 3)
    ls = params["layers"]

    c = _LOG2E

    def w(l):
        p = ls[l]
        ew = p["ew"] * c
        return (ew[:_F], ew[_F:2 * _F], ew[2 * _F:],
                p["eb"].reshape(1, _F) * c, p["fw"] * c,
                p["fb"].reshape(1, _F) * c,
                p["nw"] * c, p["nb"].reshape(1, _F) * c)

    ewh0, ewn0, ewe0, eb0 = w(0)[:4]
    ewh1, ewn1, ewe1, eb1 = w(1)[:4]
    ewh2, ewn2, ewe2, eb2 = w(2)[:4]
    fw1, fb1, nw1, nb1 = w(1)[4:]
    fw2, fb2, nw2, nb2 = w(2)[4:]

    segs = range(_SEG)
    nbs = [nb_flat[s * _ES:(s + 1) * _ES] for s in segs]
    d2s = [d2[s * _ATS:(s + 1) * _ATS] for s in segs]
    u3s = [u3[s * _ATS:(s + 1) * _ATS] for s in segs]

    zn2 = _sc_zgather(zf, nb_flat).reshape(_AT, _NBR)
    z2 = zf.reshape(_AT, 1)
    emb = jnp.pad(params["embed"], ((0, _F - params["embed"].shape[0]),
                                    (0, 0)))
    z2s = [z2[s * _ATS:(s + 1) * _ATS] for s in segs]
    zn2s = [zn2[s * _ATS:(s + 1) * _ATS] for s in segs]

    h1, pk1 = zip(*[
        _pass0(z2s[s], zn2s[s], d2s[s], emb, ls[0]["fw"] * c,
               ls[0]["fb"].reshape(1, _F) * c, ls[0]["nw"] * c,
               ls[0]["nb"].reshape(1, _F) * c, ewn0)
        for s in segs])

    pk1c = jnp.concatenate(pk1, axis=0)
    g1 = [_sc_gather(pk1c, nbs[s]) for s in segs]
    e1, h2, pk2 = zip(*[
        _pass_mid(True, d2s[s], g1[s], h1[s], ewh0, ewe0, eb0,
                  fw1, fb1, nw1, nb1, ewn1)
        for s in segs])

    pk2c = jnp.concatenate(pk2, axis=0)
    g2 = [_sc_gather(pk2c, nbs[s]) for s in segs]
    e2, h3, pk3 = zip(*[
        _pass_mid(False, e1[s], g2[s], h2[s], ewh1, ewe1, eb1,
                  fw2, fb2, nw2, nb2, ewn2)
        for s in segs])

    pk3c = jnp.concatenate(pk3, axis=0)
    g3 = [_sc_gather(pk3c, nbs[s]) for s in segs]
    forces = [
        _pass_fin(e2[s], g3[s], h3[s], u3s[s], ewh2, ewe2, eb2,
                  params["ow1"] * c, params["ob1"].reshape(1, _F // 2) * c,
                  params["ow2"], params["ob2"].reshape(1, 1))
        for s in segs]
    return jnp.concatenate(forces, axis=0).reshape(1, _AT, 3)

# --- scband reference (transcript-rebuilt; emitter-appended) ---
"""Pipeline reference for scband-gnnff-14216341750499 (READ-ONLY COPY).

The authoritative reference and input builder live on the scoring server;
editing this copy changes nothing except your own understanding.
"""

import jax, jax.numpy as jnp
import numpy as np

B, AT, NBR = 1, 10000, 32
N_NODE, N_EDGE, N_LAYERS = 128, 128, 3
GF_END = 5.5
N_ATOM_TYPES = 100


def ssp(x):
    # shifted softplus activation used by SchNet/GNNFF
    return jnp.logaddexp(x, 0.0) - jnp.log(2.0)


def _dense(key, fi, fo):
    return (jax.random.normal(key, (fi, fo), dtype=jnp.float32) / np.sqrt(fi), jnp.zeros((fo,), dtype=jnp.float32))


def gaussian_filter(d):
    centers = jnp.linspace(0.0, GF_END, N_EDGE)
    width = centers[1] - centers[0]
    return jnp.exp(-0.5 * ((d[..., None] - centers) / width) ** 2)


def setup_inputs(seed: int = 0) -> dict:
    key = jax.random.key(seed)
    ks = jax.random.split(key, 20)
    Z = jax.random.randint(ks[0], (B, AT), 0, N_ATOM_TYPES)
    distances = jax.random.uniform(ks[1], (B, AT, NBR), dtype=jnp.float32)
    neighbors = jax.random.randint(ks[2], (B, AT, NBR), 0, AT)
    neighbor_mask = jnp.ones((B, AT, NBR), dtype=jnp.float32)
    unit_vecs = jax.random.normal(ks[3], (B, AT, NBR, 3), dtype=jnp.float32)
    layers = []
    ki = 4
    for l in range(N_LAYERS):
        fw, fb = _dense(ks[ki], N_EDGE, N_NODE); ki += 1
        nw, nb = _dense(ks[ki], N_NODE, N_NODE); ki += 1
        ew, eb = _dense(ks[ki], 2 * N_NODE + N_EDGE, N_EDGE); ki += 1
        layers.append({"fw": fw, "fb": fb, "nw": nw, "nb": nb, "ew": ew, "eb": eb})
    ow1, ob1 = _dense(ks[ki], N_EDGE, N_EDGE // 2); ki += 1
    ow2, ob2 = _dense(ks[ki], N_EDGE // 2, 1); ki += 1
    embed = jax.random.normal(ks[ki], (N_ATOM_TYPES, N_NODE), dtype=jnp.float32) * 0.1
    params = {"embed": embed, "layers": layers, "ow1": ow1, "ob1": ob1, "ow2": ow2, "ob2": ob2}
    return {"Z": Z, "distances": distances, "neighbors": neighbors, "neighbor_mask": neighbor_mask, "unit_vecs": unit_vecs, "params": params}


def _gather(h, neighbors):
    # h: [B, At, F], neighbors: [B, At, Nbr] -> [B, At, Nbr, F]
    return jax.vmap(lambda hh, nb: hh[nb])(h, neighbors)


def _forward(Z, distances, neighbors, neighbor_mask, unit_vecs, params):
    h = params["embed"][Z]                      # node embedding [B, At, Fn]
    e = gaussian_filter(distances)               # edge embedding [B, At, Nbr, Fe]
    mask = neighbor_mask[..., None]
    for l in range(N_LAYERS):
        p = params["layers"][l]
        nbr_h = _gather(h, neighbors)
        filt = ssp(e @ p["fw"] + p["fb"])
        msg = nbr_h * filt * mask
        agg = jnp.sum(msg, axis=2)
        h = h + ssp(agg @ p["nw"] + p["nb"])
        nbr_h2 = _gather(h, neighbors)
        hi = jnp.broadcast_to(h[:, :, None, :], nbr_h2.shape)
        cat = jnp.concatenate([hi, nbr_h2, e], axis=-1)
        e = e + ssp(cat @ p["ew"] + p["eb"]) * mask
    # ForceMagnitudeMapping: 2-layer MLP on edge embedding -> scalar per edge
    fm = ssp(e @ params["ow1"] + params["ob1"]) @ params["ow2"] + params["ob2"]  # [B, At, Nbr, 1]
    forces = jnp.sum(fm * unit_vecs, axis=2)     # broadcast to 3 dims, sum over neighbors -> [B, At, 3]
    return forces


def reference(Z, distances, neighbors, neighbor_mask, unit_vecs, params):
    return _forward(Z, distances, neighbors, neighbor_mask, unit_vecs, params)

if __name__ == "__main__":
    import jax
    _d = setup_inputs()
    print(jax.jit(kernel)(*tuple(_d.values())))

</pallas_src>

<mosaic_0001>
#map = affine_map<(d0, d1) -> (0, 0)>
#map1 = affine_map<(d0, d1) -> (0)>
module attributes {stable_mosaic.version = 14 : i64} {
  func.func @gk(%arg0: i32, %arg1: i32, %arg2: memref<10000x128xi32, #tpu.memory_space<hbm>>, %arg3: memref<160000xi32, #tpu.memory_space<hbm>>, %arg4: memref<160000x128xi32, #tpu.memory_space<hbm>>, %arg5: memref<128xi32, #tpu.memory_space<vmem>>, %arg6: memref<128xi32, #tpu.memory_space<vmem>>, %arg7: memref<128x128xi32, #tpu.memory_space<vmem>>, %arg8: memref<128x128xi32, #tpu.memory_space<vmem>>, %arg9: memref<!tpu.dma_semaphore, #tpu.memory_space<semaphore_mem>>, %arg10: memref<!tpu.dma_semaphore, #tpu.memory_space<semaphore_mem>>) attributes {dimension_semantics = [#tpu.dimension_semantics<core_parallel>, #tpu.dimension_semantics<subcore_parallel>], iteration_bounds = array<i64: 2, 16>, scalar_prefetch = 0 : i64, scratch_operands = 6 : i64, tpu.core_type = #tpu.core_type<sc_vector_subcore>, window_params = [{transform_indices = #map}, {transform_indices = #map1}, {transform_indices = #map}]} {
    %mul3A = arith.constant 2 : i32
    %mul3A_0 = arith.muli %arg1, %mul3A : i32
    %add3A = arith.addi %mul3A_0, %arg0 : i32
    %mul3A_1 = arith.constant 40 : i32
    %mul3A_2 = arith.muli %add3A, %mul3A_1 : i32
    %sub3A = arith.constant 1250 : i32
    %sub3A_3 = arith.subi %sub3A, %mul3A_2 : i32
    %jit3A = arith.constant 0 : i32
    %jit3A_4 = arith.constant 40 : i32
    %max3A = arith.maxsi %jit3A, %sub3A_3 : i32
    %min3A = arith.minsi %jit3A_4, %max3A : i32
    %gt3A = arith.constant 0 : i32
    %gt3A_5 = arith.cmpi sgt, %min3A, %gt3A : i32
    %convert_element_type3A = arith.extui %gt3A_5 : i1 to i32
    %cond3A = arith.constant 0 : i32
    %cond3A_6 = arith.cmpi ne, %convert_element_type3A, %cond3A : i32
    scf.if %cond3A_6 {
      %mul3A_11 = arith.constant 40 : i32
      %mul3A_12 = arith.muli %add3A, %mul3A_11 : i32
      %add3A_13 = arith.constant 0 : i32
      %add3A_14 = arith.addi %mul3A_12, %add3A_13 : i32
      %mul3A_15 = arith.constant 128 : i32
      %mul3A_16 = arith.muli %add3A_14, %mul3A_15 : i32
      "tpu.region"() ({
        %run_scoped3A = tpu.sem_alloc : memref<!tpu.dma_semaphore, #tpu.memory_space<semaphore_mem>>
        %dma_start3A_19 = tpu.memref_slice %arg3[%mul3A_16] : memref<160000xi32, #tpu.memory_space<hbm>> -> memref<128xi32, #tpu.memory_space<hbm>>
        %dma_start3A_20 = tpu.memref_slice %arg3[%mul3A_16] : memref<160000xi32, #tpu.memory_space<hbm>> -> memref<128xi32, #tpu.memory_space<hbm>>
        tpu.enqueue_dma source(%dma_start3A_20 : memref<128xi32, #tpu.memory_space<hbm>>) target(%arg5 : memref<128xi32, #tpu.memory_space<vmem>>) target_semaphore(%run_scoped3A : memref<!tpu.dma_semaphore, #tpu.memory_space<semaphore_mem>>)
        %dma_wait3A = tpu.memref_slice %arg3[%mul3A_16] : memref<160000xi32, #tpu.memory_space<hbm>> -> memref<128xi32, #tpu.memory_space<hbm>>
        %dma_wait3A_21 = tpu.memref_slice %arg3[%mul3A_16] : memref<160000xi32, #tpu.memory_space<hbm>> -> memref<128xi32, #tpu.memory_space<hbm>>
        tpu.wait_dma2 semaphore(%run_scoped3A : memref<!tpu.dma_semaphore, #tpu.memory_space<semaphore_mem>>) src(%dma_wait3A_21 : memref<128xi32, #tpu.memory_space<hbm>>) dst(%arg5 : memref<128xi32, #tpu.memory_space<vmem>>)
        tpu.yield
      }) : () -> ()
      %dma_start3A = arith.constant 0 : i32
      %dma_start3A_17 = arith.constant 0 : i32
      %dma_start3A_18 = tpu.memref_slice %arg2[%dma_start3A, %dma_start3A_17] : memref<10000x128xi32, #tpu.memory_space<hbm>> -> memref<10000x128xi32, #tpu.memory_space<hbm>>
      tpu.enqueue_indirect_dma source(%dma_start3A_18 : memref<10000x128xi32, #tpu.memory_space<hbm>>) target(%arg7 : memref<128x128xi32, #tpu.memory_space<vmem>>) offsets(%arg5 : memref<128xi32, #tpu.memory_space<vmem>>) semaphore(%arg9 : memref<!tpu.dma_semaphore, #tpu.memory_space<semaphore_mem>>)
    } else {
    }
    %scan3A = arith.constant 0 : i32
    %scan3A_7 = arith.constant 40 : i32
    %scan3A_8 = arith.addi %scan3A, %scan3A_7 : i32
    %scan3A_9 = arith.constant 1 : i32
    scf.for %scan3A_11 = %scan3A to %scan3A_8 step %scan3A_9  : i32 {
      %lt3A = arith.cmpi slt, %scan3A_11, %min3A : i32
      %convert_element_type3A_12 = arith.extui %lt3A : i1 to i32
      %cond3A_13 = arith.constant 0 : i32
      %cond3A_14 = arith.cmpi ne, %convert_element_type3A_12, %cond3A_13 : i32
      scf.if %cond3A_14 {
        %jit3A_15 = arith.constant 2 : i32
        %eq3A = arith.constant 0 : i32
        %eq3A_16 = arith.cmpi eq, %jit3A_15, %eq3A : i32
        %jit3A_17 = arith.constant 1 : i32
        %select_n3A = arith.select %eq3A_16, %jit3A_17, %jit3A_15 : i32
        %rem3A = arith.remsi %scan3A_11, %select_n3A : i32
        %ne3A = arith.constant 0 : i32
        %ne3A_18 = arith.cmpi ne, %rem3A, %ne3A : i32
        %lt3A_19 = arith.constant 0 : i32
        %lt3A_20 = arith.cmpi slt, %rem3A, %lt3A_19 : i32
        %lt3A_21 = arith.constant 0 : i32
        %lt3A_22 = arith.cmpi slt, %select_n3A, %lt3A_21 : i32
        %ne3A_23 = arith.xori %lt3A_20, %lt3A_22 : i1
        %and3A = arith.andi %ne3A_23, %ne3A_18 : i1
        %add3A_24 = arith.addi %rem3A, %select_n3A : i32
        %select_n3A_25 = arith.select %and3A, %add3A_24, %rem3A : i32
        %eq3A_26 = arith.constant 0 : i32
        %eq3A_27 = arith.cmpi eq, %select_n3A_25, %eq3A_26 : i32
        %convert_element_type3A_28 = arith.extui %eq3A_27 : i1 to i32
        %cond3A_29 = arith.constant 0 : i32
        %cond3A_30 = arith.cmpi ne, %convert_element_type3A_28, %cond3A_29 : i32
        scf.if %cond3A_30 {
          %add3A_52 = arith.constant 1 : i32
          %add3A_53 = arith.addi %scan3A_11, %add3A_52 : i32
          %lt3A_54 = arith.cmpi slt, %add3A_53, %min3A : i32
          %convert_element_type3A_55 = arith.extui %lt3A_54 : i1 to i32
          %cond3A_56 = arith.constant 0 : i32
          %cond3A_57 = arith.cmpi ne, %convert_element_type3A_55, %cond3A_56 : i32
          scf.if %cond3A_57 {
            %add3A_65 = arith.constant 1 : i32
            %add3A_66 = arith.addi %scan3A_11, %add3A_65 : i32
            %mul3A_67 = arith.constant 40 : i32
            %mul3A_68 = arith.muli %add3A, %mul3A_67 : i32
            %add3A_69 = arith.addi %mul3A_68, %add3A_66 : i32
            %mul3A_70 = arith.constant 128 : i32
            %mul3A_71 = arith.muli %add3A_69, %mul3A_70 : i32
            "tpu.region"() ({
              %run_scoped3A = tpu.sem_alloc : memref<!tpu.dma_semaphore, #tpu.memory_space<semaphore_mem>>
              %dma_start3A_74 = tpu.memref_slice %arg3[%mul3A_71] : memref<160000xi32, #tpu.memory_space<hbm>> -> memref<128xi32, #tpu.memory_space<hbm>>
              %dma_start3A_75 = tpu.memref_slice %arg3[%mul3A_71] : memref<160000xi32, #tpu.memory_space<hbm>> -> memref<128xi32, #tpu.memory_space<hbm>>
              tpu.enqueue_dma source(%dma_start3A_75 : memref<128xi32, #tpu.memory_space<hbm>>) target(%arg6 : memref<128xi32, #tpu.memory_space<vmem>>) target_semaphore(%run_scoped3A : memref<!tpu.dma_semaphore, #tpu.memory_space<semaphore_mem>>)
              %dma_wait3A_76 = tpu.memref_slice %arg3[%mul3A_71] : memref<160000xi32, #tpu.memory_space<hbm>> -> memref<128xi32, #tpu.memory_space<hbm>>
              %dma_wait3A_77 = tpu.memref_slice %arg3[%mul3A_71] : memref<160000xi32, #tpu.memory_space<hbm>> -> memref<128xi32, #tpu.memory_space<hbm>>
              tpu.wait_dma2 semaphore(%run_scoped3A : memref<!tpu.dma_semaphore, #tpu.memory_space<semaphore_mem>>) src(%dma_wait3A_77 : memref<128xi32, #tpu.memory_space<hbm>>) dst(%arg6 : memref<128xi32, #tpu.memory_space<vmem>>)
              tpu.yield
            }) : () -> ()
            %dma_start3A = arith.constant 0 : i32
            %dma_start3A_72 = arith.constant 0 : i32
            %dma_start3A_73 = tpu.memref_slice %arg2[%dma_start3A, %dma_start3A_72] : memref<10000x128xi32, #tpu.memory_space<hbm>> -> memref<10000x128xi32, #tpu.memory_space<hbm>>
            tpu.enqueue_indirect_dma source(%dma_start3A_73 : memref<10000x128xi32, #tpu.memory_space<hbm>>) target(%arg8 : memref<128x128xi32, #tpu.memory_space<vmem>>) offsets(%arg6 : memref<128xi32, #tpu.memory_space<vmem>>) semaphore(%arg10 : memref<!tpu.dma_semaphore, #tpu.memory_space<semaphore_mem>>)
          } else {
          }
          %dma_wait3A = arith.constant 0 : i32
          %dma_wait3A_58 = arith.constant 0 : i32
          %dma_wait3A_59 = tpu.memref_slice %arg2[%dma_wait3A, %dma_wait3A_58] : memref<10000x128xi32, #tpu.memory_space<hbm>> -> memref<10000x128xi32, #tpu.memory_space<hbm>>
          tpu.wait_indirect_dma semaphore(%arg9 : memref<!tpu.dma_semaphore, #tpu.memory_space<semaphore_mem>>) src(%dma_wait3A_59 : memref<10000x128xi32, #tpu.memory_space<hbm>>) dst(%arg7 : memref<128x128xi32, #tpu.memory_space<vmem>>)
          %mul3A_60 = arith.constant 40 : i32
          %mul3A_61 = arith.muli %add3A, %mul3A_60 : i32
          %add3A_62 = arith.addi %mul3A_61, %scan3A_11 : i32
          %mul3A_63 = arith.constant 128 : i32
          %mul3A_64 = arith.muli %add3A_62, %mul3A_63 : i32
          "tpu.region"() ({
            %run_scoped3A = tpu.sem_alloc : memref<!tpu.dma_semaphore, #tpu.memory_space<semaphore_mem>>
            %dma_start3A = arith.constant 0 : i32
            %dma_start3A_65 = tpu.memref_slice %arg4[%mul3A_64, %dma_start3A] : memref<160000x128xi32, #tpu.memory_space<hbm>> -> memref<128x128xi32, #tpu.memory_space<hbm>>
            %dma_start3A_66 = arith.constant 0 : i32
            %dma_start3A_67 = tpu.memref_slice %arg4[%mul3A_64, %dma_start3A_66] : memref<160000x128xi32, #tpu.memory_space<hbm>> -> memref<128x128xi32, #tpu.memory_space<hbm>>
            tpu.enqueue_dma source(%arg7 : memref<128x128xi32, #tpu.memory_space<vmem>>) target(%dma_start3A_67 : memref<128x128xi32, #tpu.memory_space<hbm>>) target_semaphore(%run_scoped3A : memref<!tpu.dma_semaphore, #tpu.memory_space<semaphore_mem>>)
            %dma_wait3A_68 = arith.constant 0 : i32
            %dma_wait3A_69 = tpu.memref_slice %arg4[%mul3A_64, %dma_wait3A_68] : memref<160000x128xi32, #tpu.memory_space<hbm>> -> memref<128x128xi32, #tpu.memory_space<hbm>>
            %dma_wait3A_70 = arith.constant 0 : i32
            %dma_wait3A_71 = tpu.memref_slice %arg4[%mul3A_64, %dma_wait3A_70] : memref<160000x128xi32, #tpu.memory_space<hbm>> -> memref<128x128xi32, #tpu.memory_space<hbm>>
            tpu.wait_dma2 semaphore(%run_scoped3A : memref<!tpu.dma_semaphore, #tpu.memory_space<semaphore_mem>>) src(%arg7 : memref<128x128xi32, #tpu.memory_space<vmem>>) dst(%dma_wait3A_71 : memref<128x128xi32, #tpu.memory_space<hbm>>)
            tpu.yield
          }) : () -> ()
        } else {
        }
        %jit3A_31 = arith.constant 2 : i32
        %eq3A_32 = arith.constant 0 : i32
        %eq3A_33 = arith.cmpi eq, %jit3A_31, %eq3A_32 : i32
        %jit3A_34 = arith.constant 1 : i32
        %select_n3A_35 = arith.select %eq3A_33, %jit3A_34, %jit3A_31 : i32
        %rem3A_36 = arith.remsi %scan3A_11, %select_n3A_35 : i32
        %ne3A_37 = arith.constant 0 : i32
        %ne3A_38 = arith.cmpi ne, %rem3A_36, %ne3A_37 : i32
        %lt3A_39 = arith.constant 0 : i32
        %lt3A_40 = arith.cmpi slt, %rem3A_36, %lt3A_39 : i32
        %lt3A_41 = arith.constant 0 : i32
        %lt3A_42 = arith.cmpi slt, %select_n3A_35, %lt3A_41 : i32
        %ne3A_43 = arith.xori %lt3A_40, %lt3A_42 : i1
        %and3A_44 = arith.andi %ne3A_43, %ne3A_38 : i1
        %add3A_45 = arith.addi %rem3A_36, %select_n3A_35 : i32
        %select_n3A_46 = arith.select %and3A_44, %add3A_45, %rem3A_36 : i32
        %eq3A_47 = arith.constant 1 : i32
        %eq3A_48 = arith.cmpi eq, %select_n3A_46, %eq3A_47 : i32
        %convert_element_type3A_49 = arith.extui %eq3A_48 : i1 to i32
        %cond3A_50 = arith.constant 0 : i32
        %cond3A_51 = arith.cmpi ne, %convert_element_type3A_49, %cond3A_50 : i32
        scf.if %cond3A_51 {
          %add3A_52 = arith.constant 1 : i32
          %add3A_53 = arith.addi %scan3A_11, %add3A_52 : i32
          %lt3A_54 = arith.cmpi slt, %add3A_53, %min3A : i32
          %convert_element_type3A_55 = arith.extui %lt3A_54 : i1 to i32
          %cond3A_56 = arith.constant 0 : i32
          %cond3A_57 = arith.cmpi ne, %convert_element_type3A_55, %cond3A_56 : i32
          scf.if %cond3A_57 {
            %add3A_65 = arith.constant 1 : i32
            %add3A_66 = arith.addi %scan3A_11, %add3A_65 : i32
            %mul3A_67 = arith.constant 40 : i32
            %mul3A_68 = arith.muli %add3A, %mul3A_67 : i32
            %add3A_69 = arith.addi %mul3A_68, %add3A_66 : i32
            %mul3A_70 = arith.constant 128 : i32
            %mul3A_71 = arith.muli %add3A_69, %mul3A_70 : i32
            "tpu.region"() ({
              %run_scoped3A = tpu.sem_alloc : memref<!tpu.dma_semaphore, #tpu.memory_space<semaphore_mem>>
              %dma_start3A_74 = tpu.memref_slice %arg3[%mul3A_71] : memref<160000xi32, #tpu.memory_space<hbm>> -> memref<128xi32, #tpu.memory_space<hbm>>
              %dma_start3A_75 = tpu.memref_slice %arg3[%mul3A_71] : memref<160000xi32, #tpu.memory_space<hbm>> -> memref<128xi32, #tpu.memory_space<hbm>>
              tpu.enqueue_dma source(%dma_start3A_75 : memref<128xi32, #tpu.memory_space<hbm>>) target(%arg5 : memref<128xi32, #tpu.memory_space<vmem>>) target_semaphore(%run_scoped3A : memref<!tpu.dma_semaphore, #tpu.memory_space<semaphore_mem>>)
              %dma_wait3A_76 = tpu.memref_slice %arg3[%mul3A_71] : memref<160000xi32, #tpu.memory_space<hbm>> -> memref<128xi32, #tpu.memory_space<hbm>>
              %dma_wait3A_77 = tpu.memref_slice %arg3[%mul3A_71] : memref<160000xi32, #tpu.memory_space<hbm>> -> memref<128xi32, #tpu.memory_space<hbm>>
              tpu.wait_dma2 semaphore(%run_scoped3A : memref<!tpu.dma_semaphore, #tpu.memory_space<semaphore_mem>>) src(%dma_wait3A_77 : memref<128xi32, #tpu.memory_space<hbm>>) dst(%arg5 : memref<128xi32, #tpu.memory_space<vmem>>)
              tpu.yield
            }) : () -> ()
            %dma_start3A = arith.constant 0 : i32
            %dma_start3A_72 = arith.constant 0 : i32
            %dma_start3A_73 = tpu.memref_slice %arg2[%dma_start3A, %dma_start3A_72] : memref<10000x128xi32, #tpu.memory_space<hbm>> -> memref<10000x128xi32, #tpu.memory_space<hbm>>
            tpu.enqueue_indirect_dma source(%dma_start3A_73 : memref<10000x128xi32, #tpu.memory_space<hbm>>) target(%arg7 : memref<128x128xi32, #tpu.memory_space<vmem>>) offsets(%arg5 : memref<128xi32, #tpu.memory_space<vmem>>) semaphore(%arg9 : memref<!tpu.dma_semaphore, #tpu.memory_space<semaphore_mem>>)
          } else {
          }
          %dma_wait3A = arith.constant 0 : i32
          %dma_wait3A_58 = arith.constant 0 : i32
          %dma_wait3A_59 = tpu.memref_slice %arg2[%dma_wait3A, %dma_wait3A_58] : memref<10000x128xi32, #tpu.memory_space<hbm>> -> memref<10000x128xi32, #tpu.memory_space<hbm>>
          tpu.wait_indirect_dma semaphore(%arg10 : memref<!tpu.dma_semaphore, #tpu.memory_space<semaphore_mem>>) src(%dma_wait3A_59 : memref<10000x128xi32, #tpu.memory_space<hbm>>) dst(%arg8 : memref<128x128xi32, #tpu.memory_space<vmem>>)
          %mul3A_60 = arith.constant 40 : i32
          %mul3A_61 = arith.muli %add3A, %mul3A_60 : i32
          %add3A_62 = arith.addi %mul3A_61, %scan3A_11 : i32
          %mul3A_63 = arith.constant 128 : i32
          %mul3A_64 = arith.muli %add3A_62, %mul3A_63 : i32
          "tpu.region"() ({
            %run_scoped3A = tpu.sem_alloc : memref<!tpu.dma_semaphore, #tpu.memory_space<semaphore_mem>>
            %dma_start3A = arith.constant 0 : i32
            %dma_start3A_65 = tpu.memref_slice %arg4[%mul3A_64, %dma_start3A] : memref<160000x128xi32, #tpu.memory_space<hbm>> -> memref<128x128xi32, #tpu.memory_space<hbm>>
            %dma_start3A_66 = arith.constant 0 : i32
            %dma_start3A_67 = tpu.memref_slice %arg4[%mul3A_64, %dma_start3A_66] : memref<160000x128xi32, #tpu.memory_space<hbm>> -> memref<128x128xi32, #tpu.memory_space<hbm>>
            tpu.enqueue_dma source(%arg8 : memref<128x128xi32, #tpu.memory_space<vmem>>) target(%dma_start3A_67 : memref<128x128xi32, #tpu.memory_space<hbm>>) target_semaphore(%run_scoped3A : memref<!tpu.dma_semaphore, #tpu.memory_space<semaphore_mem>>)
            %dma_wait3A_68 = arith.constant 0 : i32
            %dma_wait3A_69 = tpu.memref_slice %arg4[%mul3A_64, %dma_wait3A_68] : memref<160000x128xi32, #tpu.memory_space<hbm>> -> memref<128x128xi32, #tpu.memory_space<hbm>>
            %dma_wait3A_70 = arith.constant 0 : i32
            %dma_wait3A_71 = tpu.memref_slice %arg4[%mul3A_64, %dma_wait3A_70] : memref<160000x128xi32, #tpu.memory_space<hbm>> -> memref<128x128xi32, #tpu.memory_space<hbm>>
            tpu.wait_dma2 semaphore(%run_scoped3A : memref<!tpu.dma_semaphore, #tpu.memory_space<semaphore_mem>>) src(%arg8 : memref<128x128xi32, #tpu.memory_space<vmem>>) dst(%dma_wait3A_71 : memref<128x128xi32, #tpu.memory_space<hbm>>)
            tpu.yield
          }) : () -> ()
        } else {
        }
      } else {
      }
    }
    %scan3A_10 = arith.constant 40 : i32
    return
  }
}

#map = affine_map<(d0, d1) -> (0, 0)>
#map1 = affine_map<(d0, d1) -> (0)>
module attributes {stable_mosaic.version = 14 : i64} {
  func.func @gk(%arg0: i32, %arg1: i32, %arg2: memref<10000x128xi32, #tpu.memory_space<hbm>>, %arg3: memref<160000xi32, #tpu.memory_space<hbm>>, %arg4: memref<160000x128xi32, #tpu.memory_space<hbm>>, %arg5: memref<128xi32, #tpu.memory_space<vmem>>, %arg6: memref<128xi32, #tpu.memory_space<vmem>>, %arg7: memref<128x128xi32, #tpu.memory_space<vmem>>, %arg8: memref<128x128xi32, #tpu.memory_space<vmem>>, %arg9: memref<!tpu.dma_semaphore, #tpu.memory_space<semaphore_mem>>, %arg10: memref<!tpu.dma_semaphore, #tpu.memory_space<semaphore_mem>>) attributes {dimension_semantics = [#tpu.dimension_semantics<core_parallel>, #tpu.dimension_semantics<subcore_parallel>], iteration_bounds = array<i64: 2, 16>, scalar_prefetch = 0 : i64, scratch_operands = 6 : i64, tpu.core_type = #tpu.core_type<sc_vector_subcore>, window_params = [{transform_indices = #map}, {transform_indices = #map1}, {transform_indices = #map}]} {
    %mul3A = arith.constant 2 : i32
    %mul3A_0 = arith.muli %arg1, %mul3A : i32
    %add3A = arith.addi %mul3A_0, %arg0 : i32
    %mul3A_1 = arith.constant 40 : i32
    %mul3A_2 = arith.muli %add3A, %mul3A_1 : i32
    %sub3A = arith.constant 1250 : i32
    %sub3A_3 = arith.subi %sub3A, %mul3A_2 : i32
    %jit3A = arith.constant 0 : i32
    %jit3A_4 = arith.constant 40 : i32
    %max3A = arith.maxsi %jit3A, %sub3A_3 : i32
    %min3A = arith.minsi %jit3A_4, %max3A : i32
    %gt3A = arith.constant 0 : i32
    %gt3A_5 = arith.cmpi sgt, %min3A, %gt3A : i32
    %convert_element_type3A = arith.extui %gt3A_5 : i1 to i32
    %cond3A = arith.constant 0 : i32
    %cond3A_6 = arith.cmpi ne, %convert_element_type3A, %cond3A : i32
    scf.if %cond3A_6 {
      %mul3A_11 = arith.constant 40 : i32
      %mul3A_12 = arith.muli %add3A, %mul3A_11 : i32
      %add3A_13 = arith.constant 0 : i32
      %add3A_14 = arith.addi %mul3A_12, %add3A_13 : i32
      %mul3A_15 = arith.constant 128 : i32
      %mul3A_16 = arith.muli %add3A_14, %mul3A_15 : i32
      "tpu.region"() ({
        %run_scoped3A = tpu.sem_alloc : memref<!tpu.dma_semaphore, #tpu.memory_space<semaphore_mem>>
        %dma_start3A_19 = tpu.memref_slice %arg3[%mul3A_16] : memref<160000xi32, #tpu.memory_space<hbm>> -> memref<128xi32, #tpu.memory_space<hbm>>
        %dma_start3A_20 = tpu.memref_slice %arg3[%mul3A_16] : memref<160000xi32, #tpu.memory_space<hbm>> -> memref<128xi32, #tpu.memory_space<hbm>>
        tpu.enqueue_dma source(%dma_start3A_20 : memref<128xi32, #tpu.memory_space<hbm>>) target(%arg5 : memref<128xi32, #tpu.memory_space<vmem>>) target_semaphore(%run_scoped3A : memref<!tpu.dma_semaphore, #tpu.memory_space<semaphore_mem>>)
        %dma_wait3A = tpu.memref_slice %arg3[%mul3A_16] : memref<160000xi32, #tpu.memory_space<hbm>> -> memref<128xi32, #tpu.memory_space<hbm>>
        %dma_wait3A_21 = tpu.memref_slice %arg3[%mul3A_16] : memref<160000xi32, #tpu.memory_space<hbm>> -> memref<128xi32, #tpu.memory_space<hbm>>
        tpu.wait_dma2 semaphore(%run_scoped3A : memref<!tpu.dma_semaphore, #tpu.memory_space<semaphore_mem>>) src(%dma_wait3A_21 : memref<128xi32, #tpu.memory_space<hbm>>) dst(%arg5 : memref<128xi32, #tpu.memory_space<vmem>>)
        tpu.yield
      }) : () -> ()
      %dma_start3A = arith.constant 0 : i32
      %dma_start3A_17 = arith.constant 0 : i32
      %dma_start3A_18 = tpu.memref_slice %arg2[%dma_start3A, %dma_start3A_17] : memref<10000x128xi32, #tpu.memory_space<hbm>> -> memref<10000x128xi32, #tpu.memory_space<hbm>>
      tpu.enqueue_indirect_dma source(%dma_start3A_18 : memref<10000x128xi32, #tpu.memory_space<hbm>>) target(%arg7 : memref<128x128xi32, #tpu.memory_space<vmem>>) offsets(%arg5 : memref<128xi32, #tpu.memory_space<vmem>>) semaphore(%arg9 : memref<!tpu.dma_semaphore, #tpu.memory_space<semaphore_mem>>)
    } else {
    }
    %scan3A = arith.constant 0 : i32
    %scan3A_7 = arith.constant 40 : i32
    %scan3A_8 = arith.addi %scan3A, %scan3A_7 : i32
    %scan3A_9 = arith.constant 1 : i32
    scf.for %scan3A_11 = %scan3A to %scan3A_8 step %scan3A_9  : i32 {
      %lt3A = arith.cmpi slt, %scan3A_11, %min3A : i32
      %convert_element_type3A_12 = arith.extui %lt3A : i1 to i32
      %cond3A_13 = arith.constant 0 : i32
      %cond3A_14 = arith.cmpi ne, %convert_element_type3A_12, %cond3A_13 : i32
      scf.if %cond3A_14 {
        %jit3A_15 = arith.constant 2 : i32
        %eq3A = arith.constant 0 : i32
        %eq3A_16 = arith.cmpi eq, %jit3A_15, %eq3A : i32
        %jit3A_17 = arith.constant 1 : i32
        %select_n3A = arith.select %eq3A_16, %jit3A_17, %jit3A_15 : i32
        %rem3A = arith.remsi %scan3A_11, %select_n3A : i32
        %ne3A = arith.constant 0 : i32
        %ne3A_18 = arith.cmpi ne, %rem3A, %ne3A : i32
        %lt3A_19 = arith.constant 0 : i32
        %lt3A_20 = arith.cmpi slt, %rem3A, %lt3A_19 : i32
        %lt3A_21 = arith.constant 0 : i32
        %lt3A_22 = arith.cmpi slt, %select_n3A, %lt3A_21 : i32
        %ne3A_23 = arith.xori %lt3A_20, %lt3A_22 : i1
        %and3A = arith.andi %ne3A_23, %ne3A_18 : i1
        %add3A_24 = arith.addi %rem3A, %select_n3A : i32
        %select_n3A_25 = arith.select %and3A, %add3A_24, %rem3A : i32
        %eq3A_26 = arith.constant 0 : i32
        %eq3A_27 = arith.cmpi eq, %select_n3A_25, %eq3A_26 : i32
        %convert_element_type3A_28 = arith.extui %eq3A_27 : i1 to i32
        %cond3A_29 = arith.constant 0 : i32
        %cond3A_30 = arith.cmpi ne, %convert_element_type3A_28, %cond3A_29 : i32
        scf.if %cond3A_30 {
          %add3A_52 = arith.constant 1 : i32
          %add3A_53 = arith.addi %scan3A_11, %add3A_52 : i32
          %lt3A_54 = arith.cmpi slt, %add3A_53, %min3A : i32
          %convert_element_type3A_55 = arith.extui %lt3A_54 : i1 to i32
          %cond3A_56 = arith.constant 0 : i32
          %cond3A_57 = arith.cmpi ne, %convert_element_type3A_55, %cond3A_56 : i32
          scf.if %cond3A_57 {
            %add3A_65 = arith.constant 1 : i32
            %add3A_66 = arith.addi %scan3A_11, %add3A_65 : i32
            %mul3A_67 = arith.constant 40 : i32
            %mul3A_68 = arith.muli %add3A, %mul3A_67 : i32
            %add3A_69 = arith.addi %mul3A_68, %add3A_66 : i32
            %mul3A_70 = arith.constant 128 : i32
            %mul3A_71 = arith.muli %add3A_69, %mul3A_70 : i32
            "tpu.region"() ({
              %run_scoped3A = tpu.sem_alloc : memref<!tpu.dma_semaphore, #tpu.memory_space<semaphore_mem>>
              %dma_start3A_74 = tpu.memref_slice %arg3[%mul3A_71] : memref<160000xi32, #tpu.memory_space<hbm>> -> memref<128xi32, #tpu.memory_space<hbm>>
              %dma_start3A_75 = tpu.memref_slice %arg3[%mul3A_71] : memref<160000xi32, #tpu.memory_space<hbm>> -> memref<128xi32, #tpu.memory_space<hbm>>
              tpu.enqueue_dma source(%dma_start3A_75 : memref<128xi32, #tpu.memory_space<hbm>>) target(%arg6 : memref<128xi32, #tpu.memory_space<vmem>>) target_semaphore(%run_scoped3A : memref<!tpu.dma_semaphore, #tpu.memory_space<semaphore_mem>>)
              %dma_wait3A_76 = tpu.memref_slice %arg3[%mul3A_71] : memref<160000xi32, #tpu.memory_space<hbm>> -> memref<128xi32, #tpu.memory_space<hbm>>
              %dma_wait3A_77 = tpu.memref_slice %arg3[%mul3A_71] : memref<160000xi32, #tpu.memory_space<hbm>> -> memref<128xi32, #tpu.memory_space<hbm>>
              tpu.wait_dma2 semaphore(%run_scoped3A : memref<!tpu.dma_semaphore, #tpu.memory_space<semaphore_mem>>) src(%dma_wait3A_77 : memref<128xi32, #tpu.memory_space<hbm>>) dst(%arg6 : memref<128xi32, #tpu.memory_space<vmem>>)
              tpu.yield
            }) : () -> ()
            %dma_start3A = arith.constant 0 : i32
            %dma_start3A_72 = arith.constant 0 : i32
            %dma_start3A_73 = tpu.memref_slice %arg2[%dma_start3A, %dma_start3A_72] : memref<10000x128xi32, #tpu.memory_space<hbm>> -> memref<10000x128xi32, #tpu.memory_space<hbm>>
            tpu.enqueue_indirect_dma source(%dma_start3A_73 : memref<10000x128xi32, #tpu.memory_space<hbm>>) target(%arg8 : memref<128x128xi32, #tpu.memory_space<vmem>>) offsets(%arg6 : memref<128xi32, #tpu.memory_space<vmem>>) semaphore(%arg10 : memref<!tpu.dma_semaphore, #tpu.memory_space<semaphore_mem>>)
          } else {
          }
          %dma_wait3A = arith.constant 0 : i32
          %dma_wait3A_58 = arith.constant 0 : i32
          %dma_wait3A_59 = tpu.memref_slice %arg2[%dma_wait3A, %dma_wait3A_58] : memref<10000x128xi32, #tpu.memory_space<hbm>> -> memref<10000x128xi32, #tpu.memory_space<hbm>>
          tpu.wait_indirect_dma semaphore(%arg9 : memref<!tpu.dma_semaphore, #tpu.memory_space<semaphore_mem>>) src(%dma_wait3A_59 : memref<10000x128xi32, #tpu.memory_space<hbm>>) dst(%arg7 : memref<128x128xi32, #tpu.memory_space<vmem>>)
          %mul3A_60 = arith.constant 40 : i32
          %mul3A_61 = arith.muli %add3A, %mul3A_60 : i32
          %add3A_62 = arith.addi %mul3A_61, %scan3A_11 : i32
          %mul3A_63 = arith.constant 128 : i32
          %mul3A_64 = arith.muli %add3A_62, %mul3A_63 : i32
          "tpu.region"() ({
            %run_scoped3A = tpu.sem_alloc : memref<!tpu.dma_semaphore, #tpu.memory_space<semaphore_mem>>
            %dma_start3A = arith.constant 0 : i32
            %dma_start3A_65 = tpu.memref_slice %arg4[%mul3A_64, %dma_start3A] : memref<160000x128xi32, #tpu.memory_space<hbm>> -> memref<128x128xi32, #tpu.memory_space<hbm>>
            %dma_start3A_66 = arith.constant 0 : i32
            %dma_start3A_67 = tpu.memref_slice %arg4[%mul3A_64, %dma_start3A_66] : memref<160000x128xi32, #tpu.memory_space<hbm>> -> memref<128x128xi32, #tpu.memory_space<hbm>>
            tpu.enqueue_dma source(%arg7 : memref<128x128xi32, #tpu.memory_space<vmem>>) target(%dma_start3A_67 : memref<128x128xi32, #tpu.memory_space<hbm>>) target_semaphore(%run_scoped3A : memref<!tpu.dma_semaphore, #tpu.memory_space<semaphore_mem>>)
            %dma_wait3A_68 = arith.constant 0 : i32
            %dma_wait3A_69 = tpu.memref_slice %arg4[%mul3A_64, %dma_wait3A_68] : memref<160000x128xi32, #tpu.memory_space<hbm>> -> memref<128x128xi32, #tpu.memory_space<hbm>>
            %dma_wait3A_70 = arith.constant 0 : i32
            %dma_wait3A_71 = tpu.memref_slice %arg4[%mul3A_64, %dma_wait3A_70] : memref<160000x128xi32, #tpu.memory_space<hbm>> -> memref<128x128xi32, #tpu.memory_space<hbm>>
            tpu.wait_dma2 semaphore(%run_scoped3A : memref<!tpu.dma_semaphore, #tpu.memory_space<semaphore_mem>>) src(%arg7 : memref<128x128xi32, #tpu.memory_space<vmem>>) dst(%dma_wait3A_71 : memref<128x128xi32, #tpu.memory_space<hbm>>)
            tpu.yield
          }) : () -> ()
        } else {
        }
        %jit3A_31 = arith.constant 2 : i32
        %eq3A_32 = arith.constant 0 : i32
        %eq3A_33 = arith.cmpi eq, %jit3A_31, %eq3A_32 : i32
        %jit3A_34 = arith.constant 1 : i32
        %select_n3A_35 = arith.select %eq3A_33, %jit3A_34, %jit3A_31 : i32
        %rem3A_36 = arith.remsi %scan3A_11, %select_n3A_35 : i32
        %ne3A_37 = arith.constant 0 : i32
        %ne3A_38 = arith.cmpi ne, %rem3A_36, %ne3A_37 : i32
        %lt3A_39 = arith.constant 0 : i32
        %lt3A_40 = arith.cmpi slt, %rem3A_36, %lt3A_39 : i32
        %lt3A_41 = arith.constant 0 : i32
        %lt3A_42 = arith.cmpi slt, %select_n3A_35, %lt3A_41 : i32
        %ne3A_43 = arith.xori %lt3A_40, %lt3A_42 : i1
        %and3A_44 = arith.andi %ne3A_43, %ne3A_38 : i1
        %add3A_45 = arith.addi %rem3A_36, %select_n3A_35 : i32
        %select_n3A_46 = arith.select %and3A_44, %add3A_45, %rem3A_36 : i32
        %eq3A_47 = arith.constant 1 : i32
        %eq3A_48 = arith.cmpi eq, %select_n3A_46, %eq3A_47 : i32
        %convert_element_type3A_49 = arith.extui %eq3A_48 : i1 to i32
        %cond3A_50 = arith.constant 0 : i32
        %cond3A_51 = arith.cmpi ne, %convert_element_type3A_49, %cond3A_50 : i32
        scf.if %cond3A_51 {
          %add3A_52 = arith.constant 1 : i32
          %add3A_53 = arith.addi %scan3A_11, %add3A_52 : i32
          %lt3A_54 = arith.cmpi slt, %add3A_53, %min3A : i32
          %convert_element_type3A_55 = arith.extui %lt3A_54 : i1 to i32
          %cond3A_56 = arith.constant 0 : i32
          %cond3A_57 = arith.cmpi ne, %convert_element_type3A_55, %cond3A_56 : i32
          scf.if %cond3A_57 {
            %add3A_65 = arith.constant 1 : i32
            %add3A_66 = arith.addi %scan3A_11, %add3A_65 : i32
            %mul3A_67 = arith.constant 40 : i32
            %mul3A_68 = arith.muli %add3A, %mul3A_67 : i32
            %add3A_69 = arith.addi %mul3A_68, %add3A_66 : i32
            %mul3A_70 = arith.constant 128 : i32
            %mul3A_71 = arith.muli %add3A_69, %mul3A_70 : i32
            "tpu.region"() ({
              %run_scoped3A = tpu.sem_alloc : memref<!tpu.dma_semaphore, #tpu.memory_space<semaphore_mem>>
              %dma_start3A_74 = tpu.memref_slice %arg3[%mul3A_71] : memref<160000xi32, #tpu.memory_space<hbm>> -> memref<128xi32, #tpu.memory_space<hbm>>
              %dma_start3A_75 = tpu.memref_slice %arg3[%mul3A_71] : memref<160000xi32, #tpu.memory_space<hbm>> -> memref<128xi32, #tpu.memory_space<hbm>>
              tpu.enqueue_dma source(%dma_start3A_75 : memref<128xi32, #tpu.memory_space<hbm>>) target(%arg5 : memref<128xi32, #tpu.memory_space<vmem>>) target_semaphore(%run_scoped3A : memref<!tpu.dma_semaphore, #tpu.memory_space<semaphore_mem>>)
              %dma_wait3A_76 = tpu.memref_slice %arg3[%mul3A_71] : memref<160000xi32, #tpu.memory_space<hbm>> -> memref<128xi32, #tpu.memory_space<hbm>>
              %dma_wait3A_77 = tpu.memref_slice %arg3[%mul3A_71] : memref<160000xi32, #tpu.memory_space<hbm>> -> memref<128xi32, #tpu.memory_space<hbm>>
              tpu.wait_dma2 semaphore(%run_scoped3A : memref<!tpu.dma_semaphore, #tpu.memory_space<semaphore_mem>>) src(%dma_wait3A_77 : memref<128xi32, #tpu.memory_space<hbm>>) dst(%arg5 : memref<128xi32, #tpu.memory_space<vmem>>)
              tpu.yield
            }) : () -> ()
            %dma_start3A = arith.constant 0 : i32
            %dma_start3A_72 = arith.constant 0 : i32
            %dma_start3A_73 = tpu.memref_slice %arg2[%dma_start3A, %dma_start3A_72] : memref<10000x128xi32, #tpu.memory_space<hbm>> -> memref<10000x128xi32, #tpu.memory_space<hbm>>
            tpu.enqueue_indirect_dma source(%dma_start3A_73 : memref<10000x128xi32, #tpu.memory_space<hbm>>) target(%arg7 : memref<128x128xi32, #tpu.memory_space<vmem>>) offsets(%arg5 : memref<128xi32, #tpu.memory_space<vmem>>) semaphore(%arg9 : memref<!tpu.dma_semaphore, #tpu.memory_space<semaphore_mem>>)
          } else {
          }
          %dma_wait3A = arith.constant 0 : i32
          %dma_wait3A_58 = arith.constant 0 : i32
          %dma_wait3A_59 = tpu.memref_slice %arg2[%dma_wait3A, %dma_wait3A_58] : memref<10000x128xi32, #tpu.memory_space<hbm>> -> memref<10000x128xi32, #tpu.memory_space<hbm>>
          tpu.wait_indirect_dma semaphore(%arg10 : memref<!tpu.dma_semaphore, #tpu.memory_space<semaphore_mem>>) src(%dma_wait3A_59 : memref<10000x128xi32, #tpu.memory_space<hbm>>) dst(%arg8 : memref<128x128xi32, #tpu.memory_space<vmem>>)
          %mul3A_60 = arith.constant 40 : i32
          %mul3A_61 = arith.muli %add3A, %mul3A_60 : i32
          %add3A_62 = arith.addi %mul3A_61, %scan3A_11 : i32
          %mul3A_63 = arith.constant 128 : i32
          %mul3A_64 = arith.muli %add3A_62, %mul3A_63 : i32
          "tpu.region"() ({
            %run_scoped3A = tpu.sem_alloc : memref<!tpu.dma_semaphore, #tpu.memory_space<semaphore_mem>>
            %dma_start3A = arith.constant 0 : i32
            %dma_start3A_65 = tpu.memref_slice %arg4[%mul3A_64, %dma_start3A] : memref<160000x128xi32, #tpu.memory_space<hbm>> -> memref<128x128xi32, #tpu.memory_space<hbm>>
            %dma_start3A_66 = arith.constant 0 : i32
            %dma_start3A_67 = tpu.memref_slice %arg4[%mul3A_64, %dma_start3A_66] : memref<160000x128xi32, #tpu.memory_space<hbm>> -> memref<128x128xi32, #tpu.memory_space<hbm>>
            tpu.enqueue_dma source(%arg8 : memref<128x128xi32, #tpu.memory_space<vmem>>) target(%dma_start3A_67 : memref<128x128xi32, #tpu.memory_space<hbm>>) target_semaphore(%run_scoped3A : memref<!tpu.dma_semaphore, #tpu.memory_space<semaphore_mem>>)
            %dma_wait3A_68 = arith.constant 0 : i32
            %dma_wait3A_69 = tpu.memref_slice %arg4[%mul3A_64, %dma_wait3A_68] : memref<160000x128xi32, #tpu.memory_space<hbm>> -> memref<128x128xi32, #tpu.memory_space<hbm>>
            %dma_wait3A_70 = arith.constant 0 : i32
            %dma_wait3A_71 = tpu.memref_slice %arg4[%mul3A_64, %dma_wait3A_70] : memref<160000x128xi32, #tpu.memory_space<hbm>> -> memref<128x128xi32, #tpu.memory_space<hbm>>
            tpu.wait_dma2 semaphore(%run_scoped3A : memref<!tpu.dma_semaphore, #tpu.memory_space<semaphore_mem>>) src(%arg8 : memref<128x128xi32, #tpu.memory_space<vmem>>) dst(%dma_wait3A_71 : memref<128x128xi32, #tpu.memory_space<hbm>>)
            tpu.yield
          }) : () -> ()
        } else {
        }
      } else {
      }
    }
    %scan3A_10 = arith.constant 40 : i32
    return
  }
}

#map = affine_map<(d0, d1) -> (0)>
module attributes {stable_mosaic.version = 14 : i64} {
  func.func @zk(%arg0: i32, %arg1: i32, %arg2: memref<10000xi32, #tpu.memory_space<hbm>>, %arg3: memref<320000xi32, #tpu.memory_space<hbm>>, %arg4: memref<320000xi32, #tpu.memory_space<hbm>>, %arg5: memref<10000xi32, #tpu.memory_space<vmem>>, %arg6: memref<2000xi32, #tpu.memory_space<vmem>>, %arg7: memref<2000xi32, #tpu.memory_space<vmem>>) attributes {dimension_semantics = [#tpu.dimension_semantics<core_parallel>, #tpu.dimension_semantics<subcore_parallel>], iteration_bounds = array<i64: 2, 16>, scalar_prefetch = 0 : i64, scratch_operands = 3 : i64, tpu.core_type = #tpu.core_type<sc_vector_subcore>, window_params = [{transform_indices = #map}, {transform_indices = #map}, {transform_indices = #map}]} {
    %mul3A = arith.constant 2 : i32
    %mul3A_0 = arith.muli %arg1, %mul3A : i32
    %add3A = arith.addi %mul3A_0, %arg0 : i32
    "tpu.region"() ({
      %run_scoped3A = tpu.sem_alloc : memref<!tpu.dma_semaphore, #tpu.memory_space<semaphore_mem>>
      tpu.enqueue_dma source(%arg2 : memref<10000xi32, #tpu.memory_space<hbm>>) target(%arg5 : memref<10000xi32, #tpu.memory_space<vmem>>) target_semaphore(%run_scoped3A : memref<!tpu.dma_semaphore, #tpu.memory_space<semaphore_mem>>)
      tpu.wait_dma2 semaphore(%run_scoped3A : memref<!tpu.dma_semaphore, #tpu.memory_space<semaphore_mem>>) src(%arg2 : memref<10000xi32, #tpu.memory_space<hbm>>) dst(%arg5 : memref<10000xi32, #tpu.memory_space<vmem>>)
      tpu.yield
    }) : () -> ()
    %scan3A = arith.constant 0 : i32
    %scan3A_1 = arith.constant 5 : i32
    %scan3A_2 = arith.addi %scan3A, %scan3A_1 : i32
    %scan3A_3 = arith.constant 1 : i32
    scf.for %scan3A_5 = %scan3A to %scan3A_2 step %scan3A_3  : i32 {
      %mul3A_6 = arith.constant 10000 : i32
      %mul3A_7 = arith.muli %add3A, %mul3A_6 : i32
      %mul3A_8 = arith.constant 2000 : i32
      %mul3A_9 = arith.muli %scan3A_5, %mul3A_8 : i32
      %add3A_10 = arith.addi %mul3A_7, %mul3A_9 : i32
      "tpu.region"() ({
        %run_scoped3A = tpu.sem_alloc : memref<!tpu.dma_semaphore, #tpu.memory_space<semaphore_mem>>
        %dma_start3A = tpu.memref_slice %arg3[%add3A_10] : memref<320000xi32, #tpu.memory_space<hbm>> -> memref<2000xi32, #tpu.memory_space<hbm>>
        %dma_start3A_16 = tpu.memref_slice %arg3[%add3A_10] : memref<320000xi32, #tpu.memory_space<hbm>> -> memref<2000xi32, #tpu.memory_space<hbm>>
        tpu.enqueue_dma source(%dma_start3A_16 : memref<2000xi32, #tpu.memory_space<hbm>>) target(%arg6 : memref<2000xi32, #tpu.memory_space<vmem>>) target_semaphore(%run_scoped3A : memref<!tpu.dma_semaphore, #tpu.memory_space<semaphore_mem>>)
        %dma_wait3A = tpu.memref_slice %arg3[%add3A_10] : memref<320000xi32, #tpu.memory_space<hbm>> -> memref<2000xi32, #tpu.memory_space<hbm>>
        %dma_wait3A_17 = tpu.memref_slice %arg3[%add3A_10] : memref<320000xi32, #tpu.memory_space<hbm>> -> memref<2000xi32, #tpu.memory_space<hbm>>
        tpu.wait_dma2 semaphore(%run_scoped3A : memref<!tpu.dma_semaphore, #tpu.memory_space<semaphore_mem>>) src(%dma_wait3A_17 : memref<2000xi32, #tpu.memory_space<hbm>>) dst(%arg6 : memref<2000xi32, #tpu.memory_space<vmem>>)
        tpu.yield
      }) : () -> ()
      %scan3A_11 = arith.constant 0 : i32
      %scan3A_12 = arith.constant 125 : i32
      %scan3A_13 = arith.addi %scan3A_11, %scan3A_12 : i32
      %scan3A_14 = arith.constant 1 : i32
      scf.for %scan3A_16 = %scan3A_11 to %scan3A_13 step %scan3A_14  : i32 {
        %mul3A_17 = arith.constant 16 : i32
        %mul3A_18 = arith.muli %scan3A_16, %mul3A_17 : i32
        %get3A = arith.index_cast %mul3A_18 : i32 to index
        %get3A_19 = tpu.vector_load %arg6[%get3A] {strides = array<i32>} : memref<2000xi32, #tpu.memory_space<vmem>>, vector<16xi32>,
        %gather3A = tpu.vector_load_idx %arg5[%get3A_19] : memref<10000xi32, #tpu.memory_space<vmem>>[vector<16xi32>], vector<16xi32>,
        %mul3A_20 = arith.constant 16 : i32
        %mul3A_21 = arith.muli %scan3A_16, %mul3A_20 : i32
        %swap3A = arith.index_cast %mul3A_21 : i32 to index
        %swap3A_22 = tpu.vector_load %arg7[%swap3A] {strides = array<i32>} : memref<2000xi32, #tpu.memory_space<vmem>>, vector<16xi32>,
        tpu.vector_store %arg7[%swap3A], %gather3A {strides = array<i32>} : memref<2000xi32, #tpu.memory_space<vmem>>, vector<16xi32>,
      }
      %scan3A_15 = arith.constant 125 : i32
      "tpu.region"() ({
        %run_scoped3A = tpu.sem_alloc : memref<!tpu.dma_semaphore, #tpu.memory_space<semaphore_mem>>
        %dma_start3A = tpu.memref_slice %arg4[%add3A_10] : memref<320000xi32, #tpu.memory_space<hbm>> -> memref<2000xi32, #tpu.memory_space<hbm>>
        %dma_start3A_16 = tpu.memref_slice %arg4[%add3A_10] : memref<320000xi32, #tpu.memory_space<hbm>> -> memref<2000xi32, #tpu.memory_space<hbm>>
        tpu.enqueue_dma source(%arg7 : memref<2000xi32, #tpu.memory_space<vmem>>) target(%dma_start3A_16 : memref<2000xi32, #tpu.memory_space<hbm>>) target_semaphore(%run_scoped3A : memref<!tpu.dma_semaphore, #tpu.memory_space<semaphore_mem>>)
        %dma_wait3A = tpu.memref_slice %arg4[%add3A_10] : memref<320000xi32, #tpu.memory_space<hbm>> -> memref<2000xi32, #tpu.memory_space<hbm>>
        %dma_wait3A_17 = tpu.memref_slice %arg4[%add3A_10] : memref<320000xi32, #tpu.memory_space<hbm>> -> memref<2000xi32, #tpu.memory_space<hbm>>
        tpu.wait_dma2 semaphore(%run_scoped3A : memref<!tpu.dma_semaphore, #tpu.memory_space<semaphore_mem>>) src(%arg7 : memref<2000xi32, #tpu.memory_space<vmem>>) dst(%dma_wait3A_17 : memref<2000xi32, #tpu.memory_space<hbm>>)
        tpu.yield
      }) : () -> ()
    }
    %scan3A_4 = arith.constant 5 : i32
    return
  }
}

#map = affine_map<(d0, d1) -> (0, 0)>
#map1 = affine_map<(d0, d1) -> (0)>
module attributes {stable_mosaic.version = 14 : i64} {
  func.func @gk(%arg0: i32, %arg1: i32, %arg2: memref<10000x128xi32, #tpu.memory_space<hbm>>, %arg3: memref<160000xi32, #tpu.memory_space<hbm>>, %arg4: memref<160000x128xi32, #tpu.memory_space<hbm>>, %arg5: memref<128xi32, #tpu.memory_space<vmem>>, %arg6: memref<128xi32, #tpu.memory_space<vmem>>, %arg7: memref<128x128xi32, #tpu.memory_space<vmem>>, %arg8: memref<128x128xi32, #tpu.memory_space<vmem>>, %arg9: memref<!tpu.dma_semaphore, #tpu.memory_space<semaphore_mem>>, %arg10: memref<!tpu.dma_semaphore, #tpu.memory_space<semaphore_mem>>) attributes {dimension_semantics = [#tpu.dimension_semantics<core_parallel>, #tpu.dimension_semantics<subcore_parallel>], iteration_bounds = array<i64: 2, 16>, scalar_prefetch = 0 : i64, scratch_operands = 6 : i64, tpu.core_type = #tpu.core_type<sc_vector_subcore>, window_params = [{transform_indices = #map}, {transform_indices = #map1}, {transform_indices = #map}]} {
    %mul3A = arith.constant 2 : i32
    %mul3A_0 = arith.muli %arg1, %mul3A : i32
    %add3A = arith.addi %mul3A_0, %arg0 : i32
    %mul3A_1 = arith.constant 40 : i32
    %mul3A_2 = arith.muli %add3A, %mul3A_1 : i32
    %sub3A = arith.constant 1250 : i32
    %sub3A_3 = arith.subi %sub3A, %mul3A_2 : i32
    %jit3A = arith.constant 0 : i32
    %jit3A_4 = arith.constant 40 : i32
    %max3A = arith.maxsi %jit3A, %sub3A_3 : i32
    %min3A = arith.minsi %jit3A_4, %max3A : i32
    %gt3A = arith.constant 0 : i32
    %gt3A_5 = arith.cmpi sgt, %min3A, %gt3A : i32
    %convert_element_type3A = arith.extui %gt3A_5 : i1 to i32
    %cond3A = arith.constant 0 : i32
    %cond3A_6 = arith.cmpi ne, %convert_element_type3A, %cond3A : i32
    scf.if %cond3A_6 {
      %mul3A_11 = arith.constant 40 : i32
      %mul3A_12 = arith.muli %add3A, %mul3A_11 : i32
      %add3A_13 = arith.constant 0 : i32
      %add3A_14 = arith.addi %mul3A_12, %add3A_13 : i32
      %mul3A_15 = arith.constant 128 : i32
      %mul3A_16 = arith.muli %add3A_14, %mul3A_15 : i32
      "tpu.region"() ({
        %run_scoped3A = tpu.sem_alloc : memref<!tpu.dma_semaphore, #tpu.memory_space<semaphore_mem>>
        %dma_start3A_19 = tpu.memref_slice %arg3[%mul3A_16] : memref<160000xi32, #tpu.memory_space<hbm>> -> memref<128xi32, #tpu.memory_space<hbm>>
        %dma_start3A_20 = tpu.memref_slice %arg3[%mul3A_16] : memref<160000xi32, #tpu.memory_space<hbm>> -> memref<128xi32, #tpu.memory_space<hbm>>
        tpu.enqueue_dma source(%dma_start3A_20 : memref<128xi32, #tpu.memory_space<hbm>>) target(%arg5 : memref<128xi32, #tpu.memory_space<vmem>>) target_semaphore(%run_scoped3A : memref<!tpu.dma_semaphore, #tpu.memory_space<semaphore_mem>>)
        %dma_wait3A = tpu.memref_slice %arg3[%mul3A_16] : memref<160000xi32, #tpu.memory_space<hbm>> -> memref<128xi32, #tpu.memory_space<hbm>>
        %dma_wait3A_21 = tpu.memref_slice %arg3[%mul3A_16] : memref<160000xi32, #tpu.memory_space<hbm>> -> memref<128xi32, #tpu.memory_space<hbm>>
        tpu.wait_dma2 semaphore(%run_scoped3A : memref<!tpu.dma_semaphore, #tpu.memory_space<semaphore_mem>>) src(%dma_wait3A_21 : memref<128xi32, #tpu.memory_space<hbm>>) dst(%arg5 : memref<128xi32, #tpu.memory_space<vmem>>)
        tpu.yield
      }) : () -> ()
      %dma_start3A = arith.constant 0 : i32
      %dma_start3A_17 = arith.constant 0 : i32
      %dma_start3A_18 = tpu.memref_slice %arg2[%dma_start3A, %dma_start3A_17] : memref<10000x128xi32, #tpu.memory_space<hbm>> -> memref<10000x128xi32, #tpu.memory_space<hbm>>
      tpu.enqueue_indirect_dma source(%dma_start3A_18 : memref<10000x128xi32, #tpu.memory_space<hbm>>) target(%arg7 : memref<128x128xi32, #tpu.memory_space<vmem>>) offsets(%arg5 : memref<128xi32, #tpu.memory_space<vmem>>) semaphore(%arg9 : memref<!tpu.dma_semaphore, #tpu.memory_space<semaphore_mem>>)
    } else {
    }
    %scan3A = arith.constant 0 : i32
    %scan3A_7 = arith.constant 40 : i32
    %scan3A_8 = arith.addi %scan3A, %scan3A_7 : i32
    %scan3A_9 = arith.constant 1 : i32
    scf.for %scan3A_11 = %scan3A to %scan3A_8 step %scan3A_9  : i32 {
      %lt3A = arith.cmpi slt, %scan3A_11, %min3A : i32
      %convert_element_type3A_12 = arith.extui %lt3A : i1 to i32
      %cond3A_13 = arith.constant 0 : i32
      %cond3A_14 = arith.cmpi ne, %convert_element_type3A_12, %cond3A_13 : i32
      scf.if %cond3A_14 {
        %jit3A_15 = arith.constant 2 : i32
        %eq3A = arith.constant 0 : i32
        %eq3A_16 = arith.cmpi eq, %jit3A_15, %eq3A : i32
        %jit3A_17 = arith.constant 1 : i32
        %select_n3A = arith.select %eq3A_16, %jit3A_17, %jit3A_15 : i32
        %rem3A = arith.remsi %scan3A_11, %select_n3A : i32
        %ne3A = arith.constant 0 : i32
        %ne3A_18 = arith.cmpi ne, %rem3A, %ne3A : i32
        %lt3A_19 = arith.constant 0 : i32
        %lt3A_20 = arith.cmpi slt, %rem3A, %lt3A_19 : i32
        %lt3A_21 = arith.constant 0 : i32
        %lt3A_22 = arith.cmpi slt, %select_n3A, %lt3A_21 : i32
        %ne3A_23 = arith.xori %lt3A_20, %lt3A_22 : i1
        %and3A = arith.andi %ne3A_23, %ne3A_18 : i1
        %add3A_24 = arith.addi %rem3A, %select_n3A : i32
        %select_n3A_25 = arith.select %and3A, %add3A_24, %rem3A : i32
        %eq3A_26 = arith.constant 0 : i32
        %eq3A_27 = arith.cmpi eq, %select_n3A_25, %eq3A_26 : i32
        %convert_element_type3A_28 = arith.extui %eq3A_27 : i1 to i32
        %cond3A_29 = arith.constant 0 : i32
        %cond3A_30 = arith.cmpi ne, %convert_element_type3A_28, %cond3A_29 : i32
        scf.if %cond3A_30 {
          %add3A_52 = arith.constant 1 : i32
          %add3A_53 = arith.addi %scan3A_11, %add3A_52 : i32
          %lt3A_54 = arith.cmpi slt, %add3A_53, %min3A : i32
          %convert_element_type3A_55 = arith.extui %lt3A_54 : i1 to i32
          %cond3A_56 = arith.constant 0 : i32
          %cond3A_57 = arith.cmpi ne, %convert_element_type3A_55, %cond3A_56 : i32
          scf.if %cond3A_57 {
            %add3A_65 = arith.constant 1 : i32
            %add3A_66 = arith.addi %scan3A_11, %add3A_65 : i32
            %mul3A_67 = arith.constant 40 : i32
            %mul3A_68 = arith.muli %add3A, %mul3A_67 : i32
            %add3A_69 = arith.addi %mul3A_68, %add3A_66 : i32
            %mul3A_70 = arith.constant 128 : i32
            %mul3A_71 = arith.muli %add3A_69, %mul3A_70 : i32
            "tpu.region"() ({
              %run_scoped3A = tpu.sem_alloc : memref<!tpu.dma_semaphore, #tpu.memory_space<semaphore_mem>>
              %dma_start3A_74 = tpu.memref_slice %arg3[%mul3A_71] : memref<160000xi32, #tpu.memory_space<hbm>> -> memref<128xi32, #tpu.memory_space<hbm>>
              %dma_start3A_75 = tpu.memref_slice %arg3[%mul3A_71] : memref<160000xi32, #tpu.memory_space<hbm>> -> memref<128xi32, #tpu.memory_space<hbm>>
              tpu.enqueue_dma source(%dma_start3A_75 : memref<128xi32, #tpu.memory_space<hbm>>) target(%arg6 : memref<128xi32, #tpu.memory_space<vmem>>) target_semaphore(%run_scoped3A : memref<!tpu.dma_semaphore, #tpu.memory_space<semaphore_mem>>)
              %dma_wait3A_76 = tpu.memref_slice %arg3[%mul3A_71] : memref<160000xi32, #tpu.memory_space<hbm>> -> memref<128xi32, #tpu.memory_space<hbm>>
              %dma_wait3A_77 = tpu.memref_slice %arg3[%mul3A_71] : memref<160000xi32, #tpu.memory_space<hbm>> -> memref<128xi32, #tpu.memory_space<hbm>>
              tpu.wait_dma2 semaphore(%run_scoped3A : memref<!tpu.dma_semaphore, #tpu.memory_space<semaphore_mem>>) src(%dma_wait3A_77 : memref<128xi32, #tpu.memory_space<hbm>>) dst(%arg6 : memref<128xi32, #tpu.memory_space<vmem>>)
              tpu.yield
            }) : () -> ()
            %dma_start3A = arith.constant 0 : i32
            %dma_start3A_72 = arith.constant 0 : i32
            %dma_start3A_73 = tpu.memref_slice %arg2[%dma_start3A, %dma_start3A_72] : memref<10000x128xi32, #tpu.memory_space<hbm>> -> memref<10000x128xi32, #tpu.memory_space<hbm>>
            tpu.enqueue_indirect_dma source(%dma_start3A_73 : memref<10000x128xi32, #tpu.memory_space<hbm>>) target(%arg8 : memref<128x128xi32, #tpu.memory_space<vmem>>) offsets(%arg6 : memref<128xi32, #tpu.memory_space<vmem>>) semaphore(%arg10 : memref<!tpu.dma_semaphore, #tpu.memory_space<semaphore_mem>>)
          } else {
          }
          %dma_wait3A = arith.constant 0 : i32
          %dma_wait3A_58 = arith.constant 0 : i32
          %dma_wait3A_59 = tpu.memref_slice %arg2[%dma_wait3A, %dma_wait3A_58] : memref<10000x128xi32, #tpu.memory_space<hbm>> -> memref<10000x128xi32, #tpu.memory_space<hbm>>
          tpu.wait_indirect_dma semaphore(%arg9 : memref<!tpu.dma_semaphore, #tpu.memory_space<semaphore_mem>>) src(%dma_wait3A_59 : memref<10000x128xi32, #tpu.memory_space<hbm>>) dst(%arg7 : memref<128x128xi32, #tpu.memory_space<vmem>>)
          %mul3A_60 = arith.constant 40 : i32
          %mul3A_61 = arith.muli %add3A, %mul3A_60 : i32
          %add3A_62 = arith.addi %mul3A_61, %scan3A_11 : i32
          %mul3A_63 = arith.constant 128 : i32
          %mul3A_64 = arith.muli %add3A_62, %mul3A_63 : i32
          "tpu.region"() ({
            %run_scoped3A = tpu.sem_alloc : memref<!tpu.dma_semaphore, #tpu.memory_space<semaphore_mem>>
            %dma_start3A = arith.constant 0 : i32
            %dma_start3A_65 = tpu.memref_slice %arg4[%mul3A_64, %dma_start3A] : memref<160000x128xi32, #tpu.memory_space<hbm>> -> memref<128x128xi32, #tpu.memory_space<hbm>>
            %dma_start3A_66 = arith.constant 0 : i32
            %dma_start3A_67 = tpu.memref_slice %arg4[%mul3A_64, %dma_start3A_66] : memref<160000x128xi32, #tpu.memory_space<hbm>> -> memref<128x128xi32, #tpu.memory_space<hbm>>
            tpu.enqueue_dma source(%arg7 : memref<128x128xi32, #tpu.memory_space<vmem>>) target(%dma_start3A_67 : memref<128x128xi32, #tpu.memory_space<hbm>>) target_semaphore(%run_scoped3A : memref<!tpu.dma_semaphore, #tpu.memory_space<semaphore_mem>>)
            %dma_wait3A_68 = arith.constant 0 : i32
            %dma_wait3A_69 = tpu.memref_slice %arg4[%mul3A_64, %dma_wait3A_68] : memref<160000x128xi32, #tpu.memory_space<hbm>> -> memref<128x128xi32, #tpu.memory_space<hbm>>
            %dma_wait3A_70 = arith.constant 0 : i32
            %dma_wait3A_71 = tpu.memref_slice %arg4[%mul3A_64, %dma_wait3A_70] : memref<160000x128xi32, #tpu.memory_space<hbm>> -> memref<128x128xi32, #tpu.memory_space<hbm>>
            tpu.wait_dma2 semaphore(%run_scoped3A : memref<!tpu.dma_semaphore, #tpu.memory_space<semaphore_mem>>) src(%arg7 : memref<128x128xi32, #tpu.memory_space<vmem>>) dst(%dma_wait3A_71 : memref<128x128xi32, #tpu.memory_space<hbm>>)
            tpu.yield
          }) : () -> ()
        } else {
        }
        %jit3A_31 = arith.constant 2 : i32
        %eq3A_32 = arith.constant 0 : i32
        %eq3A_33 = arith.cmpi eq, %jit3A_31, %eq3A_32 : i32
        %jit3A_34 = arith.constant 1 : i32
        %select_n3A_35 = arith.select %eq3A_33, %jit3A_34, %jit3A_31 : i32
        %rem3A_36 = arith.remsi %scan3A_11, %select_n3A_35 : i32
        %ne3A_37 = arith.constant 0 : i32
        %ne3A_38 = arith.cmpi ne, %rem3A_36, %ne3A_37 : i32
        %lt3A_39 = arith.constant 0 : i32
        %lt3A_40 = arith.cmpi slt, %rem3A_36, %lt3A_39 : i32
        %lt3A_41 = arith.constant 0 : i32
        %lt3A_42 = arith.cmpi slt, %select_n3A_35, %lt3A_41 : i32
        %ne3A_43 = arith.xori %lt3A_40, %lt3A_42 : i1
        %and3A_44 = arith.andi %ne3A_43, %ne3A_38 : i1
        %add3A_45 = arith.addi %rem3A_36, %select_n3A_35 : i32
        %select_n3A_46 = arith.select %and3A_44, %add3A_45, %rem3A_36 : i32
        %eq3A_47 = arith.constant 1 : i32
        %eq3A_48 = arith.cmpi eq, %select_n3A_46, %eq3A_47 : i32
        %convert_element_type3A_49 = arith.extui %eq3A_48 : i1 to i32
        %cond3A_50 = arith.constant 0 : i32
        %cond3A_51 = arith.cmpi ne, %convert_element_type3A_49, %cond3A_50 : i32
        scf.if %cond3A_51 {
          %add3A_52 = arith.constant 1 : i32
          %add3A_53 = arith.addi %scan3A_11, %add3A_52 : i32
          %lt3A_54 = arith.cmpi slt, %add3A_53, %min3A : i32
          %convert_element_type3A_55 = arith.extui %lt3A_54 : i1 to i32
          %cond3A_56 = arith.constant 0 : i32
          %cond3A_57 = arith.cmpi ne, %convert_element_type3A_55, %cond3A_56 : i32
          scf.if %cond3A_57 {
            %add3A_65 = arith.constant 1 : i32
            %add3A_66 = arith.addi %scan3A_11, %add3A_65 : i32
            %mul3A_67 = arith.constant 40 : i32
            %mul3A_68 = arith.muli %add3A, %mul3A_67 : i32
            %add3A_69 = arith.addi %mul3A_68, %add3A_66 : i32
            %mul3A_70 = arith.constant 128 : i32
            %mul3A_71 = arith.muli %add3A_69, %mul3A_70 : i32
            "tpu.region"() ({
              %run_scoped3A = tpu.sem_alloc : memref<!tpu.dma_semaphore, #tpu.memory_space<semaphore_mem>>
              %dma_start3A_74 = tpu.memref_slice %arg3[%mul3A_71] : memref<160000xi32, #tpu.memory_space<hbm>> -> memref<128xi32, #tpu.memory_space<hbm>>
              %dma_start3A_75 = tpu.memref_slice %arg3[%mul3A_71] : memref<160000xi32, #tpu.memory_space<hbm>> -> memref<128xi32, #tpu.memory_space<hbm>>
              tpu.enqueue_dma source(%dma_start3A_75 : memref<128xi32, #tpu.memory_space<hbm>>) target(%arg5 : memref<128xi32, #tpu.memory_space<vmem>>) target_semaphore(%run_scoped3A : memref<!tpu.dma_semaphore, #tpu.memory_space<semaphore_mem>>)
              %dma_wait3A_76 = tpu.memref_slice %arg3[%mul3A_71] : memref<160000xi32, #tpu.memory_space<hbm>> -> memref<128xi32, #tpu.memory_space<hbm>>
              %dma_wait3A_77 = tpu.memref_slice %arg3[%mul3A_71] : memref<160000xi32, #tpu.memory_space<hbm>> -> memref<128xi32, #tpu.memory_space<hbm>>
              tpu.wait_dma2 semaphore(%run_scoped3A : memref<!tpu.dma_semaphore, #tpu.memory_space<semaphore_mem>>) src(%dma_wait3A_77 : memref<128xi32, #tpu.memory_space<hbm>>) dst(%arg5 : memref<128xi32, #tpu.memory_space<vmem>>)
              tpu.yield
            }) : () -> ()
            %dma_start3A = arith.constant 0 : i32
            %dma_start3A_72 = arith.constant 0 : i32
            %dma_start3A_73 = tpu.memref_slice %arg2[%dma_start3A, %dma_start3A_72] : memref<10000x128xi32, #tpu.memory_space<hbm>> -> memref<10000x128xi32, #tpu.memory_space<hbm>>
            tpu.enqueue_indirect_dma source(%dma_start3A_73 : memref<10000x128xi32, #tpu.memory_space<hbm>>) target(%arg7 : memref<128x128xi32, #tpu.memory_space<vmem>>) offsets(%arg5 : memref<128xi32, #tpu.memory_space<vmem>>) semaphore(%arg9 : memref<!tpu.dma_semaphore, #tpu.memory_space<semaphore_mem>>)
          } else {
          }
          %dma_wait3A = arith.constant 0 : i32
          %dma_wait3A_58 = arith.constant 0 : i32
          %dma_wait3A_59 = tpu.memref_slice %arg2[%dma_wait3A, %dma_wait3A_58] : memref<10000x128xi32, #tpu.memory_space<hbm>> -> memref<10000x128xi32, #tpu.memory_space<hbm>>
          tpu.wait_indirect_dma semaphore(%arg10 : memref<!tpu.dma_semaphore, #tpu.memory_space<semaphore_mem>>) src(%dma_wait3A_59 : memref<10000x128xi32, #tpu.memory_space<hbm>>) dst(%arg8 : memref<128x128xi32, #tpu.memory_space<vmem>>)
          %mul3A_60 = arith.constant 40 : i32
          %mul3A_61 = arith.muli %add3A, %mul3A_60 : i32
          %add3A_62 = arith.addi %mul3A_61, %scan3A_11 : i32
          %mul3A_63 = arith.constant 128 : i32
          %mul3A_64 = arith.muli %add3A_62, %mul3A_63 : i32
          "tpu.region"() ({
            %run_scoped3A = tpu.sem_alloc : memref<!tpu.dma_semaphore, #tpu.memory_space<semaphore_mem>>
            %dma_start3A = arith.constant 0 : i32
            %dma_start3A_65 = tpu.memref_slice %arg4[%mul3A_64, %dma_start3A] : memref<160000x128xi32, #tpu.memory_space<hbm>> -> memref<128x128xi32, #tpu.memory_space<hbm>>
            %dma_start3A_66 = arith.constant 0 : i32
            %dma_start3A_67 = tpu.memref_slice %arg4[%mul3A_64, %dma_start3A_66] : memref<160000x128xi32, #tpu.memory_space<hbm>> -> memref<128x128xi32, #tpu.memory_space<hbm>>
            tpu.enqueue_dma source(%arg8 : memref<128x128xi32, #tpu.memory_space<vmem>>) target(%dma_start3A_67 : memref<128x128xi32, #tpu.memory_space<hbm>>) target_semaphore(%run_scoped3A : memref<!tpu.dma_semaphore, #tpu.memory_space<semaphore_mem>>)
            %dma_wait3A_68 = arith.constant 0 : i32
            %dma_wait3A_69 = tpu.memref_slice %arg4[%mul3A_64, %dma_wait3A_68] : memref<160000x128xi32, #tpu.memory_space<hbm>> -> memref<128x128xi32, #tpu.memory_space<hbm>>
            %dma_wait3A_70 = arith.constant 0 : i32
            %dma_wait3A_71 = tpu.memref_slice %arg4[%mul3A_64, %dma_wait3A_70] : memref<160000x128xi32, #tpu.memory_space<hbm>> -> memref<128x128xi32, #tpu.memory_space<hbm>>
            tpu.wait_dma2 semaphore(%run_scoped3A : memref<!tpu.dma_semaphore, #tpu.memory_space<semaphore_mem>>) src(%arg8 : memref<128x128xi32, #tpu.memory_space<vmem>>) dst(%dma_wait3A_71 : memref<128x128xi32, #tpu.memory_space<hbm>>)
            tpu.yield
          }) : () -> ()
        } else {
        }
      } else {
      }
    }
    %scan3A_10 = arith.constant 40 : i32
    return
  }
}

#map = affine_map<(d0, d1) -> (0, 0)>
#map1 = affine_map<(d0, d1) -> (0)>
module attributes {stable_mosaic.version = 14 : i64} {
  func.func @gk(%arg0: i32, %arg1: i32, %arg2: memref<10000x128xi32, #tpu.memory_space<hbm>>, %arg3: memref<160000xi32, #tpu.memory_space<hbm>>, %arg4: memref<160000x128xi32, #tpu.memory_space<hbm>>, %arg5: memref<128xi32, #tpu.memory_space<vmem>>, %arg6: memref<128xi32, #tpu.memory_space<vmem>>, %arg7: memref<128x128xi32, #tpu.memory_space<vmem>>, %arg8: memref<128x128xi32, #tpu.memory_space<vmem>>, %arg9: memref<!tpu.dma_semaphore, #tpu.memory_space<semaphore_mem>>, %arg10: memref<!tpu.dma_semaphore, #tpu.memory_space<semaphore_mem>>) attributes {dimension_semantics = [#tpu.dimension_semantics<core_parallel>, #tpu.dimension_semantics<subcore_parallel>], iteration_bounds = array<i64: 2, 16>, scalar_prefetch = 0 : i64, scratch_operands = 6 : i64, tpu.core_type = #tpu.core_type<sc_vector_subcore>, window_params = [{transform_indices = #map}, {transform_indices = #map1}, {transform_indices = #map}]} {
    %mul3A = arith.constant 2 : i32
    %mul3A_0 = arith.muli %arg1, %mul3A : i32
    %add3A = arith.addi %mul3A_0, %arg0 : i32
    %mul3A_1 = arith.constant 40 : i32
    %mul3A_2 = arith.muli %add3A, %mul3A_1 : i32
    %sub3A = arith.constant 1250 : i32
    %sub3A_3 = arith.subi %sub3A, %mul3A_2 : i32
    %jit3A = arith.constant 0 : i32
    %jit3A_4 = arith.constant 40 : i32
    %max3A = arith.maxsi %jit3A, %sub3A_3 : i32
    %min3A = arith.minsi %jit3A_4, %max3A : i32
    %gt3A = arith.constant 0 : i32
    %gt3A_5 = arith.cmpi sgt, %min3A, %gt3A : i32
    %convert_element_type3A = arith.extui %gt3A_5 : i1 to i32
    %cond3A = arith.constant 0 : i32
    %cond3A_6 = arith.cmpi ne, %convert_element_type3A, %cond3A : i32
    scf.if %cond3A_6 {
      %mul3A_11 = arith.constant 40 : i32
      %mul3A_12 = arith.muli %add3A, %mul3A_11 : i32
      %add3A_13 = arith.constant 0 : i32
      %add3A_14 = arith.addi %mul3A_12, %add3A_13 : i32
      %mul3A_15 = arith.constant 128 : i32
      %mul3A_16 = arith.muli %add3A_14, %mul3A_15 : i32
      "tpu.region"() ({
        %run_scoped3A = tpu.sem_alloc : memref<!tpu.dma_semaphore, #tpu.memory_space<semaphore_mem>>
        %dma_start3A_19 = tpu.memref_slice %arg3[%mul3A_16] : memref<160000xi32, #tpu.memory_space<hbm>> -> memref<128xi32, #tpu.memory_space<hbm>>
        %dma_start3A_20 = tpu.memref_slice %arg3[%mul3A_16] : memref<160000xi32, #tpu.memory_space<hbm>> -> memref<128xi32, #tpu.memory_space<hbm>>
        tpu.enqueue_dma source(%dma_start3A_20 : memref<128xi32, #tpu.memory_space<hbm>>) target(%arg5 : memref<128xi32, #tpu.memory_space<vmem>>) target_semaphore(%run_scoped3A : memref<!tpu.dma_semaphore, #tpu.memory_space<semaphore_mem>>)
        %dma_wait3A = tpu.memref_slice %arg3[%mul3A_16] : memref<160000xi32, #tpu.memory_space<hbm>> -> memref<128xi32, #tpu.memory_space<hbm>>
        %dma_wait3A_21 = tpu.memref_slice %arg3[%mul3A_16] : memref<160000xi32, #tpu.memory_space<hbm>> -> memref<128xi32, #tpu.memory_space<hbm>>
        tpu.wait_dma2 semaphore(%run_scoped3A : memref<!tpu.dma_semaphore, #tpu.memory_space<semaphore_mem>>) src(%dma_wait3A_21 : memref<128xi32, #tpu.memory_space<hbm>>) dst(%arg5 : memref<128xi32, #tpu.memory_space<vmem>>)
        tpu.yield
      }) : () -> ()
      %dma_start3A = arith.constant 0 : i32
      %dma_start3A_17 = arith.constant 0 : i32
      %dma_start3A_18 = tpu.memref_slice %arg2[%dma_start3A, %dma_start3A_17] : memref<10000x128xi32, #tpu.memory_space<hbm>> -> memref<10000x128xi32, #tpu.memory_space<hbm>>
      tpu.enqueue_indirect_dma source(%dma_start3A_18 : memref<10000x128xi32, #tpu.memory_space<hbm>>) target(%arg7 : memref<128x128xi32, #tpu.memory_space<vmem>>) offsets(%arg5 : memref<128xi32, #tpu.memory_space<vmem>>) semaphore(%arg9 : memref<!tpu.dma_semaphore, #tpu.memory_space<semaphore_mem>>)
    } else {
    }
    %scan3A = arith.constant 0 : i32
    %scan3A_7 = arith.constant 40 : i32
    %scan3A_8 = arith.addi %scan3A, %scan3A_7 : i32
    %scan3A_9 = arith.constant 1 : i32
    scf.for %scan3A_11 = %scan3A to %scan3A_8 step %scan3A_9  : i32 {
      %lt3A = arith.cmpi slt, %scan3A_11, %min3A : i32
      %convert_element_type3A_12 = arith.extui %lt3A : i1 to i32
      %cond3A_13 = arith.constant 0 : i32
      %cond3A_14 = arith.cmpi ne, %convert_element_type3A_12, %cond3A_13 : i32
      scf.if %cond3A_14 {
        %jit3A_15 = arith.constant 2 : i32
        %eq3A = arith.constant 0 : i32
        %eq3A_16 = arith.cmpi eq, %jit3A_15, %eq3A : i32
        %jit3A_17 = arith.constant 1 : i32
        %select_n3A = arith.select %eq3A_16, %jit3A_17, %jit3A_15 : i32
        %rem3A = arith.remsi %scan3A_11, %select_n3A : i32
        %ne3A = arith.constant 0 : i32
        %ne3A_18 = arith.cmpi ne, %rem3A, %ne3A : i32
        %lt3A_19 = arith.constant 0 : i32
        %lt3A_20 = arith.cmpi slt, %rem3A, %lt3A_19 : i32
        %lt3A_21 = arith.constant 0 : i32
        %lt3A_22 = arith.cmpi slt, %select_n3A, %lt3A_21 : i32
        %ne3A_23 = arith.xori %lt3A_20, %lt3A_22 : i1
        %and3A = arith.andi %ne3A_23, %ne3A_18 : i1
        %add3A_24 = arith.addi %rem3A, %select_n3A : i32
        %select_n3A_25 = arith.select %and3A, %add3A_24, %rem3A : i32
        %eq3A_26 = arith.constant 0 : i32
        %eq3A_27 = arith.cmpi eq, %select_n3A_25, %eq3A_26 : i32
        %convert_element_type3A_28 = arith.extui %eq3A_27 : i1 to i32
        %cond3A_29 = arith.constant 0 : i32
        %cond3A_30 = arith.cmpi ne, %convert_element_type3A_28, %cond3A_29 : i32
        scf.if %cond3A_30 {
          %add3A_52 = arith.constant 1 : i32
          %add3A_53 = arith.addi %scan3A_11, %add3A_52 : i32
          %lt3A_54 = arith.cmpi slt, %add3A_53, %min3A : i32
          %convert_element_type3A_55 = arith.extui %lt3A_54 : i1 to i32
          %cond3A_56 = arith.constant 0 : i32
          %cond3A_57 = arith.cmpi ne, %convert_element_type3A_55, %cond3A_56 : i32
          scf.if %cond3A_57 {
            %add3A_65 = arith.constant 1 : i32
            %add3A_66 = arith.addi %scan3A_11, %add3A_65 : i32
            %mul3A_67 = arith.constant 40 : i32
            %mul3A_68 = arith.muli %add3A, %mul3A_67 : i32
            %add3A_69 = arith.addi %mul3A_68, %add3A_66 : i32
            %mul3A_70 = arith.constant 128 : i32
            %mul3A_71 = arith.muli %add3A_69, %mul3A_70 : i32
            "tpu.region"() ({
              %run_scoped3A = tpu.sem_alloc : memref<!tpu.dma_semaphore, #tpu.memory_space<semaphore_mem>>
              %dma_start3A_74 = tpu.memref_slice %arg3[%mul3A_71] : memref<160000xi32, #tpu.memory_space<hbm>> -> memref<128xi32, #tpu.memory_space<hbm>>
              %dma_start3A_75 = tpu.memref_slice %arg3[%mul3A_71] : memref<160000xi32, #tpu.memory_space<hbm>> -> memref<128xi32, #tpu.memory_space<hbm>>
              tpu.enqueue_dma source(%dma_start3A_75 : memref<128xi32, #tpu.memory_space<hbm>>) target(%arg6 : memref<128xi32, #tpu.memory_space<vmem>>) target_semaphore(%run_scoped3A : memref<!tpu.dma_semaphore, #tpu.memory_space<semaphore_mem>>)
              %dma_wait3A_76 = tpu.memref_slice %arg3[%mul3A_71] : memref<160000xi32, #tpu.memory_space<hbm>> -> memref<128xi32, #tpu.memory_space<hbm>>
              %dma_wait3A_77 = tpu.memref_slice %arg3[%mul3A_71] : memref<160000xi32, #tpu.memory_space<hbm>> -> memref<128xi32, #tpu.memory_space<hbm>>
              tpu.wait_dma2 semaphore(%run_scoped3A : memref<!tpu.dma_semaphore, #tpu.memory_space<semaphore_mem>>) src(%dma_wait3A_77 : memref<128xi32, #tpu.memory_space<hbm>>) dst(%arg6 : memref<128xi32, #tpu.memory_space<vmem>>)
              tpu.yield
            }) : () -> ()
            %dma_start3A = arith.constant 0 : i32
            %dma_start3A_72 = arith.constant 0 : i32
            %dma_start3A_73 = tpu.memref_slice %arg2[%dma_start3A, %dma_start3A_72] : memref<10000x128xi32, #tpu.memory_space<hbm>> -> memref<10000x128xi32, #tpu.memory_space<hbm>>
            tpu.enqueue_indirect_dma source(%dma_start3A_73 : memref<10000x128xi32, #tpu.memory_space<hbm>>) target(%arg8 : memref<128x128xi32, #tpu.memory_space<vmem>>) offsets(%arg6 : memref<128xi32, #tpu.memory_space<vmem>>) semaphore(%arg10 : memref<!tpu.dma_semaphore, #tpu.memory_space<semaphore_mem>>)
          } else {
          }
          %dma_wait3A = arith.constant 0 : i32
          %dma_wait3A_58 = arith.constant 0 : i32
          %dma_wait3A_59 = tpu.memref_slice %arg2[%dma_wait3A, %dma_wait3A_58] : memref<10000x128xi32, #tpu.memory_space<hbm>> -> memref<10000x128xi32, #tpu.memory_space<hbm>>
          tpu.wait_indirect_dma semaphore(%arg9 : memref<!tpu.dma_semaphore, #tpu.memory_space<semaphore_mem>>) src(%dma_wait3A_59 : memref<10000x128xi32, #tpu.memory_space<hbm>>) dst(%arg7 : memref<128x128xi32, #tpu.memory_space<vmem>>)
          %mul3A_60 = arith.constant 40 : i32
          %mul3A_61 = arith.muli %add3A, %mul3A_60 : i32
          %add3A_62 = arith.addi %mul3A_61, %scan3A_11 : i32
          %mul3A_63 = arith.constant 128 : i32
          %mul3A_64 = arith.muli %add3A_62, %mul3A_63 : i32
          "tpu.region"() ({
            %run_scoped3A = tpu.sem_alloc : memref<!tpu.dma_semaphore, #tpu.memory_space<semaphore_mem>>
            %dma_start3A = arith.constant 0 : i32
            %dma_start3A_65 = tpu.memref_slice %arg4[%mul3A_64, %dma_start3A] : memref<160000x128xi32, #tpu.memory_space<hbm>> -> memref<128x128xi32, #tpu.memory_space<hbm>>
            %dma_start3A_66 = arith.constant 0 : i32
            %dma_start3A_67 = tpu.memref_slice %arg4[%mul3A_64, %dma_start3A_66] : memref<160000x128xi32, #tpu.memory_space<hbm>> -> memref<128x128xi32, #tpu.memory_space<hbm>>
            tpu.enqueue_dma source(%arg7 : memref<128x128xi32, #tpu.memory_space<vmem>>) target(%dma_start3A_67 : memref<128x128xi32, #tpu.memory_space<hbm>>) target_semaphore(%run_scoped3A : memref<!tpu.dma_semaphore, #tpu.memory_space<semaphore_mem>>)
            %dma_wait3A_68 = arith.constant 0 : i32
            %dma_wait3A_69 = tpu.memref_slice %arg4[%mul3A_64, %dma_wait3A_68] : memref<160000x128xi32, #tpu.memory_space<hbm>> -> memref<128x128xi32, #tpu.memory_space<hbm>>
            %dma_wait3A_70 = arith.constant 0 : i32
            %dma_wait3A_71 = tpu.memref_slice %arg4[%mul3A_64, %dma_wait3A_70] : memref<160000x128xi32, #tpu.memory_space<hbm>> -> memref<128x128xi32, #tpu.memory_space<hbm>>
            tpu.wait_dma2 semaphore(%run_scoped3A : memref<!tpu.dma_semaphore, #tpu.memory_space<semaphore_mem>>) src(%arg7 : memref<128x128xi32, #tpu.memory_space<vmem>>) dst(%dma_wait3A_71 : memref<128x128xi32, #tpu.memory_space<hbm>>)
            tpu.yield
          }) : () -> ()
        } else {
        }
        %jit3A_31 = arith.constant 2 : i32
        %eq3A_32 = arith.constant 0 : i32
        %eq3A_33 = arith.cmpi eq, %jit3A_31, %eq3A_32 : i32
        %jit3A_34 = arith.constant 1 : i32
        %select_n3A_35 = arith.select %eq3A_33, %jit3A_34, %jit3A_31 : i32
        %rem3A_36 = arith.remsi %scan3A_11, %select_n3A_35 : i32
        %ne3A_37 = arith.constant 0 : i32
        %ne3A_38 = arith.cmpi ne, %rem3A_36, %ne3A_37 : i32
        %lt3A_39 = arith.constant 0 : i32
        %lt3A_40 = arith.cmpi slt, %rem3A_36, %lt3A_39 : i32
        %lt3A_41 = arith.constant 0 : i32
        %lt3A_42 = arith.cmpi slt, %select_n3A_35, %lt3A_41 : i32
        %ne3A_43 = arith.xori %lt3A_40, %lt3A_42 : i1
        %and3A_44 = arith.andi %ne3A_43, %ne3A_38 : i1
        %add3A_45 = arith.addi %rem3A_36, %select_n3A_35 : i32
        %select_n3A_46 = arith.select %and3A_44, %add3A_45, %rem3A_36 : i32
        %eq3A_47 = arith.constant 1 : i32
        %eq3A_48 = arith.cmpi eq, %select_n3A_46, %eq3A_47 : i32
        %convert_element_type3A_49 = arith.extui %eq3A_48 : i1 to i32
        %cond3A_50 = arith.constant 0 : i32
        %cond3A_51 = arith.cmpi ne, %convert_element_type3A_49, %cond3A_50 : i32
        scf.if %cond3A_51 {
          %add3A_52 = arith.constant 1 : i32
          %add3A_53 = arith.addi %scan3A_11, %add3A_52 : i32
          %lt3A_54 = arith.cmpi slt, %add3A_53, %min3A : i32
          %convert_element_type3A_55 = arith.extui %lt3A_54 : i1 to i32
          %cond3A_56 = arith.constant 0 : i32
          %cond3A_57 = arith.cmpi ne, %convert_element_type3A_55, %cond3A_56 : i32
          scf.if %cond3A_57 {
            %add3A_65 = arith.constant 1 : i32
            %add3A_66 = arith.addi %scan3A_11, %add3A_65 : i32
            %mul3A_67 = arith.constant 40 : i32
            %mul3A_68 = arith.muli %add3A, %mul3A_67 : i32
            %add3A_69 = arith.addi %mul3A_68, %add3A_66 : i32
            %mul3A_70 = arith.constant 128 : i32
            %mul3A_71 = arith.muli %add3A_69, %mul3A_70 : i32
            "tpu.region"() ({
              %run_scoped3A = tpu.sem_alloc : memref<!tpu.dma_semaphore, #tpu.memory_space<semaphore_mem>>
              %dma_start3A_74 = tpu.memref_slice %arg3[%mul3A_71] : memref<160000xi32, #tpu.memory_space<hbm>> -> memref<128xi32, #tpu.memory_space<hbm>>
              %dma_start3A_75 = tpu.memref_slice %arg3[%mul3A_71] : memref<160000xi32, #tpu.memory_space<hbm>> -> memref<128xi32, #tpu.memory_space<hbm>>
              tpu.enqueue_dma source(%dma_start3A_75 : memref<128xi32, #tpu.memory_space<hbm>>) target(%arg5 : memref<128xi32, #tpu.memory_space<vmem>>) target_semaphore(%run_scoped3A : memref<!tpu.dma_semaphore, #tpu.memory_space<semaphore_mem>>)
              %dma_wait3A_76 = tpu.memref_slice %arg3[%mul3A_71] : memref<160000xi32, #tpu.memory_space<hbm>> -> memref<128xi32, #tpu.memory_space<hbm>>
              %dma_wait3A_77 = tpu.memref_slice %arg3[%mul3A_71] : memref<160000xi32, #tpu.memory_space<hbm>> -> memref<128xi32, #tpu.memory_space<hbm>>
              tpu.wait_dma2 semaphore(%run_scoped3A : memref<!tpu.dma_semaphore, #tpu.memory_space<semaphore_mem>>) src(%dma_wait3A_77 : memref<128xi32, #tpu.memory_space<hbm>>) dst(%arg5 : memref<128xi32, #tpu.memory_space<vmem>>)
              tpu.yield
            }) : () -> ()
            %dma_start3A = arith.constant 0 : i32
            %dma_start3A_72 = arith.constant 0 : i32
            %dma_start3A_73 = tpu.memref_slice %arg2[%dma_start3A, %dma_start3A_72] : memref<10000x128xi32, #tpu.memory_space<hbm>> -> memref<10000x128xi32, #tpu.memory_space<hbm>>
            tpu.enqueue_indirect_dma source(%dma_start3A_73 : memref<10000x128xi32, #tpu.memory_space<hbm>>) target(%arg7 : memref<128x128xi32, #tpu.memory_space<vmem>>) offsets(%arg5 : memref<128xi32, #tpu.memory_space<vmem>>) semaphore(%arg9 : memref<!tpu.dma_semaphore, #tpu.memory_space<semaphore_mem>>)
          } else {
          }
          %dma_wait3A = arith.constant 0 : i32
          %dma_wait3A_58 = arith.constant 0 : i32
          %dma_wait3A_59 = tpu.memref_slice %arg2[%dma_wait3A, %dma_wait3A_58] : memref<10000x128xi32, #tpu.memory_space<hbm>> -> memref<10000x128xi32, #tpu.memory_space<hbm>>
          tpu.wait_indirect_dma semaphore(%arg10 : memref<!tpu.dma_semaphore, #tpu.memory_space<semaphore_mem>>) src(%dma_wait3A_59 : memref<10000x128xi32, #tpu.memory_space<hbm>>) dst(%arg8 : memref<128x128xi32, #tpu.memory_space<vmem>>)
          %mul3A_60 = arith.constant 40 : i32
          %mul3A_61 = arith.muli %add3A, %mul3A_60 : i32
          %add3A_62 = arith.addi %mul3A_61, %scan3A_11 : i32
          %mul3A_63 = arith.constant 128 : i32
          %mul3A_64 = arith.muli %add3A_62, %mul3A_63 : i32
          "tpu.region"() ({
            %run_scoped3A = tpu.sem_alloc : memref<!tpu.dma_semaphore, #tpu.memory_space<semaphore_mem>>
            %dma_start3A = arith.constant 0 : i32
            %dma_start3A_65 = tpu.memref_slice %arg4[%mul3A_64, %dma_start3A] : memref<160000x128xi32, #tpu.memory_space<hbm>> -> memref<128x128xi32, #tpu.memory_space<hbm>>
            %dma_start3A_66 = arith.constant 0 : i32
            %dma_start3A_67 = tpu.memref_slice %arg4[%mul3A_64, %dma_start3A_66] : memref<160000x128xi32, #tpu.memory_space<hbm>> -> memref<128x128xi32, #tpu.memory_space<hbm>>
            tpu.enqueue_dma source(%arg8 : memref<128x128xi32, #tpu.memory_space<vmem>>) target(%dma_start3A_67 : memref<128x128xi32, #tpu.memory_space<hbm>>) target_semaphore(%run_scoped3A : memref<!tpu.dma_semaphore, #tpu.memory_space<semaphore_mem>>)
            %dma_wait3A_68 = arith.constant 0 : i32
            %dma_wait3A_69 = tpu.memref_slice %arg4[%mul3A_64, %dma_wait3A_68] : memref<160000x128xi32, #tpu.memory_space<hbm>> -> memref<128x128xi32, #tpu.memory_space<hbm>>
            %dma_wait3A_70 = arith.constant 0 : i32
            %dma_wait3A_71 = tpu.memref_slice %arg4[%mul3A_64, %dma_wait3A_70] : memref<160000x128xi32, #tpu.memory_space<hbm>> -> memref<128x128xi32, #tpu.memory_space<hbm>>
            tpu.wait_dma2 semaphore(%run_scoped3A : memref<!tpu.dma_semaphore, #tpu.memory_space<semaphore_mem>>) src(%arg8 : memref<128x128xi32, #tpu.memory_space<vmem>>) dst(%dma_wait3A_71 : memref<128x128xi32, #tpu.memory_space<hbm>>)
            tpu.yield
          }) : () -> ()
        } else {
        }
      } else {
      }
    }
    %scan3A_10 = arith.constant 40 : i32
    return
  }
}

#map = affine_map<(d0, d1) -> (0, 0)>
#map1 = affine_map<(d0, d1) -> (0)>
module attributes {stable_mosaic.version = 14 : i64} {
  func.func @gk(%arg0: i32, %arg1: i32, %arg2: memref<10000x128xi32, #tpu.memory_space<hbm>>, %arg3: memref<160000xi32, #tpu.memory_space<hbm>>, %arg4: memref<160000x128xi32, #tpu.memory_space<hbm>>, %arg5: memref<128xi32, #tpu.memory_space<vmem>>, %arg6: memref<128xi32, #tpu.memory_space<vmem>>, %arg7: memref<128x128xi32, #tpu.memory_space<vmem>>, %arg8: memref<128x128xi32, #tpu.memory_space<vmem>>, %arg9: memref<!tpu.dma_semaphore, #tpu.memory_space<semaphore_mem>>, %arg10: memref<!tpu.dma_semaphore, #tpu.memory_space<semaphore_mem>>) attributes {dimension_semantics = [#tpu.dimension_semantics<core_parallel>, #tpu.dimension_semantics<subcore_parallel>], iteration_bounds = array<i64: 2, 16>, scalar_prefetch = 0 : i64, scratch_operands = 6 : i64, tpu.core_type = #tpu.core_type<sc_vector_subcore>, window_params = [{transform_indices = #map}, {transform_indices = #map1}, {transform_indices = #map}]} {
    %mul3A = arith.constant 2 : i32
    %mul3A_0 = arith.muli %arg1, %mul3A : i32
    %add3A = arith.addi %mul3A_0, %arg0 : i32
    %mul3A_1 = arith.constant 40 : i32
    %mul3A_2 = arith.muli %add3A, %mul3A_1 : i32
    %sub3A = arith.constant 1250 : i32
    %sub3A_3 = arith.subi %sub3A, %mul3A_2 : i32
    %jit3A = arith.constant 0 : i32
    %jit3A_4 = arith.constant 40 : i32
    %max3A = arith.maxsi %jit3A, %sub3A_3 : i32
    %min3A = arith.minsi %jit3A_4, %max3A : i32
    %gt3A = arith.constant 0 : i32
    %gt3A_5 = arith.cmpi sgt, %min3A, %gt3A : i32
    %convert_element_type3A = arith.extui %gt3A_5 : i1 to i32
    %cond3A = arith.constant 0 : i32
    %cond3A_6 = arith.cmpi ne, %convert_element_type3A, %cond3A : i32
    scf.if %cond3A_6 {
      %mul3A_11 = arith.constant 40 : i32
      %mul3A_12 = arith.muli %add3A, %mul3A_11 : i32
      %add3A_13 = arith.constant 0 : i32
      %add3A_14 = arith.addi %mul3A_12, %add3A_13 : i32
      %mul3A_15 = arith.constant 128 : i32
      %mul3A_16 = arith.muli %add3A_14, %mul3A_15 : i32
      "tpu.region"() ({
        %run_scoped3A = tpu.sem_alloc : memref<!tpu.dma_semaphore, #tpu.memory_space<semaphore_mem>>
        %dma_start3A_19 = tpu.memref_slice %arg3[%mul3A_16] : memref<160000xi32, #tpu.memory_space<hbm>> -> memref<128xi32, #tpu.memory_space<hbm>>
        %dma_start3A_20 = tpu.memref_slice %arg3[%mul3A_16] : memref<160000xi32, #tpu.memory_space<hbm>> -> memref<128xi32, #tpu.memory_space<hbm>>
        tpu.enqueue_dma source(%dma_start3A_20 : memref<128xi32, #tpu.memory_space<hbm>>) target(%arg5 : memref<128xi32, #tpu.memory_space<vmem>>) target_semaphore(%run_scoped3A : memref<!tpu.dma_semaphore, #tpu.memory_space<semaphore_mem>>)
        %dma_wait3A = tpu.memref_slice %arg3[%mul3A_16] : memref<160000xi32, #tpu.memory_space<hbm>> -> memref<128xi32, #tpu.memory_space<hbm>>
        %dma_wait3A_21 = tpu.memref_slice %arg3[%mul3A_16] : memref<160000xi32, #tpu.memory_space<hbm>> -> memref<128xi32, #tpu.memory_space<hbm>>
        tpu.wait_dma2 semaphore(%run_scoped3A : memref<!tpu.dma_semaphore, #tpu.memory_space<semaphore_mem>>) src(%dma_wait3A_21 : memref<128xi32, #tpu.memory_space<hbm>>) dst(%arg5 : memref<128xi32, #tpu.memory_space<vmem>>)
        tpu.yield
      }) : () -> ()
      %dma_start3A = arith.constant 0 : i32
      %dma_start3A_17 = arith.constant 0 : i32
      %dma_start3A_18 = tpu.memref_slice %arg2[%dma_start3A, %dma_start3A_17] : memref<10000x128xi32, #tpu.memory_space<hbm>> -> memref<10000x128xi32, #tpu.memory_space<hbm>>
      tpu.enqueue_indirect_dma source(%dma_start3A_18 : memref<10000x128xi32, #tpu.memory_space<hbm>>) target(%arg7 : memref<128x128xi32, #tpu.memory_space<vmem>>) offsets(%arg5 : memref<128xi32, #tpu.memory_space<vmem>>) semaphore(%arg9 : memref<!tpu.dma_semaphore, #tpu.memory_space<semaphore_mem>>)
    } else {
    }
    %scan3A = arith.constant 0 : i32
    %scan3A_7 = arith.constant 40 : i32
    %scan3A_8 = arith.addi %scan3A, %scan3A_7 : i32
    %scan3A_9 = arith.constant 1 : i32
    scf.for %scan3A_11 = %scan3A to %scan3A_8 step %scan3A_9  : i32 {
      %lt3A = arith.cmpi slt, %scan3A_11, %min3A : i32
      %convert_element_type3A_12 = arith.extui %lt3A : i1 to i32
      %cond3A_13 = arith.constant 0 : i32
      %cond3A_14 = arith.cmpi ne, %convert_element_type3A_12, %cond3A_13 : i32
      scf.if %cond3A_14 {
        %jit3A_15 = arith.constant 2 : i32
        %eq3A = arith.constant 0 : i32
        %eq3A_16 = arith.cmpi eq, %jit3A_15, %eq3A : i32
        %jit3A_17 = arith.constant 1 : i32
        %select_n3A = arith.select %eq3A_16, %jit3A_17, %jit3A_15 : i32
        %rem3A = arith.remsi %scan3A_11, %select_n3A : i32
        %ne3A = arith.constant 0 : i32
        %ne3A_18 = arith.cmpi ne, %rem3A, %ne3A : i32
        %lt3A_19 = arith.constant 0 : i32
        %lt3A_20 = arith.cmpi slt, %rem3A, %lt3A_19 : i32
        %lt3A_21 = arith.constant 0 : i32
        %lt3A_22 = arith.cmpi slt, %select_n3A, %lt3A_21 : i32
        %ne3A_23 = arith.xori %lt3A_20, %lt3A_22 : i1
        %and3A = arith.andi %ne3A_23, %ne3A_18 : i1
        %add3A_24 = arith.addi %rem3A, %select_n3A : i32
        %select_n3A_25 = arith.select %and3A, %add3A_24, %rem3A : i32
        %eq3A_26 = arith.constant 0 : i32
        %eq3A_27 = arith.cmpi eq, %select_n3A_25, %eq3A_26 : i32
        %convert_element_type3A_28 = arith.extui %eq3A_27 : i1 to i32
        %cond3A_29 = arith.constant 0 : i32
        %cond3A_30 = arith.cmpi ne, %convert_element_type3A_28, %cond3A_29 : i32
        scf.if %cond3A_30 {
          %add3A_52 = arith.constant 1 : i32
          %add3A_53 = arith.addi %scan3A_11, %add3A_52 : i32
          %lt3A_54 = arith.cmpi slt, %add3A_53, %min3A : i32
          %convert_element_type3A_55 = arith.extui %lt3A_54 : i1 to i32
          %cond3A_56 = arith.constant 0 : i32
          %cond3A_57 = arith.cmpi ne, %convert_element_type3A_55, %cond3A_56 : i32
          scf.if %cond3A_57 {
            %add3A_65 = arith.constant 1 : i32
            %add3A_66 = arith.addi %scan3A_11, %add3A_65 : i32
            %mul3A_67 = arith.constant 40 : i32
            %mul3A_68 = arith.muli %add3A, %mul3A_67 : i32
            %add3A_69 = arith.addi %mul3A_68, %add3A_66 : i32
            %mul3A_70 = arith.constant 128 : i32
            %mul3A_71 = arith.muli %add3A_69, %mul3A_70 : i32
            "tpu.region"() ({
              %run_scoped3A = tpu.sem_alloc : memref<!tpu.dma_semaphore, #tpu.memory_space<semaphore_mem>>
              %dma_start3A_74 = tpu.memref_slice %arg3[%mul3A_71] : memref<160000xi32, #tpu.memory_space<hbm>> -> memref<128xi32, #tpu.memory_space<hbm>>
              %dma_start3A_75 = tpu.memref_slice %arg3[%mul3A_71] : memref<160000xi32, #tpu.memory_space<hbm>> -> memref<128xi32, #tpu.memory_space<hbm>>
              tpu.enqueue_dma source(%dma_start3A_75 : memref<128xi32, #tpu.memory_space<hbm>>) target(%arg6 : memref<128xi32, #tpu.memory_space<vmem>>) target_semaphore(%run_scoped3A : memref<!tpu.dma_semaphore, #tpu.memory_space<semaphore_mem>>)
              %dma_wait3A_76 = tpu.memref_slice %arg3[%mul3A_71] : memref<160000xi32, #tpu.memory_space<hbm>> -> memref<128xi32, #tpu.memory_space<hbm>>
              %dma_wait3A_77 = tpu.memref_slice %arg3[%mul3A_71] : memref<160000xi32, #tpu.memory_space<hbm>> -> memref<128xi32, #tpu.memory_space<hbm>>
              tpu.wait_dma2 semaphore(%run_scoped3A : memref<!tpu.dma_semaphore, #tpu.memory_space<semaphore_mem>>) src(%dma_wait3A_77 : memref<128xi32, #tpu.memory_space<hbm>>) dst(%arg6 : memref<128xi32, #tpu.memory_space<vmem>>)
              tpu.yield
            }) : () -> ()
            %dma_start3A = arith.constant 0 : i32
            %dma_start3A_72 = arith.constant 0 : i32
            %dma_start3A_73 = tpu.memref_slice %arg2[%dma_start3A, %dma_start3A_72] : memref<10000x128xi32, #tpu.memory_space<hbm>> -> memref<10000x128xi32, #tpu.memory_space<hbm>>
            tpu.enqueue_indirect_dma source(%dma_start3A_73 : memref<10000x128xi32, #tpu.memory_space<hbm>>) target(%arg8 : memref<128x128xi32, #tpu.memory_space<vmem>>) offsets(%arg6 : memref<128xi32, #tpu.memory_space<vmem>>) semaphore(%arg10 : memref<!tpu.dma_semaphore, #tpu.memory_space<semaphore_mem>>)
          } else {
          }
          %dma_wait3A = arith.constant 0 : i32
          %dma_wait3A_58 = arith.constant 0 : i32
          %dma_wait3A_59 = tpu.memref_slice %arg2[%dma_wait3A, %dma_wait3A_58] : memref<10000x128xi32, #tpu.memory_space<hbm>> -> memref<10000x128xi32, #tpu.memory_space<hbm>>
          tpu.wait_indirect_dma semaphore(%arg9 : memref<!tpu.dma_semaphore, #tpu.memory_space<semaphore_mem>>) src(%dma_wait3A_59 : memref<10000x128xi32, #tpu.memory_space<hbm>>) dst(%arg7 : memref<128x128xi32, #tpu.memory_space<vmem>>)
          %mul3A_60 = arith.constant 40 : i32
          %mul3A_61 = arith.muli %add3A, %mul3A_60 : i32
          %add3A_62 = arith.addi %mul3A_61, %scan3A_11 : i32
          %mul3A_63 = arith.constant 128 : i32
          %mul3A_64 = arith.muli %add3A_62, %mul3A_63 : i32
          "tpu.region"() ({
            %run_scoped3A = tpu.sem_alloc : memref<!tpu.dma_semaphore, #tpu.memory_space<semaphore_mem>>
            %dma_start3A = arith.constant 0 : i32
            %dma_start3A_65 = tpu.memref_slice %arg4[%mul3A_64, %dma_start3A] : memref<160000x128xi32, #tpu.memory_space<hbm>> -> memref<128x128xi32, #tpu.memory_space<hbm>>
            %dma_start3A_66 = arith.constant 0 : i32
            %dma_start3A_67 = tpu.memref_slice %arg4[%mul3A_64, %dma_start3A_66] : memref<160000x128xi32, #tpu.memory_space<hbm>> -> memref<128x128xi32, #tpu.memory_space<hbm>>
            tpu.enqueue_dma source(%arg7 : memref<128x128xi32, #tpu.memory_space<vmem>>) target(%dma_start3A_67 : memref<128x128xi32, #tpu.memory_space<hbm>>) target_semaphore(%run_scoped3A : memref<!tpu.dma_semaphore, #tpu.memory_space<semaphore_mem>>)
            %dma_wait3A_68 = arith.constant 0 : i32
            %dma_wait3A_69 = tpu.memref_slice %arg4[%mul3A_64, %dma_wait3A_68] : memref<160000x128xi32, #tpu.memory_space<hbm>> -> memref<128x128xi32, #tpu.memory_space<hbm>>
            %dma_wait3A_70 = arith.constant 0 : i32
            %dma_wait3A_71 = tpu.memref_slice %arg4[%mul3A_64, %dma_wait3A_70] : memref<160000x128xi32, #tpu.memory_space<hbm>> -> memref<128x128xi32, #tpu.memory_space<hbm>>
            tpu.wait_dma2 semaphore(%run_scoped3A : memref<!tpu.dma_semaphore, #tpu.memory_space<semaphore_mem>>) src(%arg7 : memref<128x128xi32, #tpu.memory_space<vmem>>) dst(%dma_wait3A_71 : memref<128x128xi32, #tpu.memory_space<hbm>>)
            tpu.yield
          }) : () -> ()
        } else {
        }
        %jit3A_31 = arith.constant 2 : i32
        %eq3A_32 = arith.constant 0 : i32
        %eq3A_33 = arith.cmpi eq, %jit3A_31, %eq3A_32 : i32
        %jit3A_34 = arith.constant 1 : i32
        %select_n3A_35 = arith.select %eq3A_33, %jit3A_34, %jit3A_31 : i32
        %rem3A_36 = arith.remsi %scan3A_11, %select_n3A_35 : i32
        %ne3A_37 = arith.constant 0 : i32
        %ne3A_38 = arith.cmpi ne, %rem3A_36, %ne3A_37 : i32
        %lt3A_39 = arith.constant 0 : i32
        %lt3A_40 = arith.cmpi slt, %rem3A_36, %lt3A_39 : i32
        %lt3A_41 = arith.constant 0 : i32
        %lt3A_42 = arith.cmpi slt, %select_n3A_35, %lt3A_41 : i32
        %ne3A_43 = arith.xori %lt3A_40, %lt3A_42 : i1
        %and3A_44 = arith.andi %ne3A_43, %ne3A_38 : i1
        %add3A_45 = arith.addi %rem3A_36, %select_n3A_35 : i32
        %select_n3A_46 = arith.select %and3A_44, %add3A_45, %rem3A_36 : i32
        %eq3A_47 = arith.constant 1 : i32
        %eq3A_48 = arith.cmpi eq, %select_n3A_46, %eq3A_47 : i32
        %convert_element_type3A_49 = arith.extui %eq3A_48 : i1 to i32
        %cond3A_50 = arith.constant 0 : i32
        %cond3A_51 = arith.cmpi ne, %convert_element_type3A_49, %cond3A_50 : i32
        scf.if %cond3A_51 {
          %add3A_52 = arith.constant 1 : i32
          %add3A_53 = arith.addi %scan3A_11, %add3A_52 : i32
          %lt3A_54 = arith.cmpi slt, %add3A_53, %min3A : i32
          %convert_element_type3A_55 = arith.extui %lt3A_54 : i1 to i32
          %cond3A_56 = arith.constant 0 : i32
          %cond3A_57 = arith.cmpi ne, %convert_element_type3A_55, %cond3A_56 : i32
          scf.if %cond3A_57 {
            %add3A_65 = arith.constant 1 : i32
            %add3A_66 = arith.addi %scan3A_11, %add3A_65 : i32
            %mul3A_67 = arith.constant 40 : i32
            %mul3A_68 = arith.muli %add3A, %mul3A_67 : i32
            %add3A_69 = arith.addi %mul3A_68, %add3A_66 : i32
            %mul3A_70 = arith.constant 128 : i32
            %mul3A_71 = arith.muli %add3A_69, %mul3A_70 : i32
            "tpu.region"() ({
              %run_scoped3A = tpu.sem_alloc : memref<!tpu.dma_semaphore, #tpu.memory_space<semaphore_mem>>
              %dma_start3A_74 = tpu.memref_slice %arg3[%mul3A_71] : memref<160000xi32, #tpu.memory_space<hbm>> -> memref<128xi32, #tpu.memory_space<hbm>>
              %dma_start3A_75 = tpu.memref_slice %arg3[%mul3A_71] : memref<160000xi32, #tpu.memory_space<hbm>> -> memref<128xi32, #tpu.memory_space<hbm>>
              tpu.enqueue_dma source(%dma_start3A_75 : memref<128xi32, #tpu.memory_space<hbm>>) target(%arg5 : memref<128xi32, #tpu.memory_space<vmem>>) target_semaphore(%run_scoped3A : memref<!tpu.dma_semaphore, #tpu.memory_space<semaphore_mem>>)
              %dma_wait3A_76 = tpu.memref_slice %arg3[%mul3A_71] : memref<160000xi32, #tpu.memory_space<hbm>> -> memref<128xi32, #tpu.memory_space<hbm>>
              %dma_wait3A_77 = tpu.memref_slice %arg3[%mul3A_71] : memref<160000xi32, #tpu.memory_space<hbm>> -> memref<128xi32, #tpu.memory_space<hbm>>
              tpu.wait_dma2 semaphore(%run_scoped3A : memref<!tpu.dma_semaphore, #tpu.memory_space<semaphore_mem>>) src(%dma_wait3A_77 : memref<128xi32, #tpu.memory_space<hbm>>) dst(%arg5 : memref<128xi32, #tpu.memory_space<vmem>>)
              tpu.yield
            }) : () -> ()
            %dma_start3A = arith.constant 0 : i32
            %dma_start3A_72 = arith.constant 0 : i32
            %dma_start3A_73 = tpu.memref_slice %arg2[%dma_start3A, %dma_start3A_72] : memref<10000x128xi32, #tpu.memory_space<hbm>> -> memref<10000x128xi32, #tpu.memory_space<hbm>>
            tpu.enqueue_indirect_dma source(%dma_start3A_73 : memref<10000x128xi32, #tpu.memory_space<hbm>>) target(%arg7 : memref<128x128xi32, #tpu.memory_space<vmem>>) offsets(%arg5 : memref<128xi32, #tpu.memory_space<vmem>>) semaphore(%arg9 : memref<!tpu.dma_semaphore, #tpu.memory_space<semaphore_mem>>)
          } else {
          }
          %dma_wait3A = arith.constant 0 : i32
          %dma_wait3A_58 = arith.constant 0 : i32
          %dma_wait3A_59 = tpu.memref_slice %arg2[%dma_wait3A, %dma_wait3A_58] : memref<10000x128xi32, #tpu.memory_space<hbm>> -> memref<10000x128xi32, #tpu.memory_space<hbm>>
          tpu.wait_indirect_dma semaphore(%arg10 : memref<!tpu.dma_semaphore, #tpu.memory_space<semaphore_mem>>) src(%dma_wait3A_59 : memref<10000x128xi32, #tpu.memory_space<hbm>>) dst(%arg8 : memref<128x128xi32, #tpu.memory_space<vmem>>)
          %mul3A_60 = arith.constant 40 : i32
          %mul3A_61 = arith.muli %add3A, %mul3A_60 : i32
          %add3A_62 = arith.addi %mul3A_61, %scan3A_11 : i32
          %mul3A_63 = arith.constant 128 : i32
          %mul3A_64 = arith.muli %add3A_62, %mul3A_63 : i32
          "tpu.region"() ({
            %run_scoped3A = tpu.sem_alloc : memref<!tpu.dma_semaphore, #tpu.memory_space<semaphore_mem>>
            %dma_start3A = arith.constant 0 : i32
            %dma_start3A_65 = tpu.memref_slice %arg4[%mul3A_64, %dma_start3A] : memref<160000x128xi32, #tpu.memory_space<hbm>> -> memref<128x128xi32, #tpu.memory_space<hbm>>
            %dma_start3A_66 = arith.constant 0 : i32
            %dma_start3A_67 = tpu.memref_slice %arg4[%mul3A_64, %dma_start3A_66] : memref<160000x128xi32, #tpu.memory_space<hbm>> -> memref<128x128xi32, #tpu.memory_space<hbm>>
            tpu.enqueue_dma source(%arg8 : memref<128x128xi32, #tpu.memory_space<vmem>>) target(%dma_start3A_67 : memref<128x128xi32, #tpu.memory_space<hbm>>) target_semaphore(%run_scoped3A : memref<!tpu.dma_semaphore, #tpu.memory_space<semaphore_mem>>)
            %dma_wait3A_68 = arith.constant 0 : i32
            %dma_wait3A_69 = tpu.memref_slice %arg4[%mul3A_64, %dma_wait3A_68] : memref<160000x128xi32, #tpu.memory_space<hbm>> -> memref<128x128xi32, #tpu.memory_space<hbm>>
            %dma_wait3A_70 = arith.constant 0 : i32
            %dma_wait3A_71 = tpu.memref_slice %arg4[%mul3A_64, %dma_wait3A_70] : memref<160000x128xi32, #tpu.memory_space<hbm>> -> memref<128x128xi32, #tpu.memory_space<hbm>>
            tpu.wait_dma2 semaphore(%run_scoped3A : memref<!tpu.dma_semaphore, #tpu.memory_space<semaphore_mem>>) src(%arg8 : memref<128x128xi32, #tpu.memory_space<vmem>>) dst(%dma_wait3A_71 : memref<128x128xi32, #tpu.memory_space<hbm>>)
            tpu.yield
          }) : () -> ()
        } else {
        }
      } else {
      }
    }
    %scan3A_10 = arith.constant 40 : i32
    return
  }
}

#map = affine_map<(d0, d1) -> (0, 0)>
#map1 = affine_map<(d0, d1) -> (0)>
module attributes {stable_mosaic.version = 14 : i64} {
  func.func @gk(%arg0: i32, %arg1: i32, %arg2: memref<10000x128xi32, #tpu.memory_space<hbm>>, %arg3: memref<160000xi32, #tpu.memory_space<hbm>>, %arg4: memref<160000x128xi32, #tpu.memory_space<hbm>>, %arg5: memref<128xi32, #tpu.memory_space<vmem>>, %arg6: memref<128xi32, #tpu.memory_space<vmem>>, %arg7: memref<128x128xi32, #tpu.memory_space<vmem>>, %arg8: memref<128x128xi32, #tpu.memory_space<vmem>>, %arg9: memref<!tpu.dma_semaphore, #tpu.memory_space<semaphore_mem>>, %arg10: memref<!tpu.dma_semaphore, #tpu.memory_space<semaphore_mem>>) attributes {dimension_semantics = [#tpu.dimension_semantics<core_parallel>, #tpu.dimension_semantics<subcore_parallel>], iteration_bounds = array<i64: 2, 16>, scalar_prefetch = 0 : i64, scratch_operands = 6 : i64, tpu.core_type = #tpu.core_type<sc_vector_subcore>, window_params = [{transform_indices = #map}, {transform_indices = #map1}, {transform_indices = #map}]} {
    %mul3A = arith.constant 2 : i32
    %mul3A_0 = arith.muli %arg1, %mul3A : i32
    %add3A = arith.addi %mul3A_0, %arg0 : i32
    %mul3A_1 = arith.constant 40 : i32
    %mul3A_2 = arith.muli %add3A, %mul3A_1 : i32
    %sub3A = arith.constant 1250 : i32
    %sub3A_3 = arith.subi %sub3A, %mul3A_2 : i32
    %jit3A = arith.constant 0 : i32
    %jit3A_4 = arith.constant 40 : i32
    %max3A = arith.maxsi %jit3A, %sub3A_3 : i32
    %min3A = arith.minsi %jit3A_4, %max3A : i32
    %gt3A = arith.constant 0 : i32
    %gt3A_5 = arith.cmpi sgt, %min3A, %gt3A : i32
    %convert_element_type3A = arith.extui %gt3A_5 : i1 to i32
    %cond3A = arith.constant 0 : i32
    %cond3A_6 = arith.cmpi ne, %convert_element_type3A, %cond3A : i32
    scf.if %cond3A_6 {
      %mul3A_11 = arith.constant 40 : i32
      %mul3A_12 = arith.muli %add3A, %mul3A_11 : i32
      %add3A_13 = arith.constant 0 : i32
      %add3A_14 = arith.addi %mul3A_12, %add3A_13 : i32
      %mul3A_15 = arith.constant 128 : i32
      %mul3A_16 = arith.muli %add3A_14, %mul3A_15 : i32
      "tpu.region"() ({
        %run_scoped3A = tpu.sem_alloc : memref<!tpu.dma_semaphore, #tpu.memory_space<semaphore_mem>>
        %dma_start3A_19 = tpu.memref_slice %arg3[%mul3A_16] : memref<160000xi32, #tpu.memory_space<hbm>> -> memref<128xi32, #tpu.memory_space<hbm>>
        %dma_start3A_20 = tpu.memref_slice %arg3[%mul3A_16] : memref<160000xi32, #tpu.memory_space<hbm>> -> memref<128xi32, #tpu.memory_space<hbm>>
        tpu.enqueue_dma source(%dma_start3A_20 : memref<128xi32, #tpu.memory_space<hbm>>) target(%arg5 : memref<128xi32, #tpu.memory_space<vmem>>) target_semaphore(%run_scoped3A : memref<!tpu.dma_semaphore, #tpu.memory_space<semaphore_mem>>)
        %dma_wait3A = tpu.memref_slice %arg3[%mul3A_16] : memref<160000xi32, #tpu.memory_space<hbm>> -> memref<128xi32, #tpu.memory_space<hbm>>
        %dma_wait3A_21 = tpu.memref_slice %arg3[%mul3A_16] : memref<160000xi32, #tpu.memory_space<hbm>> -> memref<128xi32, #tpu.memory_space<hbm>>
        tpu.wait_dma2 semaphore(%run_scoped3A : memref<!tpu.dma_semaphore, #tpu.memory_space<semaphore_mem>>) src(%dma_wait3A_21 : memref<128xi32, #tpu.memory_space<hbm>>) dst(%arg5 : memref<128xi32, #tpu.memory_space<vmem>>)
        tpu.yield
      }) : () -> ()
      %dma_start3A = arith.constant 0 : i32
      %dma_start3A_17 = arith.constant 0 : i32
      %dma_start3A_18 = tpu.memref_slice %arg2[%dma_start3A, %dma_start3A_17] : memref<10000x128xi32, #tpu.memory_space<hbm>> -> memref<10000x128xi32, #tpu.memory_space<hbm>>
      tpu.enqueue_indirect_dma source(%dma_start3A_18 : memref<10000x128xi32, #tpu.memory_space<hbm>>) target(%arg7 : memref<128x128xi32, #tpu.memory_space<vmem>>) offsets(%arg5 : memref<128xi32, #tpu.memory_space<vmem>>) semaphore(%arg9 : memref<!tpu.dma_semaphore, #tpu.memory_space<semaphore_mem>>)
    } else {
    }
    %scan3A = arith.constant 0 : i32
    %scan3A_7 = arith.constant 40 : i32
    %scan3A_8 = arith.addi %scan3A, %scan3A_7 : i32
    %scan3A_9 = arith.constant 1 : i32
    scf.for %scan3A_11 = %scan3A to %scan3A_8 step %scan3A_9  : i32 {
      %lt3A = arith.cmpi slt, %scan3A_11, %min3A : i32
      %convert_element_type3A_12 = arith.extui %lt3A : i1 to i32
      %cond3A_13 = arith.constant 0 : i32
      %cond3A_14 = arith.cmpi ne, %convert_element_type3A_12, %cond3A_13 : i32
      scf.if %cond3A_14 {
        %jit3A_15 = arith.constant 2 : i32
        %eq3A = arith.constant 0 : i32
        %eq3A_16 = arith.cmpi eq, %jit3A_15, %eq3A : i32
        %jit3A_17 = arith.constant 1 : i32
        %select_n3A = arith.select %eq3A_16, %jit3A_17, %jit3A_15 : i32
        %rem3A = arith.remsi %scan3A_11, %select_n3A : i32
        %ne3A = arith.constant 0 : i32
        %ne3A_18 = arith.cmpi ne, %rem3A, %ne3A : i32
        %lt3A_19 = arith.constant 0 : i32
        %lt3A_20 = arith.cmpi slt, %rem3A, %lt3A_19 : i32
        %lt3A_21 = arith.constant 0 : i32
        %lt3A_22 = arith.cmpi slt, %select_n3A, %lt3A_21 : i32
        %ne3A_23 = arith.xori %lt3A_20, %lt3A_22 : i1
        %and3A = arith.andi %ne3A_23, %ne3A_18 : i1
        %add3A_24 = arith.addi %rem3A, %select_n3A : i32
        %select_n3A_25 = arith.select %and3A, %add3A_24, %rem3A : i32
        %eq3A_26 = arith.constant 0 : i32
        %eq3A_27 = arith.cmpi eq, %select_n3A_25, %eq3A_26 : i32
        %convert_element_type3A_28 = arith.extui %eq3A_27 : i1 to i32
        %cond3A_29 = arith.constant 0 : i32
        %cond3A_30 = arith.cmpi ne, %convert_element_type3A_28, %cond3A_29 : i32
        scf.if %cond3A_30 {
          %add3A_52 = arith.constant 1 : i32
          %add3A_53 = arith.addi %scan3A_11, %add3A_52 : i32
          %lt3A_54 = arith.cmpi slt, %add3A_53, %min3A : i32
          %convert_element_type3A_55 = arith.extui %lt3A_54 : i1 to i32
          %cond3A_56 = arith.constant 0 : i32
          %cond3A_57 = arith.cmpi ne, %convert_element_type3A_55, %cond3A_56 : i32
          scf.if %cond3A_57 {
            %add3A_65 = arith.constant 1 : i32
            %add3A_66 = arith.addi %scan3A_11, %add3A_65 : i32
            %mul3A_67 = arith.constant 40 : i32
            %mul3A_68 = arith.muli %add3A, %mul3A_67 : i32
            %add3A_69 = arith.addi %mul3A_68, %add3A_66 : i32
            %mul3A_70 = arith.constant 128 : i32
            %mul3A_71 = arith.muli %add3A_69, %mul3A_70 : i32
            "tpu.region"() ({
              %run_scoped3A = tpu.sem_alloc : memref<!tpu.dma_semaphore, #tpu.memory_space<semaphore_mem>>
              %dma_start3A_74 = tpu.memref_slice %arg3[%mul3A_71] : memref<160000xi32, #tpu.memory_space<hbm>> -> memref<128xi32, #tpu.memory_space<hbm>>
              %dma_start3A_75 = tpu.memref_slice %arg3[%mul3A_71] : memref<160000xi32, #tpu.memory_space<hbm>> -> memref<128xi32, #tpu.memory_space<hbm>>
              tpu.enqueue_dma source(%dma_start3A_75 : memref<128xi32, #tpu.memory_space<hbm>>) target(%arg6 : memref<128xi32, #tpu.memory_space<vmem>>) target_semaphore(%run_scoped3A : memref<!tpu.dma_semaphore, #tpu.memory_space<semaphore_mem>>)
              %dma_wait3A_76 = tpu.memref_slice %arg3[%mul3A_71] : memref<160000xi32, #tpu.memory_space<hbm>> -> memref<128xi32, #tpu.memory_space<hbm>>
              %dma_wait3A_77 = tpu.memref_slice %arg3[%mul3A_71] : memref<160000xi32, #tpu.memory_space<hbm>> -> memref<128xi32, #tpu.memory_space<hbm>>
              tpu.wait_dma2 semaphore(%run_scoped3A : memref<!tpu.dma_semaphore, #tpu.memory_space<semaphore_mem>>) src(%dma_wait3A_77 : memref<128xi32, #tpu.memory_space<hbm>>) dst(%arg6 : memref<128xi32, #tpu.memory_space<vmem>>)
              tpu.yield
            }) : () -> ()
            %dma_start3A = arith.constant 0 : i32
            %dma_start3A_72 = arith.constant 0 : i32
            %dma_start3A_73 = tpu.memref_slice %arg2[%dma_start3A, %dma_start3A_72] : memref<10000x128xi32, #tpu.memory_space<hbm>> -> memref<10000x128xi32, #tpu.memory_space<hbm>>
            tpu.enqueue_indirect_dma source(%dma_start3A_73 : memref<10000x128xi32, #tpu.memory_space<hbm>>) target(%arg8 : memref<128x128xi32, #tpu.memory_space<vmem>>) offsets(%arg6 : memref<128xi32, #tpu.memory_space<vmem>>) semaphore(%arg10 : memref<!tpu.dma_semaphore, #tpu.memory_space<semaphore_mem>>)
          } else {
          }
          %dma_wait3A = arith.constant 0 : i32
          %dma_wait3A_58 = arith.constant 0 : i32
          %dma_wait3A_59 = tpu.memref_slice %arg2[%dma_wait3A, %dma_wait3A_58] : memref<10000x128xi32, #tpu.memory_space<hbm>> -> memref<10000x128xi32, #tpu.memory_space<hbm>>
          tpu.wait_indirect_dma semaphore(%arg9 : memref<!tpu.dma_semaphore, #tpu.memory_space<semaphore_mem>>) src(%dma_wait3A_59 : memref<10000x128xi32, #tpu.memory_space<hbm>>) dst(%arg7 : memref<128x128xi32, #tpu.memory_space<vmem>>)
          %mul3A_60 = arith.constant 40 : i32
          %mul3A_61 = arith.muli %add3A, %mul3A_60 : i32
          %add3A_62 = arith.addi %mul3A_61, %scan3A_11 : i32
          %mul3A_63 = arith.constant 128 : i32
          %mul3A_64 = arith.muli %add3A_62, %mul3A_63 : i32
          "tpu.region"() ({
            %run_scoped3A = tpu.sem_alloc : memref<!tpu.dma_semaphore, #tpu.memory_space<semaphore_mem>>
            %dma_start3A = arith.constant 0 : i32
            %dma_start3A_65 = tpu.memref_slice %arg4[%mul3A_64, %dma_start3A] : memref<160000x128xi32, #tpu.memory_space<hbm>> -> memref<128x128xi32, #tpu.memory_space<hbm>>
            %dma_start3A_66 = arith.constant 0 : i32
            %dma_start3A_67 = tpu.memref_slice %arg4[%mul3A_64, %dma_start3A_66] : memref<160000x128xi32, #tpu.memory_space<hbm>> -> memref<128x128xi32, #tpu.memory_space<hbm>>
            tpu.enqueue_dma source(%arg7 : memref<128x128xi32, #tpu.memory_space<vmem>>) target(%dma_start3A_67 : memref<128x128xi32, #tpu.memory_space<hbm>>) target_semaphore(%run_scoped3A : memref<!tpu.dma_semaphore, #tpu.memory_space<semaphore_mem>>)
            %dma_wait3A_68 = arith.constant 0 : i32
            %dma_wait3A_69 = tpu.memref_slice %arg4[%mul3A_64, %dma_wait3A_68] : memref<160000x128xi32, #tpu.memory_space<hbm>> -> memref<128x128xi32, #tpu.memory_space<hbm>>
            %dma_wait3A_70 = arith.constant 0 : i32
            %dma_wait3A_71 = tpu.memref_slice %arg4[%mul3A_64, %dma_wait3A_70] : memref<160000x128xi32, #tpu.memory_space<hbm>> -> memref<128x128xi32, #tpu.memory_space<hbm>>
            tpu.wait_dma2 semaphore(%run_scoped3A : memref<!tpu.dma_semaphore, #tpu.memory_space<semaphore_mem>>) src(%arg7 : memref<128x128xi32, #tpu.memory_space<vmem>>) dst(%dma_wait3A_71 : memref<128x128xi32, #tpu.memory_space<hbm>>)
            tpu.yield
          }) : () -> ()
        } else {
        }
        %jit3A_31 = arith.constant 2 : i32
        %eq3A_32 = arith.constant 0 : i32
        %eq3A_33 = arith.cmpi eq, %jit3A_31, %eq3A_32 : i32
        %jit3A_34 = arith.constant 1 : i32
        %select_n3A_35 = arith.select %eq3A_33, %jit3A_34, %jit3A_31 : i32
        %rem3A_36 = arith.remsi %scan3A_11, %select_n3A_35 : i32
        %ne3A_37 = arith.constant 0 : i32
        %ne3A_38 = arith.cmpi ne, %rem3A_36, %ne3A_37 : i32
        %lt3A_39 = arith.constant 0 : i32
        %lt3A_40 = arith.cmpi slt, %rem3A_36, %lt3A_39 : i32
        %lt3A_41 = arith.constant 0 : i32
        %lt3A_42 = arith.cmpi slt, %select_n3A_35, %lt3A_41 : i32
        %ne3A_43 = arith.xori %lt3A_40, %lt3A_42 : i1
        %and3A_44 = arith.andi %ne3A_43, %ne3A_38 : i1
        %add3A_45 = arith.addi %rem3A_36, %select_n3A_35 : i32
        %select_n3A_46 = arith.select %and3A_44, %add3A_45, %rem3A_36 : i32
        %eq3A_47 = arith.constant 1 : i32
        %eq3A_48 = arith.cmpi eq, %select_n3A_46, %eq3A_47 : i32
        %convert_element_type3A_49 = arith.extui %eq3A_48 : i1 to i32
        %cond3A_50 = arith.constant 0 : i32
        %cond3A_51 = arith.cmpi ne, %convert_element_type3A_49, %cond3A_50 : i32
        scf.if %cond3A_51 {
          %add3A_52 = arith.constant 1 : i32
          %add3A_53 = arith.addi %scan3A_11, %add3A_52 : i32
          %lt3A_54 = arith.cmpi slt, %add3A_53, %min3A : i32
          %convert_element_type3A_55 = arith.extui %lt3A_54 : i1 to i32
          %cond3A_56 = arith.constant 0 : i32
          %cond3A_57 = arith.cmpi ne, %convert_element_type3A_55, %cond3A_56 : i32
          scf.if %cond3A_57 {
            %add3A_65 = arith.constant 1 : i32
            %add3A_66 = arith.addi %scan3A_11, %add3A_65 : i32
            %mul3A_67 = arith.constant 40 : i32
            %mul3A_68 = arith.muli %add3A, %mul3A_67 : i32
            %add3A_69 = arith.addi %mul3A_68, %add3A_66 : i32
            %mul3A_70 = arith.constant 128 : i32
            %mul3A_71 = arith.muli %add3A_69, %mul3A_70 : i32
            "tpu.region"() ({
              %run_scoped3A = tpu.sem_alloc : memref<!tpu.dma_semaphore, #tpu.memory_space<semaphore_mem>>
              %dma_start3A_74 = tpu.memref_slice %arg3[%mul3A_71] : memref<160000xi32, #tpu.memory_space<hbm>> -> memref<128xi32, #tpu.memory_space<hbm>>
              %dma_start3A_75 = tpu.memref_slice %arg3[%mul3A_71] : memref<160000xi32, #tpu.memory_space<hbm>> -> memref<128xi32, #tpu.memory_space<hbm>>
              tpu.enqueue_dma source(%dma_start3A_75 : memref<128xi32, #tpu.memory_space<hbm>>) target(%arg5 : memref<128xi32, #tpu.memory_space<vmem>>) target_semaphore(%run_scoped3A : memref<!tpu.dma_semaphore, #tpu.memory_space<semaphore_mem>>)
              %dma_wait3A_76 = tpu.memref_slice %arg3[%mul3A_71] : memref<160000xi32, #tpu.memory_space<hbm>> -> memref<128xi32, #tpu.memory_space<hbm>>
              %dma_wait3A_77 = tpu.memref_slice %arg3[%mul3A_71] : memref<160000xi32, #tpu.memory_space<hbm>> -> memref<128xi32, #tpu.memory_space<hbm>>
              tpu.wait_dma2 semaphore(%run_scoped3A : memref<!tpu.dma_semaphore, #tpu.memory_space<semaphore_mem>>) src(%dma_wait3A_77 : memref<128xi32, #tpu.memory_space<hbm>>) dst(%arg5 : memref<128xi32, #tpu.memory_space<vmem>>)
              tpu.yield
            }) : () -> ()
            %dma_start3A = arith.constant 0 : i32
            %dma_start3A_72 = arith.constant 0 : i32
            %dma_start3A_73 = tpu.memref_slice %arg2[%dma_start3A, %dma_start3A_72] : memref<10000x128xi32, #tpu.memory_space<hbm>> -> memref<10000x128xi32, #tpu.memory_space<hbm>>
            tpu.enqueue_indirect_dma source(%dma_start3A_73 : memref<10000x128xi32, #tpu.memory_space<hbm>>) target(%arg7 : memref<128x128xi32, #tpu.memory_space<vmem>>) offsets(%arg5 : memref<128xi32, #tpu.memory_space<vmem>>) semaphore(%arg9 : memref<!tpu.dma_semaphore, #tpu.memory_space<semaphore_mem>>)
          } else {
          }
          %dma_wait3A = arith.constant 0 : i32
          %dma_wait3A_58 = arith.constant 0 : i32
          %dma_wait3A_59 = tpu.memref_slice %arg2[%dma_wait3A, %dma_wait3A_58] : memref<10000x128xi32, #tpu.memory_space<hbm>> -> memref<10000x128xi32, #tpu.memory_space<hbm>>
          tpu.wait_indirect_dma semaphore(%arg10 : memref<!tpu.dma_semaphore, #tpu.memory_space<semaphore_mem>>) src(%dma_wait3A_59 : memref<10000x128xi32, #tpu.memory_space<hbm>>) dst(%arg8 : memref<128x128xi32, #tpu.memory_space<vmem>>)
          %mul3A_60 = arith.constant 40 : i32
          %mul3A_61 = arith.muli %add3A, %mul3A_60 : i32
          %add3A_62 = arith.addi %mul3A_61, %scan3A_11 : i32
          %mul3A_63 = arith.constant 128 : i32
          %mul3A_64 = arith.muli %add3A_62, %mul3A_63 : i32
          "tpu.region"() ({
            %run_scoped3A = tpu.sem_alloc : memref<!tpu.dma_semaphore, #tpu.memory_space<semaphore_mem>>
            %dma_start3A = arith.constant 0 : i32
            %dma_start3A_65 = tpu.memref_slice %arg4[%mul3A_64, %dma_start3A] : memref<160000x128xi32, #tpu.memory_space<hbm>> -> memref<128x128xi32, #tpu.memory_space<hbm>>
            %dma_start3A_66 = arith.constant 0 : i32
            %dma_start3A_67 = tpu.memref_slice %arg4[%mul3A_64, %dma_start3A_66] : memref<160000x128xi32, #tpu.memory_space<hbm>> -> memref<128x128xi32, #tpu.memory_space<hbm>>
            tpu.enqueue_dma source(%arg8 : memref<128x128xi32, #tpu.memory_space<vmem>>) target(%dma_start3A_67 : memref<128x128xi32, #tpu.memory_space<hbm>>) target_semaphore(%run_scoped3A : memref<!tpu.dma_semaphore, #tpu.memory_space<semaphore_mem>>)
            %dma_wait3A_68 = arith.constant 0 : i32
            %dma_wait3A_69 = tpu.memref_slice %arg4[%mul3A_64, %dma_wait3A_68] : memref<160000x128xi32, #tpu.memory_space<hbm>> -> memref<128x128xi32, #tpu.memory_space<hbm>>
            %dma_wait3A_70 = arith.constant 0 : i32
            %dma_wait3A_71 = tpu.memref_slice %arg4[%mul3A_64, %dma_wait3A_70] : memref<160000x128xi32, #tpu.memory_space<hbm>> -> memref<128x128xi32, #tpu.memory_space<hbm>>
            tpu.wait_dma2 semaphore(%run_scoped3A : memref<!tpu.dma_semaphore, #tpu.memory_space<semaphore_mem>>) src(%arg8 : memref<128x128xi32, #tpu.memory_space<vmem>>) dst(%dma_wait3A_71 : memref<128x128xi32, #tpu.memory_space<hbm>>)
            tpu.yield
          }) : () -> ()
        } else {
        }
      } else {
      }
    }
    %scan3A_10 = arith.constant 40 : i32
    return
  }
}

module attributes {stable_mosaic.version = 14 : i64} {
  func.func @_p0_body(%arg0: i32, %arg1: memref<200x1xi32, #tpu.memory_space<vmem>>, %arg2: memref<200x32xi32, #tpu.memory_space<vmem>>, %arg3: memref<200x32xf32, #tpu.memory_space<vmem>>, %arg4: memref<128x128xf32, #tpu.memory_space<vmem>>, %arg5: memref<128x128xf32, #tpu.memory_space<vmem>>, %arg6: memref<1x128xf32, #tpu.memory_space<vmem>>, %arg7: memref<128x128xf32, #tpu.memory_space<vmem>>, %arg8: memref<1x128xf32, #tpu.memory_space<vmem>>, %arg9: memref<128x128xf32, #tpu.memory_space<vmem>>, %arg10: memref<200x128xf32, #tpu.memory_space<vmem>>, %arg11: memref<200x128xi32, #tpu.memory_space<vmem>>) attributes {dimension_semantics = [#tpu.dimension_semantics<arbitrary>], iteration_bounds = array<i64: 25>, scalar_prefetch = 0 : i64, scratch_operands = 0 : i64, tpu.core_type = #tpu.core_type<tc>, window_params = [{transform_indices = @transform_0, window_bounds = array<i64: 200, 1>}, {transform_indices = @transform_1, window_bounds = array<i64: 200, 32>}, {transform_indices = @transform_2, window_bounds = array<i64: 200, 32>}, {pipeline_mode = #tpu.pipeline_mode<synchronous>, transform_indices = @transform_3, window_bounds = array<i64: 128, 128>}, {pipeline_mode = #tpu.pipeline_mode<synchronous>, transform_indices = @transform_4, window_bounds = array<i64: 128, 128>}, {pipeline_mode = #tpu.pipeline_mode<synchronous>, transform_indices = @transform_5, window_bounds = array<i64: 1, 128>}, {pipeline_mode = #tpu.pipeline_mode<synchronous>, transform_indices = @transform_6, window_bounds = array<i64: 128, 128>}, {pipeline_mode = #tpu.pipeline_mode<synchronous>, transform_indices = @transform_7, window_bounds = array<i64: 1, 128>}, {pipeline_mode = #tpu.pipeline_mode<synchronous>, transform_indices = @transform_8, window_bounds = array<i64: 128, 128>}, {transform_indices = @transform_9, window_bounds = array<i64: 200, 128>}, {transform_indices = @transform_10, window_bounds = array<i64: 200, 128>}]} {
    %iota3A = tpu.iota {dimensions = array<i32: 1>} : vector<1x128xi32>
    %get3A = arith.constant 0 : index
    %get3A_0 = arith.constant 0 : index
    %get3A_1 = vector.load %arg4[%get3A, %get3A_0] : memref<128x128xf32, #tpu.memory_space<vmem>>, vector<128x128xf32>
    %get3A_2 = arith.constant 0 : index
    %get3A_3 = arith.constant 0 : index
    %get3A_4 = vector.load %arg1[%get3A_2, %get3A_3] : memref<200x1xi32, #tpu.memory_space<vmem>>, vector<200x1xi32>
    %eq3A = vector.broadcast %get3A_4 : vector<200x1xi32> to vector<200x128xi32>
    %eq3A_5 = vector.broadcast %iota3A : vector<1x128xi32> to vector<200x128xi32>
    %eq3A_6 = arith.cmpi eq, %eq3A, %eq3A_5 : vector<200x128xi32>
    %convert_element_type3A = arith.extui %eq3A_6 : vector<200x128xi1> to vector<200x128xi32>
    %convert_element_type3A_7 = arith.sitofp %convert_element_type3A : vector<200x128xi32> to vector<200x128xf32>
    %dot_general3A = arith.constant dense<0.000000e+00> : vector<200x128xf32>
    %dot_general3A_8 = tpu.matmul %convert_element_type3A_7, %get3A_1, %dot_general3A {dimension_numbers = #tpu.dot_dimension_numbers<[1], [0], [0], [1], [0, 0, 1, 1], [], []>, transpose_lhs_hint = false} : vector<200x128xf32>, vector<128x128xf32>, vector<200x128xf32> -> vector<200x128xf32>
    %iota3A_9 = tpu.iota {dimensions = array<i32: 2>} : vector<1x1x128xi32>
    %get3A_10 = arith.constant 0 : index
    %get3A_11 = arith.constant 0 : index
    %get3A_12 = vector.load %arg2[%get3A_10, %get3A_11] : memref<200x32xi32, #tpu.memory_space<vmem>>, vector<200x32xi32>
    %broadcast_in_dim3A = vector.shape_cast %get3A_12 : vector<200x32xi32> to vector<200x32x1xi32>
    %eq3A_13 = vector.broadcast %broadcast_in_dim3A : vector<200x32x1xi32> to vector<200x32x128xi32>
    %eq3A_14 = vector.broadcast %iota3A_9 : vector<1x1x128xi32> to vector<200x32x128xi32>
    %eq3A_15 = arith.cmpi eq, %eq3A_13, %eq3A_14 : vector<200x32x128xi32>
    %convert_element_type3A_16 = arith.extui %eq3A_15 : vector<200x32x128xi1> to vector<200x32x128xi32>
    %convert_element_type3A_17 = arith.sitofp %convert_element_type3A_16 : vector<200x32x128xi32> to vector<200x32x128xf32>
    %reshape3A = vector.shape_cast %convert_element_type3A_17 : vector<200x32x128xf32> to vector<6400x128xf32>
    %dot_general3A_18 = arith.constant dense<0.000000e+00> : vector<6400x128xf32>
    %dot_general3A_19 = tpu.matmul %reshape3A, %get3A_1, %dot_general3A_18 {dimension_numbers = #tpu.dot_dimension_numbers<[1], [0], [0], [1], [0, 0, 1, 1], [], []>, transpose_lhs_hint = false} : vector<6400x128xf32>, vector<128x128xf32>, vector<6400x128xf32> -> vector<6400x128xf32>
    %get3A_20 = arith.constant 0 : index
    %get3A_21 = arith.constant 0 : index
    %get3A_22 = vector.load %arg3[%get3A_20, %get3A_21] : memref<200x32xf32, #tpu.memory_space<vmem>>, vector<200x32xf32>
    %iota3A_23 = tpu.iota {dimensions = array<i32: 2>} : vector<1x1x128xi32>
    %convert_element_type3A_24 = arith.sitofp %iota3A_23 : vector<1x1x128xi32> to vector<1x1x128xf32>
    %mul3A = arith.constant 23.09091 : f32
    %mul3A_25 = vector.broadcast %mul3A : f32 to vector<200x32xf32>
    %mul3A_26 = arith.mulf %get3A_22, %mul3A_25 : vector<200x32xf32>
    %broadcast_in_dim3A_27 = vector.shape_cast %mul3A_26 : vector<200x32xf32> to vector<200x32x1xf32>
    %sub3A = vector.broadcast %broadcast_in_dim3A_27 : vector<200x32x1xf32> to vector<200x32x128xf32>
    %sub3A_28 = vector.broadcast %convert_element_type3A_24 : vector<1x1x128xf32> to vector<200x32x128xf32>
    %sub3A_29 = arith.subf %sub3A, %sub3A_28 : vector<200x32x128xf32>
    %mul3A_30 = arith.mulf %sub3A_29, %sub3A_29 : vector<200x32x128xf32>
    %mul3A_31 = arith.constant -0.72134751 : f32
    %mul3A_32 = vector.broadcast %mul3A_31 : f32 to vector<200x32x128xf32>
    %mul3A_33 = arith.mulf %mul3A_30, %mul3A_32 : vector<200x32x128xf32>
    %exp23A = math.exp2 %mul3A_33 : vector<200x32x128xf32>
    %get3A_34 = arith.constant 0 : index
    %get3A_35 = arith.constant 0 : index
    %get3A_36 = vector.load %arg5[%get3A_34, %get3A_35] : memref<128x128xf32, #tpu.memory_space<vmem>>, vector<128x128xf32>
    %get3A_37 = arith.constant 0 : index
    %get3A_38 = arith.constant 0 : index
    %get3A_39 = vector.load %arg6[%get3A_37, %get3A_38] : memref<1x128xf32, #tpu.memory_space<vmem>>, vector<1x128xf32>
    %get3A_40 = arith.constant 0 : index
    %get3A_41 = arith.constant 0 : index
    %get3A_42 = vector.load %arg7[%get3A_40, %get3A_41] : memref<128x128xf32, #tpu.memory_space<vmem>>, vector<128x128xf32>
    %get3A_43 = arith.constant 0 : index
    %get3A_44 = arith.constant 0 : index
    %get3A_45 = vector.load %arg8[%get3A_43, %get3A_44] : memref<1x128xf32, #tpu.memory_space<vmem>>, vector<1x128xf32>
    %reshape3A_46 = vector.shape_cast %exp23A : vector<200x32x128xf32> to vector<6400x128xf32>
    %convert_element_type3A_47 = arith.truncf %reshape3A_46 : vector<6400x128xf32> to vector<6400x128xbf16>
    %convert_element_type3A_48 = arith.truncf %get3A_36 : vector<128x128xf32> to vector<128x128xbf16>
    %dot_general3A_49 = arith.constant dense<0.000000e+00> : vector<6400x128xf32>
    %dot_general3A_50 = tpu.matmul %convert_element_type3A_47, %convert_element_type3A_48, %dot_general3A_49 {dimension_numbers = #tpu.dot_dimension_numbers<[1], [0], [0], [1], [0, 0, 1, 1], [], []>, transpose_lhs_hint = false} : vector<6400x128xbf16>, vector<128x128xbf16>, vector<6400x128xf32> -> vector<6400x128xf32>
    %add3A = vector.broadcast %get3A_39 : vector<1x128xf32> to vector<6400x128xf32>
    %add3A_51 = arith.addf %dot_general3A_50, %add3A : vector<6400x128xf32>
    %exp23A_52 = math.exp2 %add3A_51 : vector<6400x128xf32>
    %add3A_53 = arith.constant 1.000000e+00 : f32
    %add3A_54 = vector.broadcast %add3A_53 : f32 to vector<6400x128xf32>
    %add3A_55 = arith.addf %add3A_54, %exp23A_52 : vector<6400x128xf32>
    %log3A = math.log %add3A_55 : vector<6400x128xf32>
    %log3A_56 = arith.constant 2.000000e+00 : f32
    %log3A_57 = math.log %log3A_56 : f32
    %div3A = vector.broadcast %log3A_57 : f32 to vector<6400x128xf32>
    %div3A_58 = arith.divf %log3A, %div3A : vector<6400x128xf32>
    %sub3A_59 = arith.constant 1.000000e+00 : f32
    %sub3A_60 = vector.broadcast %sub3A_59 : f32 to vector<6400x128xf32>
    %sub3A_61 = arith.subf %div3A_58, %sub3A_60 : vector<6400x128xf32>
    %mul3A_62 = arith.constant 0.693147182 : f32
    %mul3A_63 = vector.broadcast %mul3A_62 : f32 to vector<6400x128xf32>
    %mul3A_64 = arith.mulf %sub3A_61, %mul3A_63 : vector<6400x128xf32>
    %reshape3A_65 = vector.shape_cast %dot_general3A_19 : vector<6400x128xf32> to vector<200x32x128xf32>
    %reshape3A_66 = vector.shape_cast %mul3A_64 : vector<6400x128xf32> to vector<200x32x128xf32>
    %mul3A_67 = arith.mulf %reshape3A_65, %reshape3A_66 : vector<200x32x128xf32>
    %reduce_sum3A = arith.constant dense<0.000000e+00> : vector<200x128xf32>
    %reduce_sum3A_68 = vector.multi_reduction <add>, %mul3A_67, %reduce_sum3A [1] : vector<200x32x128xf32> to vector<200x128xf32>
    %dot_general3A_69 = arith.constant dense<0.000000e+00> : vector<200x128xf32>
    %dot_general3A_70 = tpu.matmul %reduce_sum3A_68, %get3A_42, %dot_general3A_69 {dimension_numbers = #tpu.dot_dimension_numbers<[1], [0], [0], [1], [0, 0, 1, 1], [], []>, transpose_lhs_hint = false} : vector<200x128xf32>, vector<128x128xf32>, vector<200x128xf32> -> vector<200x128xf32>
    %add3A_71 = vector.broadcast %get3A_45 : vector<1x128xf32> to vector<200x128xf32>
    %add3A_72 = arith.addf %dot_general3A_70, %add3A_71 : vector<200x128xf32>
    %exp23A_73 = math.exp2 %add3A_72 : vector<200x128xf32>
    %add3A_74 = arith.constant 1.000000e+00 : f32
    %add3A_75 = vector.broadcast %add3A_74 : f32 to vector<200x128xf32>
    %add3A_76 = arith.addf %add3A_75, %exp23A_73 : vector<200x128xf32>
    %log3A_77 = math.log %add3A_76 : vector<200x128xf32>
    %log3A_78 = arith.constant 2.000000e+00 : f32
    %log3A_79 = math.log %log3A_78 : f32
    %div3A_80 = vector.broadcast %log3A_79 : f32 to vector<200x128xf32>
    %div3A_81 = arith.divf %log3A_77, %div3A_80 : vector<200x128xf32>
    %sub3A_82 = arith.constant 1.000000e+00 : f32
    %sub3A_83 = vector.broadcast %sub3A_82 : f32 to vector<200x128xf32>
    %sub3A_84 = arith.subf %div3A_81, %sub3A_83 : vector<200x128xf32>
    %mul3A_85 = arith.constant 0.693147182 : f32
    %mul3A_86 = vector.broadcast %mul3A_85 : f32 to vector<200x128xf32>
    %mul3A_87 = arith.mulf %sub3A_84, %mul3A_86 : vector<200x128xf32>
    %add3A_88 = arith.addf %dot_general3A_8, %mul3A_87 : vector<200x128xf32>
    %swap3A = arith.constant 0 : index
    %swap3A_89 = arith.constant 0 : index
    %swap3A_90 = vector.load %arg10[%swap3A, %swap3A_89] : memref<200x128xf32, #tpu.memory_space<vmem>>, vector<200x128xf32>
    tpu.vector_store %arg10[%swap3A, %swap3A_89], %add3A_88 {strides = array<i32>} : memref<200x128xf32, #tpu.memory_space<vmem>>, vector<200x128xf32>,
    %get3A_91 = arith.constant 0 : index
    %get3A_92 = arith.constant 0 : index
    %get3A_93 = vector.load %arg9[%get3A_91, %get3A_92] : memref<128x128xf32, #tpu.memory_space<vmem>>, vector<128x128xf32>
    %dot_general3A_94 = arith.constant dense<0.000000e+00> : vector<200x128xf32>
    %dot_general3A_95 = tpu.matmul %add3A_88, %get3A_93, %dot_general3A_94 {dimension_numbers = #tpu.dot_dimension_numbers<[1], [0], [0], [1], [0, 0, 1, 1], [], []>, transpose_lhs_hint = false} : vector<200x128xf32>, vector<128x128xf32>, vector<200x128xf32> -> vector<200x128xf32>
    %bitcast_convert_type3A = tpu.bitcast %add3A_88 : vector<200x128xf32> -> vector<200x128xi32>
    %bitcast_convert_type3A_96 = tpu.bitcast %dot_general3A_95 : vector<200x128xf32> -> vector<200x128xi32>
    %add3A_97 = arith.constant 32768 : i32
    %add3A_98 = vector.broadcast %add3A_97 : i32 to vector<200x128xi32>
    %add3A_99 = arith.addi %bitcast_convert_type3A, %add3A_98 : vector<200x128xi32>
    %and3A = arith.constant -65536 : i32
    %and3A_100 = vector.broadcast %and3A : i32 to vector<200x128xi32>
    %and3A_101 = arith.andi %add3A_99, %and3A_100 : vector<200x128xi32>
    %add3A_102 = arith.constant 32768 : i32
    %add3A_103 = vector.broadcast %add3A_102 : i32 to vector<200x128xi32>
    %add3A_104 = arith.addi %bitcast_convert_type3A_96, %add3A_103 : vector<200x128xi32>
    %shift_right_logical3A = arith.constant 16 : i32
    %shift_right_logical3A_105 = vector.broadcast %shift_right_logical3A : i32 to vector<200x128xi32>
    %shift_right_logical3A_106 = arith.shrui %add3A_104, %shift_right_logical3A_105 : vector<200x128xi32>
    %or3A = arith.ori %and3A_101, %shift_right_logical3A_106 : vector<200x128xi32>
    %swap3A_107 = arith.constant 0 : index
    %swap3A_108 = arith.constant 0 : index
    %swap3A_109 = vector.load %arg11[%swap3A_107, %swap3A_108] : memref<200x128xi32, #tpu.memory_space<vmem>>, vector<200x128xi32>
    tpu.vector_store %arg11[%swap3A_107, %swap3A_108], %or3A {strides = array<i32>} : memref<200x128xi32, #tpu.memory_space<vmem>>, vector<200x128xi32>,
    return
  }
  func.func @transform_0(%arg0: i32) -> (i32, i32) {
    %c0_i32 = arith.constant 0 : i32
    %c0_i32_0 = arith.constant 0 : i32
    return %arg0, %c0_i32 : i32, i32
  }
  func.func @transform_1(%arg0: i32) -> (i32, i32) {
    %c0_i32 = arith.constant 0 : i32
    %c0_i32_0 = arith.constant 0 : i32
    return %arg0, %c0_i32 : i32, i32
  }
  func.func @transform_2(%arg0: i32) -> (i32, i32) {
    %c0_i32 = arith.constant 0 : i32
    %c0_i32_0 = arith.constant 0 : i32
    return %arg0, %c0_i32 : i32, i32
  }
  func.func @transform_3(%arg0: i32) -> (i32, i32) {
    %c0_i32 = arith.constant 0 : i32
    %c0_i32_0 = arith.constant 0 : i32
    %c0_i32_1 = arith.constant 0 : i32
    return %c0_i32, %c0_i32_0 : i32, i32
  }
  func.func @transform_4(%arg0: i32) -> (i32, i32) {
    %c0_i32 = arith.constant 0 : i32
    %c0_i32_0 = arith.constant 0 : i32
    %c0_i32_1 = arith.constant 0 : i32
    return %c0_i32, %c0_i32_0 : i32, i32
  }
  func.func @transform_5(%arg0: i32) -> (i32, i32) {
    %c0_i32 = arith.constant 0 : i32
    %c0_i32_0 = arith.constant 0 : i32
    %c0_i32_1 = arith.constant 0 : i32
    return %c0_i32, %c0_i32_0 : i32, i32
  }
  func.func @transform_6(%arg0: i32) -> (i32, i32) {
    %c0_i32 = arith.constant 0 : i32
    %c0_i32_0 = arith.constant 0 : i32
    %c0_i32_1 = arith.constant 0 : i32
    return %c0_i32, %c0_i32_0 : i32, i32
  }
  func.func @transform_7(%arg0: i32) -> (i32, i32) {
    %c0_i32 = arith.constant 0 : i32
    %c0_i32_0 = arith.constant 0 : i32
    %c0_i32_1 = arith.constant 0 : i32
    return %c0_i32, %c0_i32_0 : i32, i32
  }
  func.func @transform_8(%arg0: i32) -> (i32, i32) {
    %c0_i32 = arith.constant 0 : i32
    %c0_i32_0 = arith.constant 0 : i32
    %c0_i32_1 = arith.constant 0 : i32
    return %c0_i32, %c0_i32_0 : i32, i32
  }
  func.func @transform_9(%arg0: i32) -> (i32, i32) {
    %c0_i32 = arith.constant 0 : i32
    %c0_i32_0 = arith.constant 0 : i32
    return %arg0, %c0_i32 : i32, i32
  }
  func.func @transform_10(%arg0: i32) -> (i32, i32) {
    %c0_i32 = arith.constant 0 : i32
    %c0_i32_0 = arith.constant 0 : i32
    return %arg0, %c0_i32 : i32, i32
  }
}

module attributes {stable_mosaic.version = 14 : i64} {
  func.func @_pmid_body(%arg0: i32, %arg1: memref<200x32xf32, #tpu.memory_space<vmem>>, %arg2: memref<6400x128xi32, #tpu.memory_space<vmem>>, %arg3: memref<200x128xf32, #tpu.memory_space<vmem>>, %arg4: memref<128x128xf32, #tpu.memory_space<vmem>>, %arg5: memref<128x128xf32, #tpu.memory_space<vmem>>, %arg6: memref<1x128xf32, #tpu.memory_space<vmem>>, %arg7: memref<128x128xf32, #tpu.memory_space<vmem>>, %arg8: memref<1x128xf32, #tpu.memory_space<vmem>>, %arg9: memref<128x128xf32, #tpu.memory_space<vmem>>, %arg10: memref<1x128xf32, #tpu.memory_space<vmem>>, %arg11: memref<128x128xf32, #tpu.memory_space<vmem>>, %arg12: memref<6400x128xbf16, #tpu.memory_space<vmem>>, %arg13: memref<200x128xf32, #tpu.memory_space<vmem>>, %arg14: memref<200x128xi32, #tpu.memory_space<vmem>>) attributes {dimension_semantics = [#tpu.dimension_semantics<arbitrary>], iteration_bounds = array<i64: 25>, scalar_prefetch = 0 : i64, scratch_operands = 0 : i64, tpu.core_type = #tpu.core_type<tc>, window_params = [{transform_indices = @transform_0, window_bounds = array<i64: 200, 32>}, {transform_indices = @transform_1, window_bounds = array<i64: 6400, 128>}, {transform_indices = @transform_2, window_bounds = array<i64: 200, 128>}, {pipeline_mode = #tpu.pipeline_mode<synchronous>, transform_indices = @transform_3, window_bounds = array<i64: 128, 128>}, {pipeline_mode = #tpu.pipeline_mode<synchronous>, transform_indices = @transform_4, window_bounds = array<i64: 128, 128>}, {pipeline_mode = #tpu.pipeline_mode<synchronous>, transform_indices = @transform_5, window_bounds = array<i64: 1, 128>}, {pipeline_mode = #tpu.pipeline_mode<synchronous>, transform_indices = @transform_6, window_bounds = array<i64: 128, 128>}, {pipeline_mode = #tpu.pipeline_mode<synchronous>, transform_indices = @transform_7, window_bounds = array<i64: 1, 128>}, {pipeline_mode = #tpu.pipeline_mode<synchronous>, transform_indices = @transform_8, window_bounds = array<i64: 128, 128>}, {pipeline_mode = #tpu.pipeline_mode<synchronous>, transform_indices = @transform_9, window_bounds = array<i64: 1, 128>}, {pipeline_mode = #tpu.pipeline_mode<synchronous>, transform_indices = @transform_10, window_bounds = array<i64: 128, 128>}, {transform_indices = @transform_11, window_bounds = array<i64: 6400, 128>}, {transform_indices = @transform_12, window_bounds = array<i64: 200, 128>}, {transform_indices = @transform_13, window_bounds = array<i64: 200, 128>}]} {
    %get3A = arith.constant 0 : index
    %get3A_0 = arith.constant 0 : index
    %get3A_1 = vector.load %arg1[%get3A, %get3A_0] : memref<200x32xf32, #tpu.memory_space<vmem>>, vector<200x32xf32>
    %iota3A = tpu.iota {dimensions = array<i32: 2>} : vector<1x1x128xi32>
    %convert_element_type3A = arith.sitofp %iota3A : vector<1x1x128xi32> to vector<1x1x128xf32>
    %mul3A = arith.constant 23.09091 : f32
    %mul3A_2 = vector.broadcast %mul3A : f32 to vector<200x32xf32>
    %mul3A_3 = arith.mulf %get3A_1, %mul3A_2 : vector<200x32xf32>
    %broadcast_in_dim3A = vector.shape_cast %mul3A_3 : vector<200x32xf32> to vector<200x32x1xf32>
    %sub3A = vector.broadcast %broadcast_in_dim3A : vector<200x32x1xf32> to vector<200x32x128xf32>
    %sub3A_4 = vector.broadcast %convert_element_type3A : vector<1x1x128xf32> to vector<200x32x128xf32>
    %sub3A_5 = arith.subf %sub3A, %sub3A_4 : vector<200x32x128xf32>
    %mul3A_6 = arith.mulf %sub3A_5, %sub3A_5 : vector<200x32x128xf32>
    %mul3A_7 = arith.constant -0.72134751 : f32
    %mul3A_8 = vector.broadcast %mul3A_7 : f32 to vector<200x32x128xf32>
    %mul3A_9 = arith.mulf %mul3A_6, %mul3A_8 : vector<200x32x128xf32>
    %exp23A = math.exp2 %mul3A_9 : vector<200x32x128xf32>
    %get3A_10 = arith.constant 0 : index
    %get3A_11 = arith.constant 0 : index
    %get3A_12 = vector.load %arg2[%get3A_10, %get3A_11] : memref<6400x128xi32, #tpu.memory_space<vmem>>, vector<6400x128xi32>
    %and3A = arith.constant -65536 : i32
    %and3A_13 = vector.broadcast %and3A : i32 to vector<6400x128xi32>
    %and3A_14 = arith.andi %get3A_12, %and3A_13 : vector<6400x128xi32>
    %bitcast_convert_type3A = tpu.bitcast %and3A_14 : vector<6400x128xi32> -> vector<6400x128xf32>
    %shift_left3A = arith.constant 16 : i32
    %shift_left3A_15 = vector.broadcast %shift_left3A : i32 to vector<6400x128xi32>
    %shift_left3A_16 = arith.shli %get3A_12, %shift_left3A_15 : vector<6400x128xi32>
    %bitcast_convert_type3A_17 = tpu.bitcast %shift_left3A_16 : vector<6400x128xi32> -> vector<6400x128xf32>
    %get3A_18 = arith.constant 0 : index
    %get3A_19 = arith.constant 0 : index
    %get3A_20 = vector.load %arg3[%get3A_18, %get3A_19] : memref<200x128xf32, #tpu.memory_space<vmem>>, vector<200x128xf32>
    %get3A_21 = arith.constant 0 : index
    %get3A_22 = arith.constant 0 : index
    %get3A_23 = vector.load %arg4[%get3A_21, %get3A_22] : memref<128x128xf32, #tpu.memory_space<vmem>>, vector<128x128xf32>
    %get3A_24 = arith.constant 0 : index
    %get3A_25 = arith.constant 0 : index
    %get3A_26 = vector.load %arg5[%get3A_24, %get3A_25] : memref<128x128xf32, #tpu.memory_space<vmem>>, vector<128x128xf32>
    %get3A_27 = arith.constant 0 : index
    %get3A_28 = arith.constant 0 : index
    %get3A_29 = vector.load %arg6[%get3A_27, %get3A_28] : memref<1x128xf32, #tpu.memory_space<vmem>>, vector<1x128xf32>
    %dot_general3A = arith.constant dense<0.000000e+00> : vector<200x128xf32>
    %dot_general3A_30 = tpu.matmul %get3A_20, %get3A_23, %dot_general3A {dimension_numbers = #tpu.dot_dimension_numbers<[1], [0], [0], [1], [0, 0, 1, 1], [], []>, transpose_lhs_hint = false} : vector<200x128xf32>, vector<128x128xf32>, vector<200x128xf32> -> vector<200x128xf32>
    %add3A = vector.broadcast %get3A_29 : vector<1x128xf32> to vector<200x128xf32>
    %add3A_31 = arith.addf %dot_general3A_30, %add3A : vector<200x128xf32>
    %reshape3A = vector.shape_cast %exp23A : vector<200x32x128xf32> to vector<6400x128xf32>
    %convert_element_type3A_32 = arith.truncf %reshape3A : vector<6400x128xf32> to vector<6400x128xbf16>
    %convert_element_type3A_33 = arith.truncf %get3A_26 : vector<128x128xf32> to vector<128x128xbf16>
    %dot_general3A_34 = arith.constant dense<0.000000e+00> : vector<6400x128xf32>
    %dot_general3A_35 = tpu.matmul %convert_element_type3A_32, %convert_element_type3A_33, %dot_general3A_34 {dimension_numbers = #tpu.dot_dimension_numbers<[1], [0], [0], [1], [0, 0, 1, 1], [], []>, transpose_lhs_hint = false} : vector<6400x128xbf16>, vector<128x128xbf16>, vector<6400x128xf32> -> vector<6400x128xf32>
    %add3A_36 = arith.addf %bitcast_convert_type3A_17, %dot_general3A_35 : vector<6400x128xf32>
    %reshape3A_37 = vector.shape_cast %add3A_36 : vector<6400x128xf32> to vector<200x32x128xf32>
    %broadcast_in_dim3A_38 = vector.shape_cast %add3A_31 : vector<200x128xf32> to vector<200x1x128xf32>
    %add3A_39 = vector.broadcast %broadcast_in_dim3A_38 : vector<200x1x128xf32> to vector<200x32x128xf32>
    %add3A_40 = arith.addf %reshape3A_37, %add3A_39 : vector<200x32x128xf32>
    %exp23A_41 = math.exp2 %add3A_40 : vector<200x32x128xf32>
    %add3A_42 = arith.constant 1.000000e+00 : f32
    %add3A_43 = vector.broadcast %add3A_42 : f32 to vector<200x32x128xf32>
    %add3A_44 = arith.addf %add3A_43, %exp23A_41 : vector<200x32x128xf32>
    %log3A = math.log %add3A_44 : vector<200x32x128xf32>
    %log3A_45 = arith.constant 2.000000e+00 : f32
    %log3A_46 = math.log %log3A_45 : f32
    %div3A = vector.broadcast %log3A_46 : f32 to vector<200x32x128xf32>
    %div3A_47 = arith.divf %log3A, %div3A : vector<200x32x128xf32>
    %sub3A_48 = arith.constant 1.000000e+00 : f32
    %sub3A_49 = vector.broadcast %sub3A_48 : f32 to vector<200x32x128xf32>
    %sub3A_50 = arith.subf %div3A_47, %sub3A_49 : vector<200x32x128xf32>
    %mul3A_51 = arith.constant 0.693147182 : f32
    %mul3A_52 = vector.broadcast %mul3A_51 : f32 to vector<200x32x128xf32>
    %mul3A_53 = arith.mulf %sub3A_50, %mul3A_52 : vector<200x32x128xf32>
    %add3A_54 = arith.addf %exp23A, %mul3A_53 : vector<200x32x128xf32>
    %reshape3A_55 = vector.shape_cast %add3A_54 : vector<200x32x128xf32> to vector<6400x128xf32>
    %convert_element_type3A_56 = arith.truncf %reshape3A_55 : vector<6400x128xf32> to vector<6400x128xbf16>
    %swap3A = arith.constant 0 : index
    %swap3A_57 = arith.constant 0 : index
    %swap3A_58 = vector.load %arg12[%swap3A, %swap3A_57] : memref<6400x128xbf16, #tpu.memory_space<vmem>>, vector<6400x128xbf16>
    tpu.vector_store %arg12[%swap3A, %swap3A_57], %convert_element_type3A_56 {strides = array<i32>} : memref<6400x128xbf16, #tpu.memory_space<vmem>>, vector<6400x128xbf16>,
    %get3A_59 = arith.constant 0 : index
    %get3A_60 = arith.constant 0 : index
    %get3A_61 = vector.load %arg7[%get3A_59, %get3A_60] : memref<128x128xf32, #tpu.memory_space<vmem>>, vector<128x128xf32>
    %get3A_62 = arith.constant 0 : index
    %get3A_63 = arith.constant 0 : index
    %get3A_64 = vector.load %arg8[%get3A_62, %get3A_63] : memref<1x128xf32, #tpu.memory_space<vmem>>, vector<1x128xf32>
    %get3A_65 = arith.constant 0 : index
    %get3A_66 = arith.constant 0 : index
    %get3A_67 = vector.load %arg9[%get3A_65, %get3A_66] : memref<128x128xf32, #tpu.memory_space<vmem>>, vector<128x128xf32>
    %get3A_68 = arith.constant 0 : index
    %get3A_69 = arith.constant 0 : index
    %get3A_70 = vector.load %arg10[%get3A_68, %get3A_69] : memref<1x128xf32, #tpu.memory_space<vmem>>, vector<1x128xf32>
    %reshape3A_71 = vector.shape_cast %add3A_54 : vector<200x32x128xf32> to vector<6400x128xf32>
    %convert_element_type3A_72 = arith.truncf %reshape3A_71 : vector<6400x128xf32> to vector<6400x128xbf16>
    %convert_element_type3A_73 = arith.truncf %get3A_61 : vector<128x128xf32> to vector<128x128xbf16>
    %dot_general3A_74 = arith.constant dense<0.000000e+00> : vector<6400x128xf32>
    %dot_general3A_75 = tpu.matmul %convert_element_type3A_72, %convert_element_type3A_73, %dot_general3A_74 {dimension_numbers = #tpu.dot_dimension_numbers<[1], [0], [0], [1], [0, 0, 1, 1], [], []>, transpose_lhs_hint = false} : vector<6400x128xbf16>, vector<128x128xbf16>, vector<6400x128xf32> -> vector<6400x128xf32>
    %add3A_76 = vector.broadcast %get3A_64 : vector<1x128xf32> to vector<6400x128xf32>
    %add3A_77 = arith.addf %dot_general3A_75, %add3A_76 : vector<6400x128xf32>
    %exp23A_78 = math.exp2 %add3A_77 : vector<6400x128xf32>
    %add3A_79 = arith.constant 1.000000e+00 : f32
    %add3A_80 = vector.broadcast %add3A_79 : f32 to vector<6400x128xf32>
    %add3A_81 = arith.addf %add3A_80, %exp23A_78 : vector<6400x128xf32>
    %log3A_82 = math.log %add3A_81 : vector<6400x128xf32>
    %log3A_83 = arith.constant 2.000000e+00 : f32
    %log3A_84 = math.log %log3A_83 : f32
    %div3A_85 = vector.broadcast %log3A_84 : f32 to vector<6400x128xf32>
    %div3A_86 = arith.divf %log3A_82, %div3A_85 : vector<6400x128xf32>
    %sub3A_87 = arith.constant 1.000000e+00 : f32
    %sub3A_88 = vector.broadcast %sub3A_87 : f32 to vector<6400x128xf32>
    %sub3A_89 = arith.subf %div3A_86, %sub3A_88 : vector<6400x128xf32>
    %mul3A_90 = arith.constant 0.693147182 : f32
    %mul3A_91 = vector.broadcast %mul3A_90 : f32 to vector<6400x128xf32>
    %mul3A_92 = arith.mulf %sub3A_89, %mul3A_91 : vector<6400x128xf32>
    %reshape3A_93 = vector.shape_cast %bitcast_convert_type3A : vector<6400x128xf32> to vector<200x32x128xf32>
    %reshape3A_94 = vector.shape_cast %mul3A_92 : vector<6400x128xf32> to vector<200x32x128xf32>
    %mul3A_95 = arith.mulf %reshape3A_93, %reshape3A_94 : vector<200x32x128xf32>
    %reduce_sum3A = arith.constant dense<0.000000e+00> : vector<200x128xf32>
    %reduce_sum3A_96 = vector.multi_reduction <add>, %mul3A_95, %reduce_sum3A [1] : vector<200x32x128xf32> to vector<200x128xf32>
    %dot_general3A_97 = arith.constant dense<0.000000e+00> : vector<200x128xf32>
    %dot_general3A_98 = tpu.matmul %reduce_sum3A_96, %get3A_67, %dot_general3A_97 {dimension_numbers = #tpu.dot_dimension_numbers<[1], [0], [0], [1], [0, 0, 1, 1], [], []>, transpose_lhs_hint = false} : vector<200x128xf32>, vector<128x128xf32>, vector<200x128xf32> -> vector<200x128xf32>
    %add3A_99 = vector.broadcast %get3A_70 : vector<1x128xf32> to vector<200x128xf32>
    %add3A_100 = arith.addf %dot_general3A_98, %add3A_99 : vector<200x128xf32>
    %exp23A_101 = math.exp2 %add3A_100 : vector<200x128xf32>
    %add3A_102 = arith.constant 1.000000e+00 : f32
    %add3A_103 = vector.broadcast %add3A_102 : f32 to vector<200x128xf32>
    %add3A_104 = arith.addf %add3A_103, %exp23A_101 : vector<200x128xf32>
    %log3A_105 = math.log %add3A_104 : vector<200x128xf32>
    %log3A_106 = arith.constant 2.000000e+00 : f32
    %log3A_107 = math.log %log3A_106 : f32
    %div3A_108 = vector.broadcast %log3A_107 : f32 to vector<200x128xf32>
    %div3A_109 = arith.divf %log3A_105, %div3A_108 : vector<200x128xf32>
    %sub3A_110 = arith.constant 1.000000e+00 : f32
    %sub3A_111 = vector.broadcast %sub3A_110 : f32 to vector<200x128xf32>
    %sub3A_112 = arith.subf %div3A_109, %sub3A_111 : vector<200x128xf32>
    %mul3A_113 = arith.constant 0.693147182 : f32
    %mul3A_114 = vector.broadcast %mul3A_113 : f32 to vector<200x128xf32>
    %mul3A_115 = arith.mulf %sub3A_112, %mul3A_114 : vector<200x128xf32>
    %add3A_116 = arith.addf %get3A_20, %mul3A_115 : vector<200x128xf32>
    %swap3A_117 = arith.constant 0 : index
    %swap3A_118 = arith.constant 0 : index
    %swap3A_119 = vector.load %arg13[%swap3A_117, %swap3A_118] : memref<200x128xf32, #tpu.memory_space<vmem>>, vector<200x128xf32>
    tpu.vector_store %arg13[%swap3A_117, %swap3A_118], %add3A_116 {strides = array<i32>} : memref<200x128xf32, #tpu.memory_space<vmem>>, vector<200x128xf32>,
    %get3A_120 = arith.constant 0 : index
    %get3A_121 = arith.constant 0 : index
    %get3A_122 = vector.load %arg11[%get3A_120, %get3A_121] : memref<128x128xf32, #tpu.memory_space<vmem>>, vector<128x128xf32>
    %dot_general3A_123 = arith.constant dense<0.000000e+00> : vector<200x128xf32>
    %dot_general3A_124 = tpu.matmul %add3A_116, %get3A_122, %dot_general3A_123 {dimension_numbers = #tpu.dot_dimension_numbers<[1], [0], [0], [1], [0, 0, 1, 1], [], []>, transpose_lhs_hint = false} : vector<200x128xf32>, vector<128x128xf32>, vector<200x128xf32> -> vector<200x128xf32>
    %bitcast_convert_type3A_125 = tpu.bitcast %add3A_116 : vector<200x128xf32> -> vector<200x128xi32>
    %bitcast_convert_type3A_126 = tpu.bitcast %dot_general3A_124 : vector<200x128xf32> -> vector<200x128xi32>
    %add3A_127 = arith.constant 32768 : i32
    %add3A_128 = vector.broadcast %add3A_127 : i32 to vector<200x128xi32>
    %add3A_129 = arith.addi %bitcast_convert_type3A_125, %add3A_128 : vector<200x128xi32>
    %and3A_130 = arith.constant -65536 : i32
    %and3A_131 = vector.broadcast %and3A_130 : i32 to vector<200x128xi32>
    %and3A_132 = arith.andi %add3A_129, %and3A_131 : vector<200x128xi32>
    %add3A_133 = arith.constant 32768 : i32
    %add3A_134 = vector.broadcast %add3A_133 : i32 to vector<200x128xi32>
    %add3A_135 = arith.addi %bitcast_convert_type3A_126, %add3A_134 : vector<200x128xi32>
    %shift_right_logical3A = arith.constant 16 : i32
    %shift_right_logical3A_136 = vector.broadcast %shift_right_logical3A : i32 to vector<200x128xi32>
    %shift_right_logical3A_137 = arith.shrui %add3A_135, %shift_right_logical3A_136 : vector<200x128xi32>
    %or3A = arith.ori %and3A_132, %shift_right_logical3A_137 : vector<200x128xi32>
    %swap3A_138 = arith.constant 0 : index
    %swap3A_139 = arith.constant 0 : index
    %swap3A_140 = vector.load %arg14[%swap3A_138, %swap3A_139] : memref<200x128xi32, #tpu.memory_space<vmem>>, vector<200x128xi32>
    tpu.vector_store %arg14[%swap3A_138, %swap3A_139], %or3A {strides = array<i32>} : memref<200x128xi32, #tpu.memory_space<vmem>>, vector<200x128xi32>,
    return
  }
  func.func @transform_0(%arg0: i32) -> (i32, i32) {
    %c0_i32 = arith.constant 0 : i32
    %c0_i32_0 = arith.constant 0 : i32
    return %arg0, %c0_i32 : i32, i32
  }
  func.func @transform_1(%arg0: i32) -> (i32, i32) {
    %c0_i32 = arith.constant 0 : i32
    %c0_i32_0 = arith.constant 0 : i32
    return %arg0, %c0_i32 : i32, i32
  }
  func.func @transform_2(%arg0: i32) -> (i32, i32) {
    %c0_i32 = arith.constant 0 : i32
    %c0_i32_0 = arith.constant 0 : i32
    return %arg0, %c0_i32 : i32, i32
  }
  func.func @transform_3(%arg0: i32) -> (i32, i32) {
    %c0_i32 = arith.constant 0 : i32
    %c0_i32_0 = arith.constant 0 : i32
    %c0_i32_1 = arith.constant 0 : i32
    return %c0_i32, %c0_i32_0 : i32, i32
  }
  func.func @transform_4(%arg0: i32) -> (i32, i32) {
    %c0_i32 = arith.constant 0 : i32
    %c0_i32_0 = arith.constant 0 : i32
    %c0_i32_1 = arith.constant 0 : i32
    return %c0_i32, %c0_i32_0 : i32, i32
  }
  func.func @transform_5(%arg0: i32) -> (i32, i32) {
    %c0_i32 = arith.constant 0 : i32
    %c0_i32_0 = arith.constant 0 : i32
    %c0_i32_1 = arith.constant 0 : i32
    return %c0_i32, %c0_i32_0 : i32, i32
  }
  func.func @transform_6(%arg0: i32) -> (i32, i32) {
    %c0_i32 = arith.constant 0 : i32
    %c0_i32_0 = arith.constant 0 : i32
    %c0_i32_1 = arith.constant 0 : i32
    return %c0_i32, %c0_i32_0 : i32, i32
  }
  func.func @transform_7(%arg0: i32) -> (i32, i32) {
    %c0_i32 = arith.constant 0 : i32
    %c0_i32_0 = arith.constant 0 : i32
    %c0_i32_1 = arith.constant 0 : i32
    return %c0_i32, %c0_i32_0 : i32, i32
  }
  func.func @transform_8(%arg0: i32) -> (i32, i32) {
    %c0_i32 = arith.constant 0 : i32
    %c0_i32_0 = arith.constant 0 : i32
    %c0_i32_1 = arith.constant 0 : i32
    return %c0_i32, %c0_i32_0 : i32, i32
  }
  func.func @transform_9(%arg0: i32) -> (i32, i32) {
    %c0_i32 = arith.constant 0 : i32
    %c0_i32_0 = arith.constant 0 : i32
    %c0_i32_1 = arith.constant 0 : i32
    return %c0_i32, %c0_i32_0 : i32, i32
  }
  func.func @transform_10(%arg0: i32) -> (i32, i32) {
    %c0_i32 = arith.constant 0 : i32
    %c0_i32_0 = arith.constant 0 : i32
    %c0_i32_1 = arith.constant 0 : i32
    return %c0_i32, %c0_i32_0 : i32, i32
  }
  func.func @transform_11(%arg0: i32) -> (i32, i32) {
    %c0_i32 = arith.constant 0 : i32
    %c0_i32_0 = arith.constant 0 : i32
    return %arg0, %c0_i32 : i32, i32
  }
  func.func @transform_12(%arg0: i32) -> (i32, i32) {
    %c0_i32 = arith.constant 0 : i32
    %c0_i32_0 = arith.constant 0 : i32
    return %arg0, %c0_i32 : i32, i32
  }
  func.func @transform_13(%arg0: i32) -> (i32, i32) {
    %c0_i32 = arith.constant 0 : i32
    %c0_i32_0 = arith.constant 0 : i32
    return %arg0, %c0_i32 : i32, i32
  }
}

module attributes {stable_mosaic.version = 14 : i64} {
  func.func @_pmid_body(%arg0: i32, %arg1: memref<6400x128xbf16, #tpu.memory_space<vmem>>, %arg2: memref<6400x128xi32, #tpu.memory_space<vmem>>, %arg3: memref<200x128xf32, #tpu.memory_space<vmem>>, %arg4: memref<128x128xf32, #tpu.memory_space<vmem>>, %arg5: memref<128x128xf32, #tpu.memory_space<vmem>>, %arg6: memref<1x128xf32, #tpu.memory_space<vmem>>, %arg7: memref<128x128xf32, #tpu.memory_space<vmem>>, %arg8: memref<1x128xf32, #tpu.memory_space<vmem>>, %arg9: memref<128x128xf32, #tpu.memory_space<vmem>>, %arg10: memref<1x128xf32, #tpu.memory_space<vmem>>, %arg11: memref<128x128xf32, #tpu.memory_space<vmem>>, %arg12: memref<6400x128xbf16, #tpu.memory_space<vmem>>, %arg13: memref<200x128xf32, #tpu.memory_space<vmem>>, %arg14: memref<200x128xi32, #tpu.memory_space<vmem>>) attributes {dimension_semantics = [#tpu.dimension_semantics<arbitrary>], iteration_bounds = array<i64: 25>, scalar_prefetch = 0 : i64, scratch_operands = 0 : i64, tpu.core_type = #tpu.core_type<tc>, window_params = [{transform_indices = @transform_0, window_bounds = array<i64: 6400, 128>}, {transform_indices = @transform_1, window_bounds = array<i64: 6400, 128>}, {transform_indices = @transform_2, window_bounds = array<i64: 200, 128>}, {pipeline_mode = #tpu.pipeline_mode<synchronous>, transform_indices = @transform_3, window_bounds = array<i64: 128, 128>}, {pipeline_mode = #tpu.pipeline_mode<synchronous>, transform_indices = @transform_4, window_bounds = array<i64: 128, 128>}, {pipeline_mode = #tpu.pipeline_mode<synchronous>, transform_indices = @transform_5, window_bounds = array<i64: 1, 128>}, {pipeline_mode = #tpu.pipeline_mode<synchronous>, transform_indices = @transform_6, window_bounds = array<i64: 128, 128>}, {pipeline_mode = #tpu.pipeline_mode<synchronous>, transform_indices = @transform_7, window_bounds = array<i64: 1, 128>}, {pipeline_mode = #tpu.pipeline_mode<synchronous>, transform_indices = @transform_8, window_bounds = array<i64: 128, 128>}, {pipeline_mode = #tpu.pipeline_mode<synchronous>, transform_indices = @transform_9, window_bounds = array<i64: 1, 128>}, {pipeline_mode = #tpu.pipeline_mode<synchronous>, transform_indices = @transform_10, window_bounds = array<i64: 128, 128>}, {transform_indices = @transform_11, window_bounds = array<i64: 6400, 128>}, {transform_indices = @transform_12, window_bounds = array<i64: 200, 128>}, {transform_indices = @transform_13, window_bounds = array<i64: 200, 128>}]} {
    %get3A = arith.constant 0 : index
    %get3A_0 = arith.constant 0 : index
    %get3A_1 = vector.load %arg1[%get3A, %get3A_0] : memref<6400x128xbf16, #tpu.memory_space<vmem>>, vector<6400x128xbf16>
    %convert_element_type3A = arith.extf %get3A_1 : vector<6400x128xbf16> to vector<6400x128xf32>
    %reshape3A = vector.shape_cast %convert_element_type3A : vector<6400x128xf32> to vector<200x32x128xf32>
    %get3A_2 = arith.constant 0 : index
    %get3A_3 = arith.constant 0 : index
    %get3A_4 = vector.load %arg2[%get3A_2, %get3A_3] : memref<6400x128xi32, #tpu.memory_space<vmem>>, vector<6400x128xi32>
    %and3A = arith.constant -65536 : i32
    %and3A_5 = vector.broadcast %and3A : i32 to vector<6400x128xi32>
    %and3A_6 = arith.andi %get3A_4, %and3A_5 : vector<6400x128xi32>
    %bitcast_convert_type3A = tpu.bitcast %and3A_6 : vector<6400x128xi32> -> vector<6400x128xf32>
    %shift_left3A = arith.constant 16 : i32
    %shift_left3A_7 = vector.broadcast %shift_left3A : i32 to vector<6400x128xi32>
    %shift_left3A_8 = arith.shli %get3A_4, %shift_left3A_7 : vector<6400x128xi32>
    %bitcast_convert_type3A_9 = tpu.bitcast %shift_left3A_8 : vector<6400x128xi32> -> vector<6400x128xf32>
    %get3A_10 = arith.constant 0 : index
    %get3A_11 = arith.constant 0 : index
    %get3A_12 = vector.load %arg3[%get3A_10, %get3A_11] : memref<200x128xf32, #tpu.memory_space<vmem>>, vector<200x128xf32>
    %get3A_13 = arith.constant 0 : index
    %get3A_14 = arith.constant 0 : index
    %get3A_15 = vector.load %arg4[%get3A_13, %get3A_14] : memref<128x128xf32, #tpu.memory_space<vmem>>, vector<128x128xf32>
    %get3A_16 = arith.constant 0 : index
    %get3A_17 = arith.constant 0 : index
    %get3A_18 = vector.load %arg5[%get3A_16, %get3A_17] : memref<128x128xf32, #tpu.memory_space<vmem>>, vector<128x128xf32>
    %get3A_19 = arith.constant 0 : index
    %get3A_20 = arith.constant 0 : index
    %get3A_21 = vector.load %arg6[%get3A_19, %get3A_20] : memref<1x128xf32, #tpu.memory_space<vmem>>, vector<1x128xf32>
    %dot_general3A = arith.constant dense<0.000000e+00> : vector<200x128xf32>
    %dot_general3A_22 = tpu.matmul %get3A_12, %get3A_15, %dot_general3A {dimension_numbers = #tpu.dot_dimension_numbers<[1], [0], [0], [1], [0, 0, 1, 1], [], []>, transpose_lhs_hint = false} : vector<200x128xf32>, vector<128x128xf32>, vector<200x128xf32> -> vector<200x128xf32>
    %add3A = vector.broadcast %get3A_21 : vector<1x128xf32> to vector<200x128xf32>
    %add3A_23 = arith.addf %dot_general3A_22, %add3A : vector<200x128xf32>
    %reshape3A_24 = vector.shape_cast %reshape3A : vector<200x32x128xf32> to vector<6400x128xf32>
    %convert_element_type3A_25 = arith.truncf %reshape3A_24 : vector<6400x128xf32> to vector<6400x128xbf16>
    %convert_element_type3A_26 = arith.truncf %get3A_18 : vector<128x128xf32> to vector<128x128xbf16>
    %dot_general3A_27 = arith.constant dense<0.000000e+00> : vector<6400x128xf32>
    %dot_general3A_28 = tpu.matmul %convert_element_type3A_25, %convert_element_type3A_26, %dot_general3A_27 {dimension_numbers = #tpu.dot_dimension_numbers<[1], [0], [0], [1], [0, 0, 1, 1], [], []>, transpose_lhs_hint = false} : vector<6400x128xbf16>, vector<128x128xbf16>, vector<6400x128xf32> -> vector<6400x128xf32>
    %add3A_29 = arith.addf %bitcast_convert_type3A_9, %dot_general3A_28 : vector<6400x128xf32>
    %reshape3A_30 = vector.shape_cast %add3A_29 : vector<6400x128xf32> to vector<200x32x128xf32>
    %broadcast_in_dim3A = vector.shape_cast %add3A_23 : vector<200x128xf32> to vector<200x1x128xf32>
    %add3A_31 = vector.broadcast %broadcast_in_dim3A : vector<200x1x128xf32> to vector<200x32x128xf32>
    %add3A_32 = arith.addf %reshape3A_30, %add3A_31 : vector<200x32x128xf32>
    %exp23A = math.exp2 %add3A_32 : vector<200x32x128xf32>
    %add3A_33 = arith.constant 1.000000e+00 : f32
    %add3A_34 = vector.broadcast %add3A_33 : f32 to vector<200x32x128xf32>
    %add3A_35 = arith.addf %add3A_34, %exp23A : vector<200x32x128xf32>
    %log3A = math.log %add3A_35 : vector<200x32x128xf32>
    %log3A_36 = arith.constant 2.000000e+00 : f32
    %log3A_37 = math.log %log3A_36 : f32
    %div3A = vector.broadcast %log3A_37 : f32 to vector<200x32x128xf32>
    %div3A_38 = arith.divf %log3A, %div3A : vector<200x32x128xf32>
    %sub3A = arith.constant 1.000000e+00 : f32
    %sub3A_39 = vector.broadcast %sub3A : f32 to vector<200x32x128xf32>
    %sub3A_40 = arith.subf %div3A_38, %sub3A_39 : vector<200x32x128xf32>
    %mul3A = arith.constant 0.693147182 : f32
    %mul3A_41 = vector.broadcast %mul3A : f32 to vector<200x32x128xf32>
    %mul3A_42 = arith.mulf %sub3A_40, %mul3A_41 : vector<200x32x128xf32>
    %add3A_43 = arith.addf %reshape3A, %mul3A_42 : vector<200x32x128xf32>
    %reshape3A_44 = vector.shape_cast %add3A_43 : vector<200x32x128xf32> to vector<6400x128xf32>
    %convert_element_type3A_45 = arith.truncf %reshape3A_44 : vector<6400x128xf32> to vector<6400x128xbf16>
    %swap3A = arith.constant 0 : index
    %swap3A_46 = arith.constant 0 : index
    %swap3A_47 = vector.load %arg12[%swap3A, %swap3A_46] : memref<6400x128xbf16, #tpu.memory_space<vmem>>, vector<6400x128xbf16>
    tpu.vector_store %arg12[%swap3A, %swap3A_46], %convert_element_type3A_45 {strides = array<i32>} : memref<6400x128xbf16, #tpu.memory_space<vmem>>, vector<6400x128xbf16>,
    %get3A_48 = arith.constant 0 : index
    %get3A_49 = arith.constant 0 : index
    %get3A_50 = vector.load %arg7[%get3A_48, %get3A_49] : memref<128x128xf32, #tpu.memory_space<vmem>>, vector<128x128xf32>
    %get3A_51 = arith.constant 0 : index
    %get3A_52 = arith.constant 0 : index
    %get3A_53 = vector.load %arg8[%get3A_51, %get3A_52] : memref<1x128xf32, #tpu.memory_space<vmem>>, vector<1x128xf32>
    %get3A_54 = arith.constant 0 : index
    %get3A_55 = arith.constant 0 : index
    %get3A_56 = vector.load %arg9[%get3A_54, %get3A_55] : memref<128x128xf32, #tpu.memory_space<vmem>>, vector<128x128xf32>
    %get3A_57 = arith.constant 0 : index
    %get3A_58 = arith.constant 0 : index
    %get3A_59 = vector.load %arg10[%get3A_57, %get3A_58] : memref<1x128xf32, #tpu.memory_space<vmem>>, vector<1x128xf32>
    %reshape3A_60 = vector.shape_cast %add3A_43 : vector<200x32x128xf32> to vector<6400x128xf32>
    %convert_element_type3A_61 = arith.truncf %reshape3A_60 : vector<6400x128xf32> to vector<6400x128xbf16>
    %convert_element_type3A_62 = arith.truncf %get3A_50 : vector<128x128xf32> to vector<128x128xbf16>
    %dot_general3A_63 = arith.constant dense<0.000000e+00> : vector<6400x128xf32>
    %dot_general3A_64 = tpu.matmul %convert_element_type3A_61, %convert_element_type3A_62, %dot_general3A_63 {dimension_numbers = #tpu.dot_dimension_numbers<[1], [0], [0], [1], [0, 0, 1, 1], [], []>, transpose_lhs_hint = false} : vector<6400x128xbf16>, vector<128x128xbf16>, vector<6400x128xf32> -> vector<6400x128xf32>
    %add3A_65 = vector.broadcast %get3A_53 : vector<1x128xf32> to vector<6400x128xf32>
    %add3A_66 = arith.addf %dot_general3A_64, %add3A_65 : vector<6400x128xf32>
    %exp23A_67 = math.exp2 %add3A_66 : vector<6400x128xf32>
    %add3A_68 = arith.constant 1.000000e+00 : f32
    %add3A_69 = vector.broadcast %add3A_68 : f32 to vector<6400x128xf32>
    %add3A_70 = arith.addf %add3A_69, %exp23A_67 : vector<6400x128xf32>
    %log3A_71 = math.log %add3A_70 : vector<6400x128xf32>
    %log3A_72 = arith.constant 2.000000e+00 : f32
    %log3A_73 = math.log %log3A_72 : f32
    %div3A_74 = vector.broadcast %log3A_73 : f32 to vector<6400x128xf32>
    %div3A_75 = arith.divf %log3A_71, %div3A_74 : vector<6400x128xf32>
    %sub3A_76 = arith.constant 1.000000e+00 : f32
    %sub3A_77 = vector.broadcast %sub3A_76 : f32 to vector<6400x128xf32>
    %sub3A_78 = arith.subf %div3A_75, %sub3A_77 : vector<6400x128xf32>
    %mul3A_79 = arith.constant 0.693147182 : f32
    %mul3A_80 = vector.broadcast %mul3A_79 : f32 to vector<6400x128xf32>
    %mul3A_81 = arith.mulf %sub3A_78, %mul3A_80 : vector<6400x128xf32>
    %reshape3A_82 = vector.shape_cast %bitcast_convert_type3A : vector<6400x128xf32> to vector<200x32x128xf32>
    %reshape3A_83 = vector.shape_cast %mul3A_81 : vector<6400x128xf32> to vector<200x32x128xf32>
    %mul3A_84 = arith.mulf %reshape3A_82, %reshape3A_83 : vector<200x32x128xf32>
    %reduce_sum3A = arith.constant dense<0.000000e+00> : vector<200x128xf32>
    %reduce_sum3A_85 = vector.multi_reduction <add>, %mul3A_84, %reduce_sum3A [1] : vector<200x32x128xf32> to vector<200x128xf32>
    %dot_general3A_86 = arith.constant dense<0.000000e+00> : vector<200x128xf32>
    %dot_general3A_87 = tpu.matmul %reduce_sum3A_85, %get3A_56, %dot_general3A_86 {dimension_numbers = #tpu.dot_dimension_numbers<[1], [0], [0], [1], [0, 0, 1, 1], [], []>, transpose_lhs_hint = false} : vector<200x128xf32>, vector<128x128xf32>, vector<200x128xf32> -> vector<200x128xf32>
    %add3A_88 = vector.broadcast %get3A_59 : vector<1x128xf32> to vector<200x128xf32>
    %add3A_89 = arith.addf %dot_general3A_87, %add3A_88 : vector<200x128xf32>
    %exp23A_90 = math.exp2 %add3A_89 : vector<200x128xf32>
    %add3A_91 = arith.constant 1.000000e+00 : f32
    %add3A_92 = vector.broadcast %add3A_91 : f32 to vector<200x128xf32>
    %add3A_93 = arith.addf %add3A_92, %exp23A_90 : vector<200x128xf32>
    %log3A_94 = math.log %add3A_93 : vector<200x128xf32>
    %log3A_95 = arith.constant 2.000000e+00 : f32
    %log3A_96 = math.log %log3A_95 : f32
    %div3A_97 = vector.broadcast %log3A_96 : f32 to vector<200x128xf32>
    %div3A_98 = arith.divf %log3A_94, %div3A_97 : vector<200x128xf32>
    %sub3A_99 = arith.constant 1.000000e+00 : f32
    %sub3A_100 = vector.broadcast %sub3A_99 : f32 to vector<200x128xf32>
    %sub3A_101 = arith.subf %div3A_98, %sub3A_100 : vector<200x128xf32>
    %mul3A_102 = arith.constant 0.693147182 : f32
    %mul3A_103 = vector.broadcast %mul3A_102 : f32 to vector<200x128xf32>
    %mul3A_104 = arith.mulf %sub3A_101, %mul3A_103 : vector<200x128xf32>
    %add3A_105 = arith.addf %get3A_12, %mul3A_104 : vector<200x128xf32>
    %swap3A_106 = arith.constant 0 : index
    %swap3A_107 = arith.constant 0 : index
    %swap3A_108 = vector.load %arg13[%swap3A_106, %swap3A_107] : memref<200x128xf32, #tpu.memory_space<vmem>>, vector<200x128xf32>
    tpu.vector_store %arg13[%swap3A_106, %swap3A_107], %add3A_105 {strides = array<i32>} : memref<200x128xf32, #tpu.memory_space<vmem>>, vector<200x128xf32>,
    %get3A_109 = arith.constant 0 : index
    %get3A_110 = arith.constant 0 : index
    %get3A_111 = vector.load %arg11[%get3A_109, %get3A_110] : memref<128x128xf32, #tpu.memory_space<vmem>>, vector<128x128xf32>
    %dot_general3A_112 = arith.constant dense<0.000000e+00> : vector<200x128xf32>
    %dot_general3A_113 = tpu.matmul %add3A_105, %get3A_111, %dot_general3A_112 {dimension_numbers = #tpu.dot_dimension_numbers<[1], [0], [0], [1], [0, 0, 1, 1], [], []>, transpose_lhs_hint = false} : vector<200x128xf32>, vector<128x128xf32>, vector<200x128xf32> -> vector<200x128xf32>
    %bitcast_convert_type3A_114 = tpu.bitcast %add3A_105 : vector<200x128xf32> -> vector<200x128xi32>
    %bitcast_convert_type3A_115 = tpu.bitcast %dot_general3A_113 : vector<200x128xf32> -> vector<200x128xi32>
    %add3A_116 = arith.constant 32768 : i32
    %add3A_117 = vector.broadcast %add3A_116 : i32 to vector<200x128xi32>
    %add3A_118 = arith.addi %bitcast_convert_type3A_114, %add3A_117 : vector<200x128xi32>
    %and3A_119 = arith.constant -65536 : i32
    %and3A_120 = vector.broadcast %and3A_119 : i32 to vector<200x128xi32>
    %and3A_121 = arith.andi %add3A_118, %and3A_120 : vector<200x128xi32>
    %add3A_122 = arith.constant 32768 : i32
    %add3A_123 = vector.broadcast %add3A_122 : i32 to vector<200x128xi32>
    %add3A_124 = arith.addi %bitcast_convert_type3A_115, %add3A_123 : vector<200x128xi32>
    %shift_right_logical3A = arith.constant 16 : i32
    %shift_right_logical3A_125 = vector.broadcast %shift_right_logical3A : i32 to vector<200x128xi32>
    %shift_right_logical3A_126 = arith.shrui %add3A_124, %shift_right_logical3A_125 : vector<200x128xi32>
    %or3A = arith.ori %and3A_121, %shift_right_logical3A_126 : vector<200x128xi32>
    %swap3A_127 = arith.constant 0 : index
    %swap3A_128 = arith.constant 0 : index
    %swap3A_129 = vector.load %arg14[%swap3A_127, %swap3A_128] : memref<200x128xi32, #tpu.memory_space<vmem>>, vector<200x128xi32>
    tpu.vector_store %arg14[%swap3A_127, %swap3A_128], %or3A {strides = array<i32>} : memref<200x128xi32, #tpu.memory_space<vmem>>, vector<200x128xi32>,
    return
  }
  func.func @transform_0(%arg0: i32) -> (i32, i32) {
    %c0_i32 = arith.constant 0 : i32
    %c0_i32_0 = arith.constant 0 : i32
    return %arg0, %c0_i32 : i32, i32
  }
  func.func @transform_1(%arg0: i32) -> (i32, i32) {
    %c0_i32 = arith.constant 0 : i32
    %c0_i32_0 = arith.constant 0 : i32
    return %arg0, %c0_i32 : i32, i32
  }
  func.func @transform_2(%arg0: i32) -> (i32, i32) {
    %c0_i32 = arith.constant 0 : i32
    %c0_i32_0 = arith.constant 0 : i32
    return %arg0, %c0_i32 : i32, i32
  }
  func.func @transform_3(%arg0: i32) -> (i32, i32) {
    %c0_i32 = arith.constant 0 : i32
    %c0_i32_0 = arith.constant 0 : i32
    %c0_i32_1 = arith.constant 0 : i32
    return %c0_i32, %c0_i32_0 : i32, i32
  }
  func.func @transform_4(%arg0: i32) -> (i32, i32) {
    %c0_i32 = arith.constant 0 : i32
    %c0_i32_0 = arith.constant 0 : i32
    %c0_i32_1 = arith.constant 0 : i32
    return %c0_i32, %c0_i32_0 : i32, i32
  }
  func.func @transform_5(%arg0: i32) -> (i32, i32) {
    %c0_i32 = arith.constant 0 : i32
    %c0_i32_0 = arith.constant 0 : i32
    %c0_i32_1 = arith.constant 0 : i32
    return %c0_i32, %c0_i32_0 : i32, i32
  }
  func.func @transform_6(%arg0: i32) -> (i32, i32) {
    %c0_i32 = arith.constant 0 : i32
    %c0_i32_0 = arith.constant 0 : i32
    %c0_i32_1 = arith.constant 0 : i32
    return %c0_i32, %c0_i32_0 : i32, i32
  }
  func.func @transform_7(%arg0: i32) -> (i32, i32) {
    %c0_i32 = arith.constant 0 : i32
    %c0_i32_0 = arith.constant 0 : i32
    %c0_i32_1 = arith.constant 0 : i32
    return %c0_i32, %c0_i32_0 : i32, i32
  }
  func.func @transform_8(%arg0: i32) -> (i32, i32) {
    %c0_i32 = arith.constant 0 : i32
    %c0_i32_0 = arith.constant 0 : i32
    %c0_i32_1 = arith.constant 0 : i32
    return %c0_i32, %c0_i32_0 : i32, i32
  }
  func.func @transform_9(%arg0: i32) -> (i32, i32) {
    %c0_i32 = arith.constant 0 : i32
    %c0_i32_0 = arith.constant 0 : i32
    %c0_i32_1 = arith.constant 0 : i32
    return %c0_i32, %c0_i32_0 : i32, i32
  }
  func.func @transform_10(%arg0: i32) -> (i32, i32) {
    %c0_i32 = arith.constant 0 : i32
    %c0_i32_0 = arith.constant 0 : i32
    %c0_i32_1 = arith.constant 0 : i32
    return %c0_i32, %c0_i32_0 : i32, i32
  }
  func.func @transform_11(%arg0: i32) -> (i32, i32) {
    %c0_i32 = arith.constant 0 : i32
    %c0_i32_0 = arith.constant 0 : i32
    return %arg0, %c0_i32 : i32, i32
  }
  func.func @transform_12(%arg0: i32) -> (i32, i32) {
    %c0_i32 = arith.constant 0 : i32
    %c0_i32_0 = arith.constant 0 : i32
    return %arg0, %c0_i32 : i32, i32
  }
  func.func @transform_13(%arg0: i32) -> (i32, i32) {
    %c0_i32 = arith.constant 0 : i32
    %c0_i32_0 = arith.constant 0 : i32
    return %arg0, %c0_i32 : i32, i32
  }
}

module attributes {stable_mosaic.version = 14 : i64} {
  func.func @_pfin_body(%arg0: i32, %arg1: memref<6400x128xbf16, #tpu.memory_space<vmem>>, %arg2: memref<6400x128xi32, #tpu.memory_space<vmem>>, %arg3: memref<200x128xf32, #tpu.memory_space<vmem>>, %arg4: memref<200x32x3xf32, #tpu.memory_space<vmem>>, %arg5: memref<128x128xf32, #tpu.memory_space<vmem>>, %arg6: memref<128x128xf32, #tpu.memory_space<vmem>>, %arg7: memref<1x128xf32, #tpu.memory_space<vmem>>, %arg8: memref<128x64xf32, #tpu.memory_space<vmem>>, %arg9: memref<1x64xf32, #tpu.memory_space<vmem>>, %arg10: memref<64x1xf32, #tpu.memory_space<vmem>>, %arg11: memref<1x1xf32, #tpu.memory_space<vmem>>, %arg12: memref<200x3xf32, #tpu.memory_space<vmem>>) attributes {dimension_semantics = [#tpu.dimension_semantics<arbitrary>], iteration_bounds = array<i64: 25>, scalar_prefetch = 0 : i64, scratch_operands = 0 : i64, tpu.core_type = #tpu.core_type<tc>, window_params = [{transform_indices = @transform_0, window_bounds = array<i64: 6400, 128>}, {transform_indices = @transform_1, window_bounds = array<i64: 6400, 128>}, {transform_indices = @transform_2, window_bounds = array<i64: 200, 128>}, {transform_indices = @transform_3, window_bounds = array<i64: 200, 32, 3>}, {pipeline_mode = #tpu.pipeline_mode<synchronous>, transform_indices = @transform_4, window_bounds = array<i64: 128, 128>}, {pipeline_mode = #tpu.pipeline_mode<synchronous>, transform_indices = @transform_5, window_bounds = array<i64: 128, 128>}, {pipeline_mode = #tpu.pipeline_mode<synchronous>, transform_indices = @transform_6, window_bounds = array<i64: 1, 128>}, {pipeline_mode = #tpu.pipeline_mode<synchronous>, transform_indices = @transform_7, window_bounds = array<i64: 128, 64>}, {pipeline_mode = #tpu.pipeline_mode<synchronous>, transform_indices = @transform_8, window_bounds = array<i64: 1, 64>}, {pipeline_mode = #tpu.pipeline_mode<synchronous>, transform_indices = @transform_9, window_bounds = array<i64: 64, 1>}, {pipeline_mode = #tpu.pipeline_mode<synchronous>, transform_indices = @transform_10, window_bounds = array<i64: 1, 1>}, {transform_indices = @transform_11, window_bounds = array<i64: 200, 3>}]} {
    %get3A = arith.constant 0 : index
    %get3A_0 = arith.constant 0 : index
    %get3A_1 = vector.load %arg1[%get3A, %get3A_0] : memref<6400x128xbf16, #tpu.memory_space<vmem>>, vector<6400x128xbf16>
    %convert_element_type3A = arith.extf %get3A_1 : vector<6400x128xbf16> to vector<6400x128xf32>
    %reshape3A = vector.shape_cast %convert_element_type3A : vector<6400x128xf32> to vector<200x32x128xf32>
    %get3A_2 = arith.constant 0 : index
    %get3A_3 = arith.constant 0 : index
    %get3A_4 = vector.load %arg2[%get3A_2, %get3A_3] : memref<6400x128xi32, #tpu.memory_space<vmem>>, vector<6400x128xi32>
    %shift_left3A = arith.constant 16 : i32
    %shift_left3A_5 = vector.broadcast %shift_left3A : i32 to vector<6400x128xi32>
    %shift_left3A_6 = arith.shli %get3A_4, %shift_left3A_5 : vector<6400x128xi32>
    %bitcast_convert_type3A = tpu.bitcast %shift_left3A_6 : vector<6400x128xi32> -> vector<6400x128xf32>
    %get3A_7 = arith.constant 0 : index
    %get3A_8 = arith.constant 0 : index
    %get3A_9 = vector.load %arg3[%get3A_7, %get3A_8] : memref<200x128xf32, #tpu.memory_space<vmem>>, vector<200x128xf32>
    %get3A_10 = arith.constant 0 : index
    %get3A_11 = arith.constant 0 : index
    %get3A_12 = vector.load %arg5[%get3A_10, %get3A_11] : memref<128x128xf32, #tpu.memory_space<vmem>>, vector<128x128xf32>
    %get3A_13 = arith.constant 0 : index
    %get3A_14 = arith.constant 0 : index
    %get3A_15 = vector.load %arg6[%get3A_13, %get3A_14] : memref<128x128xf32, #tpu.memory_space<vmem>>, vector<128x128xf32>
    %get3A_16 = arith.constant 0 : index
    %get3A_17 = arith.constant 0 : index
    %get3A_18 = vector.load %arg7[%get3A_16, %get3A_17] : memref<1x128xf32, #tpu.memory_space<vmem>>, vector<1x128xf32>
    %dot_general3A = arith.constant dense<0.000000e+00> : vector<200x128xf32>
    %dot_general3A_19 = tpu.matmul %get3A_9, %get3A_12, %dot_general3A {dimension_numbers = #tpu.dot_dimension_numbers<[1], [0], [0], [1], [0, 0, 1, 1], [], []>, transpose_lhs_hint = false} : vector<200x128xf32>, vector<128x128xf32>, vector<200x128xf32> -> vector<200x128xf32>
    %add3A = vector.broadcast %get3A_18 : vector<1x128xf32> to vector<200x128xf32>
    %add3A_20 = arith.addf %dot_general3A_19, %add3A : vector<200x128xf32>
    %reshape3A_21 = vector.shape_cast %reshape3A : vector<200x32x128xf32> to vector<6400x128xf32>
    %convert_element_type3A_22 = arith.truncf %reshape3A_21 : vector<6400x128xf32> to vector<6400x128xbf16>
    %convert_element_type3A_23 = arith.truncf %get3A_15 : vector<128x128xf32> to vector<128x128xbf16>
    %dot_general3A_24 = arith.constant dense<0.000000e+00> : vector<6400x128xf32>
    %dot_general3A_25 = tpu.matmul %convert_element_type3A_22, %convert_element_type3A_23, %dot_general3A_24 {dimension_numbers = #tpu.dot_dimension_numbers<[1], [0], [0], [1], [0, 0, 1, 1], [], []>, transpose_lhs_hint = false} : vector<6400x128xbf16>, vector<128x128xbf16>, vector<6400x128xf32> -> vector<6400x128xf32>
    %add3A_26 = arith.addf %bitcast_convert_type3A, %dot_general3A_25 : vector<6400x128xf32>
    %reshape3A_27 = vector.shape_cast %add3A_26 : vector<6400x128xf32> to vector<200x32x128xf32>
    %broadcast_in_dim3A = vector.shape_cast %add3A_20 : vector<200x128xf32> to vector<200x1x128xf32>
    %add3A_28 = vector.broadcast %broadcast_in_dim3A : vector<200x1x128xf32> to vector<200x32x128xf32>
    %add3A_29 = arith.addf %reshape3A_27, %add3A_28 : vector<200x32x128xf32>
    %exp23A = math.exp2 %add3A_29 : vector<200x32x128xf32>
    %add3A_30 = arith.constant 1.000000e+00 : f32
    %add3A_31 = vector.broadcast %add3A_30 : f32 to vector<200x32x128xf32>
    %add3A_32 = arith.addf %add3A_31, %exp23A : vector<200x32x128xf32>
    %log3A = math.log %add3A_32 : vector<200x32x128xf32>
    %log3A_33 = arith.constant 2.000000e+00 : f32
    %log3A_34 = math.log %log3A_33 : f32
    %div3A = vector.broadcast %log3A_34 : f32 to vector<200x32x128xf32>
    %div3A_35 = arith.divf %log3A, %div3A : vector<200x32x128xf32>
    %sub3A = arith.constant 1.000000e+00 : f32
    %sub3A_36 = vector.broadcast %sub3A : f32 to vector<200x32x128xf32>
    %sub3A_37 = arith.subf %div3A_35, %sub3A_36 : vector<200x32x128xf32>
    %mul3A = arith.constant 0.693147182 : f32
    %mul3A_38 = vector.broadcast %mul3A : f32 to vector<200x32x128xf32>
    %mul3A_39 = arith.mulf %sub3A_37, %mul3A_38 : vector<200x32x128xf32>
    %add3A_40 = arith.addf %reshape3A, %mul3A_39 : vector<200x32x128xf32>
    %reshape3A_41 = vector.shape_cast %add3A_40 : vector<200x32x128xf32> to vector<6400x128xf32>
    %get3A_42 = arith.constant 0 : index
    %get3A_43 = arith.constant 0 : index
    %get3A_44 = vector.load %arg8[%get3A_42, %get3A_43] : memref<128x64xf32, #tpu.memory_space<vmem>>, vector<128x64xf32>
    %dot_general3A_45 = arith.constant dense<0.000000e+00> : vector<6400x64xf32>
    %dot_general3A_46 = tpu.matmul %reshape3A_41, %get3A_44, %dot_general3A_45 {dimension_numbers = #tpu.dot_dimension_numbers<[1], [0], [0], [1], [0, 0, 1, 1], [], []>, transpose_lhs_hint = false} : vector<6400x128xf32>, vector<128x64xf32>, vector<6400x64xf32> -> vector<6400x64xf32>
    %get3A_47 = arith.constant 0 : index
    %get3A_48 = arith.constant 0 : index
    %get3A_49 = vector.load %arg9[%get3A_47, %get3A_48] : memref<1x64xf32, #tpu.memory_space<vmem>>, vector<1x64xf32>
    %add3A_50 = vector.broadcast %get3A_49 : vector<1x64xf32> to vector<6400x64xf32>
    %add3A_51 = arith.addf %dot_general3A_46, %add3A_50 : vector<6400x64xf32>
    %exp23A_52 = math.exp2 %add3A_51 : vector<6400x64xf32>
    %add3A_53 = arith.constant 1.000000e+00 : f32
    %add3A_54 = vector.broadcast %add3A_53 : f32 to vector<6400x64xf32>
    %add3A_55 = arith.addf %add3A_54, %exp23A_52 : vector<6400x64xf32>
    %log3A_56 = math.log %add3A_55 : vector<6400x64xf32>
    %log3A_57 = arith.constant 2.000000e+00 : f32
    %log3A_58 = math.log %log3A_57 : f32
    %div3A_59 = vector.broadcast %log3A_58 : f32 to vector<6400x64xf32>
    %div3A_60 = arith.divf %log3A_56, %div3A_59 : vector<6400x64xf32>
    %sub3A_61 = arith.constant 1.000000e+00 : f32
    %sub3A_62 = vector.broadcast %sub3A_61 : f32 to vector<6400x64xf32>
    %sub3A_63 = arith.subf %div3A_60, %sub3A_62 : vector<6400x64xf32>
    %mul3A_64 = arith.constant 0.693147182 : f32
    %mul3A_65 = vector.broadcast %mul3A_64 : f32 to vector<6400x64xf32>
    %mul3A_66 = arith.mulf %sub3A_63, %mul3A_65 : vector<6400x64xf32>
    %get3A_67 = arith.constant 0 : index
    %get3A_68 = arith.constant 0 : index
    %get3A_69 = vector.load %arg10[%get3A_67, %get3A_68] : memref<64x1xf32, #tpu.memory_space<vmem>>, vector<64x1xf32>
    %dot_general3A_70 = arith.constant dense<0.000000e+00> : vector<6400x1xf32>
    %dot_general3A_71 = tpu.matmul %mul3A_66, %get3A_69, %dot_general3A_70 {dimension_numbers = #tpu.dot_dimension_numbers<[1], [0], [0], [1], [0, 0, 1, 1], [], []>, transpose_lhs_hint = false} : vector<6400x64xf32>, vector<64x1xf32>, vector<6400x1xf32> -> vector<6400x1xf32>
    %get3A_72 = arith.constant 0 : index
    %get3A_73 = arith.constant 0 : index
    %get3A_74 = vector.load %arg11[%get3A_72, %get3A_73] : memref<1x1xf32, #tpu.memory_space<vmem>>, vector<1x1xf32>
    %add3A_75 = vector.broadcast %get3A_74 : vector<1x1xf32> to vector<6400x1xf32>
    %add3A_76 = arith.addf %dot_general3A_71, %add3A_75 : vector<6400x1xf32>
    %reshape3A_77 = vector.shape_cast %add3A_76 : vector<6400x1xf32> to vector<200x32x1xf32>
    %get3A_78 = arith.constant 0 : index
    %get3A_79 = arith.constant 0 : index
    %get3A_80 = arith.constant 0 : index
    %get3A_81 = vector.load %arg4[%get3A_78, %get3A_79, %get3A_80] : memref<200x32x3xf32, #tpu.memory_space<vmem>>, vector<200x32x3xf32>
    %mul3A_82 = vector.broadcast %reshape3A_77 : vector<200x32x1xf32> to vector<200x32x3xf32>
    %mul3A_83 = arith.mulf %mul3A_82, %get3A_81 : vector<200x32x3xf32>
    %reduce_sum3A = arith.constant dense<0.000000e+00> : vector<200x3xf32>
    %reduce_sum3A_84 = vector.multi_reduction <add>, %mul3A_83, %reduce_sum3A [1] : vector<200x32x3xf32> to vector<200x3xf32>
    %swap3A = arith.constant 0 : index
    %swap3A_85 = arith.constant 0 : index
    %swap3A_86 = vector.load %arg12[%swap3A, %swap3A_85] : memref<200x3xf32, #tpu.memory_space<vmem>>, vector<200x3xf32>
    tpu.vector_store %arg12[%swap3A, %swap3A_85], %reduce_sum3A_84 {strides = array<i32>} : memref<200x3xf32, #tpu.memory_space<vmem>>, vector<200x3xf32>,
    return
  }
  func.func @transform_0(%arg0: i32) -> (i32, i32) {
    %c0_i32 = arith.constant 0 : i32
    %c0_i32_0 = arith.constant 0 : i32
    return %arg0, %c0_i32 : i32, i32
  }
  func.func @transform_1(%arg0: i32) -> (i32, i32) {
    %c0_i32 = arith.constant 0 : i32
    %c0_i32_0 = arith.constant 0 : i32
    return %arg0, %c0_i32 : i32, i32
  }
  func.func @transform_2(%arg0: i32) -> (i32, i32) {
    %c0_i32 = arith.constant 0 : i32
    %c0_i32_0 = arith.constant 0 : i32
    return %arg0, %c0_i32 : i32, i32
  }
  func.func @transform_3(%arg0: i32) -> (i32, i32, i32) {
    %c0_i32 = arith.constant 0 : i32
    %c0_i32_0 = arith.constant 0 : i32
    %c0_i32_1 = arith.constant 0 : i32
    return %arg0, %c0_i32, %c0_i32_0 : i32, i32, i32
  }
  func.func @transform_4(%arg0: i32) -> (i32, i32) {
    %c0_i32 = arith.constant 0 : i32
    %c0_i32_0 = arith.constant 0 : i32
    %c0_i32_1 = arith.constant 0 : i32
    return %c0_i32, %c0_i32_0 : i32, i32
  }
  func.func @transform_5(%arg0: i32) -> (i32, i32) {
    %c0_i32 = arith.constant 0 : i32
    %c0_i32_0 = arith.constant 0 : i32
    %c0_i32_1 = arith.constant 0 : i32
    return %c0_i32, %c0_i32_0 : i32, i32
  }
  func.func @transform_6(%arg0: i32) -> (i32, i32) {
    %c0_i32 = arith.constant 0 : i32
    %c0_i32_0 = arith.constant 0 : i32
    %c0_i32_1 = arith.constant 0 : i32
    return %c0_i32, %c0_i32_0 : i32, i32
  }
  func.func @transform_7(%arg0: i32) -> (i32, i32) {
    %c0_i32 = arith.constant 0 : i32
    %c0_i32_0 = arith.constant 0 : i32
    %c0_i32_1 = arith.constant 0 : i32
    return %c0_i32, %c0_i32_0 : i32, i32
  }
  func.func @transform_8(%arg0: i32) -> (i32, i32) {
    %c0_i32 = arith.constant 0 : i32
    %c0_i32_0 = arith.constant 0 : i32
    %c0_i32_1 = arith.constant 0 : i32
    return %c0_i32, %c0_i32_0 : i32, i32
  }
  func.func @transform_9(%arg0: i32) -> (i32, i32) {
    %c0_i32 = arith.constant 0 : i32
    %c0_i32_0 = arith.constant 0 : i32
    %c0_i32_1 = arith.constant 0 : i32
    return %c0_i32, %c0_i32_0 : i32, i32
  }
  func.func @transform_10(%arg0: i32) -> (i32, i32) {
    %c0_i32 = arith.constant 0 : i32
    %c0_i32_0 = arith.constant 0 : i32
    %c0_i32_1 = arith.constant 0 : i32
    return %c0_i32, %c0_i32_0 : i32, i32
  }
  func.func @transform_11(%arg0: i32) -> (i32, i32) {
    %c0_i32 = arith.constant 0 : i32
    %c0_i32_0 = arith.constant 0 : i32
    return %arg0, %c0_i32 : i32, i32
  }
}

</mosaic_0001>

<sc_bundles>
// kernel: kernel.17.cloned.1.call-start
scs
__scs_entry_jumppad:
0x0: {  	(pc) =	sbr.rel $0x88, $3  }
0x1: {  	(tag) =	ssettag $0x0;
	lr =	simm.s32 $0x1  }
0x2: {  	[smem:$0x3F86] =	sst lr;
	_ =	strace $0xD0000000  }
0x3: {  	_ = 	snop  }
0x4: {  	_ = 	snop  }
0x5: {  	_ = 	snop  }
0x6: {  	_ = 	snop  }
0x7: {  	_ = 	snop  }
__scs_overlays_trampoline_lowered:
0x8: {  	[smem:$0x3F95] =	sst s0  }
0x9: {  	[smem:$0x3F96] =	sst s1  }
0xa: {  	[smem:$0x3F97] =	sst s2  }
0xb: {  	[smem:$0x3F98] =	sst s3  }
0xc: {  	[smem:$0x3F99] =	sst s4  }
0xd: {  	[smem:$0x3F9A] =	sst s5  }
0xe: {  	[smem:$0x3F9B] =	sst s6  }
0xf: {  	[smem:$0x3F9C] =	sst s7  }
0x10: {  	[smem:$0x3F9D] =	sst s8  }
0x11: {  	[smem:$0x3F9E] =	sst s9;
	s0 =	simm.s32 @!p0 $0x0  }
0x12: {  	s1 =	sld [smem:$0x3F84];
	s0 =	simm.s32 @p0 $0x1  }
0x13: {  	[smem:$0x3F9F] =	sst s0;
	s0 =	simm.s32 @!p1 $0x0  }
0x14: {  	s2 =	sld [smem:$0x3F83];
	s0 =	simm.s32 @p1 $0x1  }
0x15: {  	[smem:$0x3FA0] =	sst s0;
	s0 =	simm.s32 @!p2 $0x0  }
0x16: {  	s3 =	sld [smem:$0x3FDB];
	s0 =	simm.s32 @p2 $0x1  }
0x17: {  	s4 =	simm.s32 $0x1BF5;
	[smem:$0x3FA2] =	sst s0  }
0x18: {  	s0 =	sld [smem:$0x3F85];
	_ =	swait.ge [sflag:s4], $0x0  }
0x19: {  	s7 =	sld [smem:$0x3F86]  }
0x1a: {  	s8 =	sadd.s32 $0xFFFFE003, lr  }
0x1b: {  	s9 =	sadd.s32 $0xFFFFFEF7, lr;
	s5 =	simm.s32 $0xFFFFFFFF;
	p2 =	slt.u32 s8, $0xFFFFF086  }
0x1c: {  	p1 =	slt.u32 s9, $0xF7A;
	s5 =	simm.s32 @!p2 $0x0  }
0x1d: {  	s5 =	simm.s32 @p1 $0x1;
	p0 =	seq.s32 s7, s2  }
0x1e: {  	s7 =	smul.u32 @!p0 $0xF7A, s2;
	p2 =	seq.s32 @!p0 s5, $0x0  }
0x1f: {  	s9 =	smul.u32 $0xF7A, s1;
	s8 =	simm.s32 @!p0 $0x1BF5;
	p2 =	por !p2, p0  }
0x20: {  	[sflag:s8] =	ssyncset.s32 @!p0 $0xFFFFF086;
	s6 =	sadd.s32 @!p0 s3, s7;
	s7 =	simm.s32 @!p0 $0x108  }
0x21: {  	s3 =	sadd.s32 s3, s9;
	s6 =	sadd.s32 @!p0 $0x88, s6;
	s7 =	simm.s32 @p2 $0x1082  }
0x22: {  	[simem:s7], [sflag:s8] =	dma.local @!p0 [hbm:s6], $0xF7A  }
0x23: {  	s9 =	sor.u32 $0xD0000000, s2;
	s6 =	simm.s32 $0x108;
	_ =	swait.ge @!p0 [sflag:s8], $0x0  }
0x24: {  	s3 =	sadd.s32 $0x88, s3;
	s6 =	simm.s32 @!p1 $0x1082;
	[sflag:s4] =	ssyncset.s32 $0xFFFFF086  }
0x25: {  	[simem:s6], [sflag:s4] =	dma.local [hbm:s3], $0xF7A  }
0x26: {  	[smem:$0x3F86] =	sst s1;
	(tag) =	ssettag s2;
	_ =	strace s9  }
0x27: {  	s1 =	sld [smem:$0x3F96]  }
0x28: {  	s2 =	sld [smem:$0x3F97]  }
0x29: {  	s4 =	sld [smem:$0x3F99]  }
0x2a: {  	p0 =	seq.s32 s5, $0x0;
	s5 =	sld [smem:$0x3F9A]  }
0x2b: {  	s6 =	sld [smem:$0x3F9B]  }
0x2c: {  	s7 =	sld [smem:$0x3F9C]  }
0x2d: {  	s3 =	simm.s32 $0x108;
	s8 =	sld [smem:$0x3F9D]  }
0x2e: {  	s3 =	simm.s32 @!p0 $0x1082;
	s9 =	sld [smem:$0x3F9E]  }
0x2f: {  	lr =	sadd.s32 s0, s3;
	s0 =	sld [smem:$0x3F95]  }
0x30: {  	s3 =	sld [smem:$0x3F98]  }
0x31: {  	[smem:$0x3FA1] =	sst s10  }
0x32: {  	s10 =	sld [smem:$0x3F9F];
	_ =	sdelay $0x3  }
0x33: {  	p0 =	seq.s32 s10, $0x1;
	s10 =	sld [smem:$0x3FA1];
	_ =	sdelay $0x3  }
0x34: {  	[smem:$0x3FA1] =	sst s10  }
0x35: {  	s10 =	sld [smem:$0x3FA0];
	_ =	sdelay $0x3  }
0x36: {  	p1 =	seq.s32 s10, $0x1;
	s10 =	sld [smem:$0x3FA1];
	_ =	sdelay $0x3  }
0x37: {  	[smem:$0x3FA1] =	sst s10  }
0x38: {  	s10 =	sld [smem:$0x3FA2]  }
0x39: {  	_ = 	snop;
	(pc) =	sbr.ind lr, $3  }
0x3a: {  	_ = 	snop  }
0x3b: {  	_ = 	snop  }
0x3c: {  	p2 =	seq.s32 s10, $0x1;
	s10 =	sld [smem:$0x3FA1]  }
0x3d: {  	_ =	shalt  }
0x3e: {  	_ =	shalt  }
0x3f: {  	_ =	shalt  }
0x40: {  	_ =	shalt  }
0x41: {  	_ =	shalt  }
0x42: {  	_ =	shalt  }
0x43: {  	_ =	shalt  }
0x44: {  	_ =	shalt  }
0x45: {  	_ =	shalt  }
0x46: {  	_ =	shalt  }
0x47: {  	_ =	shalt  }
0x48: {  	_ =	shalt  }
0x49: {  	_ =	shalt  }
0x4a: {  	_ =	shalt  }
0x4b: {  	_ =	shalt  }
0x4c: {  	_ =	shalt  }
0x4d: {  	_ =	shalt  }
0x4e: {  	_ =	shalt  }
0x4f: {  	_ =	shalt  }
0x50: {  	_ =	shalt  }
0x51: {  	_ =	shalt  }
0x52: {  	_ =	shalt  }
0x53: {  	_ =	shalt  }
0x54: {  	_ =	shalt  }
0x55: {  	_ =	shalt  }
0x56: {  	_ =	shalt  }
0x57: {  	_ =	shalt  }
0x58: {  	_ =	shalt  }
0x59: {  	_ =	shalt  }
0x5a: {  	_ =	shalt  }
0x5b: {  	_ =	shalt  }
0x5c: {  	_ =	shalt  }
0x5d: {  	_ =	shalt  }
0x5e: {  	_ =	shalt  }
0x5f: {  	_ =	shalt  }
0x60: {  	_ =	shalt  }
0x61: {  	_ =	shalt  }
0x62: {  	_ =	shalt  }
0x63: {  	_ =	shalt  }
0x64: {  	_ =	shalt  }
0x65: {  	_ =	shalt  }
0x66: {  	_ =	shalt  }
0x67: {  	_ =	shalt  }
0x68: {  	_ =	shalt  }
0x69: {  	_ =	shalt  }
0x6a: {  	_ =	shalt  }
0x6b: {  	_ =	shalt  }
0x6c: {  	_ =	shalt  }
0x6d: {  	_ =	shalt  }
0x6e: {  	_ =	shalt  }
0x6f: {  	_ =	shalt  }
0x70: {  	_ =	shalt  }
0x71: {  	_ =	shalt  }
0x72: {  	_ =	shalt  }
0x73: {  	_ =	shalt  }
0x74: {  	_ =	shalt  }
0x75: {  	_ =	shalt  }
0x76: {  	_ =	shalt  }
0x77: {  	_ =	shalt  }
0x78: {  	_ =	shalt  }
0x79: {  	_ =	shalt  }
0x7a: {  	_ =	shalt  }
0x7b: {  	_ =	shalt  }
0x7c: {  	_ =	shalt  }
0x7d: {  	_ =	shalt  }
0x7e: {  	_ =	shalt  }
0x7f: {  	_ =	shalt  }
0x80: {  	_ =	shalt  }
0x81: {  	_ =	shalt  }
0x82: {  	_ =	shalt  }
0x83: {  	_ =	shalt  }
0x84: {  	_ =	shalt  }
0x85: {  	_ =	shalt  }
0x86: {  	_ =	shalt  }
0x87: {  	_ =	shalt  }
.Lfunc_end0:
.L_simem_size_0:
called_computation_lowered:
.L_overlay_start_0:
0x88: {  	s2 =	sld [smem:$0x3FD9]  }
0x89: {  	s3 =	sld [smem:$0x3FFE];
	_ =	sdelay $0x1  }
0x8a: {  	s1 =	srdreg.scid  }
0x8b: {  	s0 =	sand.u32 $0x1, s1  }
0x8c: {  	s16 =	sshll.u32 s0, $0xA;
	s2 =	sadd.s32 s3, s2  }
0x8d: {  	s2 =	sadd.s32 s2, s16  }
0x8e: {  	[smem:$0x3FAD] =	sst s2  }
0x8f: {  	_ = 	snop  }
0x90: {  	(tm) =	ssettm $0x1  }
0x91: {  	s17 =	sld [smem:$0x3FFB];
	_ =	sdelay $0x3  }
0x92: {  	_ =	strace s17  }
0x93: {  	s2 =	sld [smem:$0x3FFC];
	_ =	sdelay $0x3  }
0x94: {  	_ =	strace s2  }
0x95: {  	s2 =	sld [smem:$0x3FFD];
	_ =	sdelay $0x3  }
0x96: {  	_ =	strace s2  }
0x97: {  	_ =	strace $0x8FFFFFFF  }
0x98: {  	s18 =	sld [smem:$0x3FDB];
	_ =	sdelay $0x1  }
0x99: {  	s19 =	simm.s32 $_scs_section_size  }
0x9a: {  	s4 =	simm.s32 $_size__tile_overlayer_lowered;
	s5 =	simm.s32 $_tile_overlayer_lowered  }
0x9b: {  	s22 =	simm.s32 $0x1BFF;
	s21 =	sshll.u32 s5, $0x1;
	s2 =	sadd.s32 s19, s18  }
0x9c: {  	s6 =	simm.s32 $0x0;
	s20 =	sshll.u32 s4, $0x1;
	s4 =	sadd.s32 s21, s2  }
0x9d: {  	[timem:s6], [sflag:s22] =	dma.local [hbm:s4], s20  }
0x9e: {  	_ =	swait.ge [sflag:s22], s20  }
0x9f: {  	s3 =	ssub.s32 $0x0, s20;
	[sflag:s22] =	ssyncset.done $0x0  }
0xa0: {  	[sflag:s22] =	ssyncadd.s32 s3;
	_ =	sdelay $0x1  }
0xa1: {  	s23 =	simm.s32 $0x1B8B  }
0xa2: {  	_ =	swait.ge [sflag:s23], $0x1  }
0xa3: {  	[sflag:s23] =	ssyncset.done $0x0  }
0xa4: {  	s25 =	simm.s32 $0x1B8E;
	s24 =	sld [smem:$0x3FFE];
	[sflag:s23] =	ssyncadd.s32 $0xFFFFFFFF  }
0xa5: {  	s26 =	simm.s32 $execute0_lowered;
	[smem:$0x3FD2] =	sst s25  }
0xa6: {  	s4 =	sshll.u32 s26, $0x1;
	_ =	strace $0x80000046;
	[dreg:$0x1] =	wrdreg $0xFFFFFFFF  }
0xa7: {  	s28 =	simm.s32 $_size_execute0_lowered;
	s2 =	sadd.s32 s2, s4;
	[dreg:$0x0] =	wrdreg $0x0  }
0xa8: {  	s4 =	sshll.u32 s28, $0x1;
	[dreg:$0x2] =	wrdreg s2  }
0xa9: {  	[dreg:$0x3] =	wrdreg s4  }
0xaa: {  	[dreg:$0x4] =	wrdreg $0xC0  }
0xab: {  	_ =	task [dreg:s6], $0x5FFFF  }
0xac: {  	[dreg:$0x1] =	wrdreg $0xFFFFFFFF  }
0xad: {  	[dreg:$0x0] =	wrdreg $0x60  }
0xae: {  	[dreg:$0x2] =	wrdreg s24  }
0xaf: {  	[dreg:$0x3] =	wrdreg $0x9  }
0xb0: {  	_ =	task.clear_ibuf [dreg:s6], $0x4FFFF;
	_ =	strace $0x90000046  }
0xb1: {  	s29 =	simm.s32 $0x9;
	_ =	strace $0x80000048  }
0xb2: {  	_ =	swait.ge [sflag:s29], $0x1  }
0xb3: {  	[sflag:s29] =	ssyncadd.s32 $0xFFFFFFFF  }
0xb4: {  	_ =	strace $0x90000048  }
0xb5: {  	_ =	sfence  }
0xb6: {  	s30 =	sld [smem:$0x0];
	_ =	sdelay $0x2  }
0xb7: {  	s31 =	sshll.u32 s1, $0xD;
	s1 =	sshrl.u32 s1, $0x2  }
0xb8: {  	s3 =	sand.u32 $0x4000, s31;
	s1 =	sadd.s32 s1, s30  }
0xb9: {  	s0 =	sor.u32 s3, s0;
	s1 =	sshll.u32 s1, $0x11  }
0xba: {  	s0 =	sor.u32 s1, s0  }
0xbb: {  	s0 =	sadd.s32 $0x8F2B, s0  }
0xbc: {  	[sflag:s0] =	ssyncadd.remote.s32 $0x1  }
0xbd: {  	_ =	sfence.sel $0xFFFF  }
0xbe: {  	[dreg:$0x0] =	wrdreg $0xFFFFFFFF;
	(pc) =	sbr.abs _section_cstart, $3  }
0xbf: {  	[dreg:$0x1] =	wrdreg $0xFFFFFFFF  }
0xc0: {  	_ =	task.clear_ibuf [dreg:s6], $0x2FFFF;
	_ =	strace $0x9FFFFFFF  }
0xc1: {  	(tm) =	ssettm $0x7FFFFFFF  }
tec
execute0_lowered:
.L_overlay_start_1:
0x0: {  	(tag) =	ssettag $0x1  }
0x1: {  	s5 =	rddreg [dreg:$0x0]  }
0x2: {  	s0 =	rddreg [dreg:$0x1];
	s1 =	simm.s32 $0x0;
	s2 =	srdreg.scid  }
0x3: {  	s10 =	simm.s32 $0x2F80;
	s11 =	simm.s32 $0x0;
	[smem:$0x7FF] =	sst s1  }
0x4: {  	s6 =	sand.u32 $0x1, s2;
	s3 =	sadd.s32 $0x14000, s5;
	s2 =	stileid.u32  }
0x5: {  	s4 =	sadd.s32 $0xA200, s5;
	s5 =	sadd.s32 $0x14600, s5;
	s7 =	ssub.s32 $0x2, s6  }
0x6: {  	_ =	strace $0x80000047;
	s9 =	sshll.u32 s2, $0x1;
	s8 =	sshrl.u32 s7, $0x1  }
0x7: {  	s6 =	sor.u32 s6, s9;
	s9 =	simm.s32 $0x2780;
	s7 =	ssub.s32 s7, s8  }
0x8: {  	s6 =	smul.u32 $0x2710, s6;
	s8 =	simm.s32 $0x1;
	s7 =	smax.u32 s7, $0x1  }
.LBB2_1:
0x9: {  	[tilespmem:s1], [sflag:$0x1] =	stream.linear.gather [hbm4b:s3+s1], $0x2780, $0x38;
	[tilespmem:$0x3780] =	vst v63  }
0xa: {  	_ =	swait.ge [sflag:s8], $0x2780  }
0xb: {  	[sflag:s8] =	ssyncset.done $0x0  }
0xc: {  	s12 =	simm.s32 $0x0;
	[sflag:s8] =	ssyncadd.s32 $0xFFFFD880  }
.LBB2_2:
0xd: {  	s13 =	smul.u32 $0x7D0, s12;
	_ =	sdelay $0x1  }
0xe: {  	s13 =	sadd.s32 s6, s13  }
0xf: {  	s13 =	sshrl.u32 s13, $0x3  }
0x10: {  	s15 =	simm.s32 $0x0;
	s14 =	sadd.s32 s4, s13  }
0x11: {  	[tilespmem:s9], [sflag:$0x1] =	stream.linear.gather [hbm4b:s14+s15], $0x7D0, $0x38;
	[tilespmem:$0x3780] =	vst v63  }
0x12: {  	_ =	swait.ge [sflag:s8], $0x7D0  }
0x13: {  	[sflag:s8] =	ssyncset.done $0x0  }
0x14: {  	s14 =	simm.s32 $0x0;
	[sflag:s8] =	ssyncadd.s32 $0xFFFFF830  }
0x15: {  	v0 =	vld [tilespmem:s14+$0x2780];
	_ =	sdelay $0x7  }
0x16: {  	s16 =	simm.s32 $0x80;
	s15 =	simm.s32 $0x10;
	v0 =	vld.idx.msk [tilespmem:v0+s1+$0x0], $0xffff  }
.LBB2_3:
0x17: {  	p0 =	sne.s32 s16, $0x1F00;
	v1 =	vld [tilespmem:s15+$0x2780];
	_ =	sdelay $0x3  }
.Ltmp0:
0x18: {  	(pc) =	sbr.rel @p0 .LBB2_3-.Ltmp0, $2  }
0x19: {  	[tilespmem:s14+$0x2F80] =	vst v0;
	s14 =	smov.u32 s15;
	_ =	sdelay $0x2  }
0x1a: {  	s15 =	sshra.s32 s16, $0x2;
	s16 =	sadd.s32 $0x40, s16;
	v0 =	vld.idx.msk [tilespmem:v1+s1+$0x0], $0xffff  }
0x1b: {  	v1 =	vld [tilespmem:s15+$0x2780];
	_ =	sdelay $0x6  }
0x1c: {  	[tilespmem:s14+$0x2F80] =	vst v0  }
0x1d: {  	v0 =	vld.idx.msk [tilespmem:v1+s1+$0x0], $0xffff;
	_ =	sdelay $0x2  }
0x1e: {  	s12 =	sadd.s32 $0x1, s12  }
0x1f: {  	p0 =	sne.s32 s12, $0x5  }
.Ltmp1:
0x20: {  	s13 =	sadd.s32 s5, s13;
	[tilespmem:s15+$0x2F80] =	vst v0;
	(pc) =	sbr.rel @p0 .LBB2_2-.Ltmp1, $4  }
0x21: {  	[hbm4b:s13+s1] =	stream.linear.scatter [tilespmem:s10], [sflag:$0x1], $0x7D0, $0x38;
	[tilespmem:$0x3780] =	vst v63  }
0x22: {  	_ =	swait.ge [sflag:s8], $0x7D0  }
0x23: {  	[sflag:s8] =	ssyncset.done $0x0  }
0x24: {  	[sflag:s8] =	ssyncadd.s32 $0xFFFFF830  }
0x25: {  	s11 =	sadd.s32 $0x1, s11  }
0x26: {  	p0 =	sne.s32 s11, s7  }
.Ltmp2:
0x27: {  	_ = 	snop;
	(pc) =	sbr.rel @p0 .LBB2_1-.Ltmp2, $1  }
0x28: {  	_ =	sdelay $0x3  }
0x29: {  	_ =	sfence.sel $0x180000  }
0x2a: {  	[bflag:$0x0] =	sbarrier.arrive $0xFFFF  }
0x2b: {  	p0 =	sne.s32 s2, $0x0;
	_ =	strace $0x90000047  }
0x2c: {  	s0 =	sadd.s32 @!p0 $0x100000, s0;
	[bflag:$0x2] =	sbarrier.arrive $0xFFFF  }
0x2d: {  	[sflag:s0] =	ssyncadd.tile.s32 @!p0 $0x1;
	_ =	shalt  }
.Lfunc_end2:
_tile_overlayer_lowered:
.L_overlay_start_2:
0x2e: {  	(tag) =	ssettag $0x2  }
0x2f: {  	s0 =	rddreg [dreg:$0x0];
	s2 =	stileid.u32  }
0x30: {  	s1 =	rddreg [dreg:$0x1];
	p0 =	sne.s32 s2, $0x0  }
0x31: {  	s3 =	rddreg [dreg:$0x2];
	[bflag:$0x3] =	sbarrier.arrive $0xFFFF;
	s2 =	simm.s32 @!p0 $0x1C01  }
0x32: {  	[timem:s3], [sflag:s2] =	dma.local @!p0 [hbm:s0], s1  }
0x33: {  	s0 =	simm.s32 @!p0 $0x1  }
0x34: {  	_ =	swait.ge @!p0 [sflag:s0], s1  }
0x35: {  	s1 =	ssub.s32 @!p0 $0x0, s1;
	[sflag:s0] =	ssyncset.done @!p0 $0x0  }
0x36: {  	[sflag:s0] =	ssyncadd.s32 @!p0 s1  }
0x37: {  	[bflag:$0x3] =	sbarrier.arrive $0xFFFF  }
0x38: {  	_ =	shalt  }

// kernel: kernel.20.cloned.1.call-start
scs
__scs_entry_jumppad:
0x0: {  	(pc) =	sbr.rel $0x88, $3  }
0x1: {  	(tag) =	ssettag $0x0;
	lr =	simm.s32 $0x1  }
0x2: {  	[smem:$0x3F86] =	sst lr;
	_ =	strace $0xD0000000  }
0x3: {  	_ = 	snop  }
0x4: {  	_ = 	snop  }
0x5: {  	_ = 	snop  }
0x6: {  	_ = 	snop  }
0x7: {  	_ = 	snop  }
__scs_overlays_trampoline_lowered:
0x8: {  	[smem:$0x3F95] =	sst s0  }
0x9: {  	[smem:$0x3F96] =	sst s1  }
0xa: {  	[smem:$0x3F97] =	sst s2  }
0xb: {  	[smem:$0x3F98] =	sst s3  }
0xc: {  	[smem:$0x3F99] =	sst s4  }
0xd: {  	[smem:$0x3F9A] =	sst s5  }
0xe: {  	[smem:$0x3F9B] =	sst s6  }
0xf: {  	[smem:$0x3F9C] =	sst s7  }
0x10: {  	[smem:$0x3F9D] =	sst s8  }
0x11: {  	[smem:$0x3F9E] =	sst s9;
	s0 =	simm.s32 @!p0 $0x0  }
0x12: {  	s1 =	sld [smem:$0x3F84];
	s0 =	simm.s32 @p0 $0x1  }
0x13: {  	[smem:$0x3F9F] =	sst s0;
	s0 =	simm.s32 @!p1 $0x0  }
0x14: {  	s2 =	sld [smem:$0x3F83];
	s0 =	simm.s32 @p1 $0x1  }
0x15: {  	[smem:$0x3FA0] =	sst s0;
	s0 =	simm.s32 @!p2 $0x0  }
0x16: {  	s3 =	sld [smem:$0x3FDB];
	s0 =	simm.s32 @p2 $0x1  }
0x17: {  	s4 =	simm.s32 $0x1BF5;
	[smem:$0x3FA2] =	sst s0  }
0x18: {  	s0 =	sld [smem:$0x3F85];
	_ =	swait.ge [sflag:s4], $0x0  }
0x19: {  	s7 =	sld [smem:$0x3F86]  }
0x1a: {  	s8 =	sadd.s32 $0xFFFFE003, lr  }
0x1b: {  	s9 =	sadd.s32 $0xFFFFFEF7, lr;
	s5 =	simm.s32 $0xFFFFFFFF;
	p2 =	slt.u32 s8, $0xFFFFF086  }
0x1c: {  	p1 =	slt.u32 s9, $0xF7A;
	s5 =	simm.s32 @!p2 $0x0  }
0x1d: {  	s5 =	simm.s32 @p1 $0x1;
	p0 =	seq.s32 s7, s2  }
0x1e: {  	s7 =	smul.u32 @!p0 $0xF7A, s2;
	p2 =	seq.s32 @!p0 s5, $0x0  }
0x1f: {  	s9 =	smul.u32 $0xF7A, s1;
	s8 =	simm.s32 @!p0 $0x1BF5;
	p2 =	por !p2, p0  }
0x20: {  	[sflag:s8] =	ssyncset.s32 @!p0 $0xFFFFF086;
	s6 =	sadd.s32 @!p0 s3, s7;
	s7 =	simm.s32 @!p0 $0x108  }
0x21: {  	s3 =	sadd.s32 s3, s9;
	s6 =	sadd.s32 @!p0 $0x88, s6;
	s7 =	simm.s32 @p2 $0x1082  }
0x22: {  	[simem:s7], [sflag:s8] =	dma.local @!p0 [hbm:s6], $0xF7A  }
0x23: {  	s9 =	sor.u32 $0xD0000000, s2;
	s6 =	simm.s32 $0x108;
	_ =	swait.ge @!p0 [sflag:s8], $0x0  }
0x24: {  	s3 =	sadd.s32 $0x88, s3;
	s6 =	simm.s32 @!p1 $0x1082;
	[sflag:s4] =	ssyncset.s32 $0xFFFFF086  }
0x25: {  	[simem:s6], [sflag:s4] =	dma.local [hbm:s3], $0xF7A  }
0x26: {  	[smem:$0x3F86] =	sst s1;
	(tag) =	ssettag s2;
	_ =	strace s9  }
0x27: {  	s1 =	sld [smem:$0x3F96]  }
0x28: {  	s2 =	sld [smem:$0x3F97]  }
0x29: {  	s4 =	sld [smem:$0x3F99]  }
0x2a: {  	p0 =	seq.s32 s5, $0x0;
	s5 =	sld [smem:$0x3F9A]  }
0x2b: {  	s6 =	sld [smem:$0x3F9B]  }
0x2c: {  	s7 =	sld [smem:$0x3F9C]  }
0x2d: {  	s3 =	simm.s32 $0x108;
	s8 =	sld [smem:$0x3F9D]  }
0x2e: {  	s3 =	simm.s32 @!p0 $0x1082;
	s9 =	sld [smem:$0x3F9E]  }
0x2f: {  	lr =	sadd.s32 s0, s3;
	s0 =	sld [smem:$0x3F95]  }
0x30: {  	s3 =	sld [smem:$0x3F98]  }
0x31: {  	[smem:$0x3FA1] =	sst s10  }
0x32: {  	s10 =	sld [smem:$0x3F9F];
	_ =	sdelay $0x3  }
0x33: {  	p0 =	seq.s32 s10, $0x1;
	s10 =	sld [smem:$0x3FA1];
	_ =	sdelay $0x3  }
0x34: {  	[smem:$0x3FA1] =	sst s10  }
0x35: {  	s10 =	sld [smem:$0x3FA0];
	_ =	sdelay $0x3  }
0x36: {  	p1 =	seq.s32 s10, $0x1;
	s10 =	sld [smem:$0x3FA1];
	_ =	sdelay $0x3  }
0x37: {  	[smem:$0x3FA1] =	sst s10  }
0x38: {  	s10 =	sld [smem:$0x3FA2]  }
0x39: {  	_ = 	snop;
	(pc) =	sbr.ind lr, $3  }
0x3a: {  	_ = 	snop  }
0x3b: {  	_ = 	snop  }
0x3c: {  	p2 =	seq.s32 s10, $0x1;
	s10 =	sld [smem:$0x3FA1]  }
0x3d: {  	_ =	shalt  }
0x3e: {  	_ =	shalt  }
0x3f: {  	_ =	shalt  }
0x40: {  	_ =	shalt  }
0x41: {  	_ =	shalt  }
0x42: {  	_ =	shalt  }
0x43: {  	_ =	shalt  }
0x44: {  	_ =	shalt  }
0x45: {  	_ =	shalt  }
0x46: {  	_ =	shalt  }
0x47: {  	_ =	shalt  }
0x48: {  	_ =	shalt  }
0x49: {  	_ =	shalt  }
0x4a: {  	_ =	shalt  }
0x4b: {  	_ =	shalt  }
0x4c: {  	_ =	shalt  }
0x4d: {  	_ =	shalt  }
0x4e: {  	_ =	shalt  }
0x4f: {  	_ =	shalt  }
0x50: {  	_ =	shalt  }
0x51: {  	_ =	shalt  }
0x52: {  	_ =	shalt  }
0x53: {  	_ =	shalt  }
0x54: {  	_ =	shalt  }
0x55: {  	_ =	shalt  }
0x56: {  	_ =	shalt  }
0x57: {  	_ =	shalt  }
0x58: {  	_ =	shalt  }
0x59: {  	_ =	shalt  }
0x5a: {  	_ =	shalt  }
0x5b: {  	_ =	shalt  }
0x5c: {  	_ =	shalt  }
0x5d: {  	_ =	shalt  }
0x5e: {  	_ =	shalt  }
0x5f: {  	_ =	shalt  }
0x60: {  	_ =	shalt  }
0x61: {  	_ =	shalt  }
0x62: {  	_ =	shalt  }
0x63: {  	_ =	shalt  }
0x64: {  	_ =	shalt  }
0x65: {  	_ =	shalt  }
0x66: {  	_ =	shalt  }
0x67: {  	_ =	shalt  }
0x68: {  	_ =	shalt  }
0x69: {  	_ =	shalt  }
0x6a: {  	_ =	shalt  }
0x6b: {  	_ =	shalt  }
0x6c: {  	_ =	shalt  }
0x6d: {  	_ =	shalt  }
0x6e: {  	_ =	shalt  }
0x6f: {  	_ =	shalt  }
0x70: {  	_ =	shalt  }
0x71: {  	_ =	shalt  }
0x72: {  	_ =	shalt  }
0x73: {  	_ =	shalt  }
0x74: {  	_ =	shalt  }
0x75: {  	_ =	shalt  }
0x76: {  	_ =	shalt  }
0x77: {  	_ =	shalt  }
0x78: {  	_ =	shalt  }
0x79: {  	_ =	shalt  }
0x7a: {  	_ =	shalt  }
0x7b: {  	_ =	shalt  }
0x7c: {  	_ =	shalt  }
0x7d: {  	_ =	shalt  }
0x7e: {  	_ =	shalt  }
0x7f: {  	_ =	shalt  }
0x80: {  	_ =	shalt  }
0x81: {  	_ =	shalt  }
0x82: {  	_ =	shalt  }
0x83: {  	_ =	shalt  }
0x84: {  	_ =	shalt  }
0x85: {  	_ =	shalt  }
0x86: {  	_ =	shalt  }
0x87: {  	_ =	shalt  }
.Lfunc_end0:
.L_simem_size_0:
called_computation.1_lowered:
.L_overlay_start_0:
0x88: {  	s2 =	sld [smem:$0x3FD9]  }
0x89: {  	s3 =	sld [smem:$0x3FFE];
	_ =	sdelay $0x1  }
0x8a: {  	s1 =	srdreg.scid  }
0x8b: {  	s0 =	sand.u32 $0x1, s1  }
0x8c: {  	s16 =	sshll.u32 s0, $0xA;
	s2 =	sadd.s32 s3, s2  }
0x8d: {  	s2 =	sadd.s32 s2, s16  }
0x8e: {  	[smem:$0x3FAD] =	sst s2  }
0x8f: {  	_ = 	snop  }
0x90: {  	(tm) =	ssettm $0x1  }
0x91: {  	s17 =	sld [smem:$0x3FFB];
	_ =	sdelay $0x3  }
0x92: {  	_ =	strace s17  }
0x93: {  	s2 =	sld [smem:$0x3FFC];
	_ =	sdelay $0x3  }
0x94: {  	_ =	strace s2  }
0x95: {  	s2 =	sld [smem:$0x3FFD];
	_ =	sdelay $0x3  }
0x96: {  	_ =	strace s2  }
0x97: {  	_ =	strace $0x8FFFFFFF  }
0x98: {  	s18 =	sld [smem:$0x3FDB];
	_ =	sdelay $0x1  }
0x99: {  	s19 =	simm.s32 $_scs_section_size  }
0x9a: {  	s4 =	simm.s32 $_size__tile_overlayer_lowered;
	s5 =	simm.s32 $_tile_overlayer_lowered  }
0x9b: {  	s22 =	simm.s32 $0x1BFF;
	s21 =	sshll.u32 s5, $0x1;
	s2 =	sadd.s32 s19, s18  }
0x9c: {  	s6 =	simm.s32 $0x0;
	s20 =	sshll.u32 s4, $0x1;
	s4 =	sadd.s32 s21, s2  }
0x9d: {  	[timem:s6], [sflag:s22] =	dma.local [hbm:s4], s20  }
0x9e: {  	_ =	swait.ge [sflag:s22], s20  }
0x9f: {  	s3 =	ssub.s32 $0x0, s20;
	[sflag:s22] =	ssyncset.done $0x0  }
0xa0: {  	[sflag:s22] =	ssyncadd.s32 s3;
	_ =	sdelay $0x1  }
0xa1: {  	s23 =	simm.s32 $0x1B8B  }
0xa2: {  	_ =	swait.ge [sflag:s23], $0x1  }
0xa3: {  	[sflag:s23] =	ssyncset.done $0x0  }
0xa4: {  	s25 =	simm.s32 $0x1B8E;
	s24 =	sld [smem:$0x3FFE];
	[sflag:s23] =	ssyncadd.s32 $0xFFFFFFFF  }
0xa5: {  	s26 =	simm.s32 $execute0_lowered;
	[smem:$0x3FD2] =	sst s25  }
0xa6: {  	s4 =	sshll.u32 s26, $0x1;
	_ =	strace $0x80000049;
	[dreg:$0x1] =	wrdreg $0xFFFFFFFF  }
0xa7: {  	s28 =	simm.s32 $_size_execute0_lowered;
	s2 =	sadd.s32 s2, s4;
	[dreg:$0x0] =	wrdreg $0x0  }
0xa8: {  	s4 =	sshll.u32 s28, $0x1;
	[dreg:$0x2] =	wrdreg s2  }
0xa9: {  	[dreg:$0x3] =	wrdreg s4  }
0xaa: {  	[dreg:$0x4] =	wrdreg $0xC0  }
0xab: {  	_ =	task [dreg:s6], $0x5FFFF  }
0xac: {  	[dreg:$0x1] =	wrdreg $0xFFFFFFFF  }
0xad: {  	[dreg:$0x0] =	wrdreg $0x60  }
0xae: {  	[dreg:$0x2] =	wrdreg s24  }
0xaf: {  	[dreg:$0x3] =	wrdreg $0x9  }
0xb0: {  	_ =	task.clear_ibuf [dreg:s6], $0x4FFFF;
	_ =	strace $0x90000049  }
0xb1: {  	s29 =	simm.s32 $0x9;
	_ =	strace $0x8000004B  }
0xb2: {  	_ =	swait.ge [sflag:s29], $0x1  }
0xb3: {  	[sflag:s29] =	ssyncadd.s32 $0xFFFFFFFF  }
0xb4: {  	_ =	strace $0x9000004B  }
0xb5: {  	_ =	sfence  }
0xb6: {  	s30 =	sld [smem:$0x0];
	_ =	sdelay $0x2  }
0xb7: {  	s31 =	sshll.u32 s1, $0xD;
	s1 =	sshrl.u32 s1, $0x2  }
0xb8: {  	s3 =	sand.u32 $0x4000, s31;
	s1 =	sadd.s32 s1, s30  }
0xb9: {  	s0 =	sor.u32 s3, s0;
	s1 =	sshll.u32 s1, $0x11  }
0xba: {  	s0 =	sor.u32 s1, s0  }
0xbb: {  	s0 =	sadd.s32 $0x8F2B, s0  }
0xbc: {  	[sflag:s0] =	ssyncadd.remote.s32 $0x1  }
0xbd: {  	_ =	sfence.sel $0xFFFF  }
0xbe: {  	[dreg:$0x0] =	wrdreg $0xFFFFFFFF;
	(pc) =	sbr.abs _section_cstart, $3  }
0xbf: {  	[dreg:$0x1] =	wrdreg $0xFFFFFFFF  }
0xc0: {  	_ =	task.clear_ibuf [dreg:s6], $0x2FFFF;
	_ =	strace $0x9FFFFFFF  }
0xc1: {  	(tm) =	ssettm $0x7FFFFFFF  }
tec
execute0_lowered:
.L_overlay_start_1:
0x0: {  	(tag) =	ssettag $0x1  }
0x1: {  	s1 =	srdreg.scid;
	s0 =	stileid.u32  }
0x2: {  	s4 =	rddreg [dreg:$0x0];
	s2 =	simm.s32 $0x0;
	s14 =	simm.s32 $0x2  }
0x3: {  	s15 =	simm.s32 $0x4100;
	s16 =	simm.s32 $0x0;
	s8 =	smul.u32 $0x50, s0  }
0x4: {  	s6 =	sand.u32 $0x1, s1;
	s1 =	rddreg [dreg:$0x1];
	s30 =	smul.u32 $0x28000, s0  }
0x5: {  	s3 =	sshll.u32 s0, $0x1;
	[smem:$0x7FF] =	sst s2;
	s11 =	smul.u32 $0x28, s6  }
0x6: {  	s9 =	sadd.s32 $0x31E00, s4;
	s5 =	sor.u32 s6, s3;
	s31 =	smul.u32 $0x14000, s6  }
0x7: {  	_ =	strace $0x8000004A;
	s10 =	ssub.s32 $0x2, s6;
	s7 =	smul.u32 $0x28, s5  }
0x8: {  	s3 =	sadd.s32 $0x73C00, s4;
	s12 =	sshrl.u32 s10, $0x1;
	s13 =	smul.u32 $0x280, s5  }
.Ltmp0:
0x9: {  	s4 =	sadd.s32 $0x9AE00, s4;
	s10 =	ssub.s32 s10, s12;
	(pc) =	sbr.rel .LBB2_1-.Ltmp0, $4  }
0xa: {  	s8 =	sadd.s32 s11, s8;
	s11 =	simm.s32 $0x3;
	s12 =	simm.s32 $0x80  }
0xb: {  	s5 =	ssub.s32 $0x4E2, s7;
	s8 =	sshll.u32 s8, $0x4;
	s7 =	sadd.s32 s9, s13  }
0xc: {  	s13 =	simm.s32 $0x100;
	s6 =	smin.u32 s5, $0x28;
	s9 =	sadd.s32 s8, s9  }
0xd: {  	s8 =	smax.u32 s10, $0x1;
	s10 =	sadd.s32 s31, s30;
	s9 =	sadd.s32 $0x10, s9  }
.LBB2_5:
0xe: {  	s16 =	sadd.s32 $0x1, s16  }
0xf: {  	p0 =	sne.s32 s16, s8  }
.Ltmp1:
0x10: {  	_ = 	snop;
	(pc) =	sbr.rel @!p0 .LBB2_6-.Ltmp1, $1  }
0x11: {  	_ =	sdelay $0x3  }
.LBB2_1:
0x12: {  	[tilespmem:s2], [sflag:$0x3] =	stream.linear.gather [hbm4b:s7+s2], $0x80, $0x38;
	[tilespmem:$0x8100] =	vst v63  }
.Ltmp2:
0x13: {  	_ = 	snop;
	(pc) =	sbr.rel .LBB2_2-.Ltmp2, $4  }
0x14: {  	_ =	swait.ge [sflag:s11], $0x80  }
0x15: {  	s17 =	smov.u32 s10;
	[sflag:s11] =	ssyncset.done $0x0  }
0x16: {  	s18 =	smov.u32 s9;
	s19 =	simm.s32 $0x0;
	[sflag:s11] =	ssyncadd.s32 $0xFFFFFF80  }
0x17: {  	[tilespmem:s13], [sflag:$0x1] =	stream.indirect.gather [hbm4b:s3+s12], $0x80, s2, s12, $0xb8;
	[tilespmem:$0x8100] =	vst v63  }
.LBB2_4:
0x18: {  	s19 =	sadd.s32 $0x1, s19  }
0x19: {  	p0 =	sne.s32 s19, $0x28  }
.Ltmp3:
0x1a: {  	_ = 	snop;
	(pc) =	sbr.rel @!p0 .LBB2_5-.Ltmp3, $2  }
0x1b: {  	_ =	sdelay $0x2  }
0x1c: {  	s18 =	sadd.s32 $0x10, s18;
	s17 =	sadd.s32 $0x800, s17  }
.LBB2_2:
0x1d: {  	p0 =	sle.u32 s5, s19  }
0x1e: {  	s20 =	sand.u32 @!p0 $0x1, s19  }
0x1f: {  	p2 =	seq.s32 @!p0 s20, $0x1  }
0x20: {  	p1 =	por p2, p0  }
0x21: {  	s21 =	sadd.s32 @!p1 $0x1, s19  }
0x22: {  	p3 =	sge.u32 @!p1 s21, s6  }
0x23: {  	p3 =	por @!p0 p3, p2  }
0x24: {  	p3 =	por p3, p0  }
0x25: {  	s21 =	simm.s32 @!p3 $0x0;
	s22 =	simm.s32 @!p3 $0x80  }
0x26: {  	[tilespmem:s22], [sflag:$0x4] =	stream.linear.gather @!p3 [hbm4b:s18+s21], $0x80, $0x38;
	[tilespmem:$0x8100] =	vst v63  }
0x27: {  	s21 =	simm.s32 @!p3 $0x4  }
0x28: {  	_ =	swait.ge @!p3 [sflag:s21], $0x80  }
0x29: {  	[sflag:s21] =	ssyncset.done @!p3 $0x0  }
0x2a: {  	[sflag:s21] =	ssyncadd.s32 @!p3 $0xFFFFFF80;
	s21 =	simm.s32 @!p3 $0x4100  }
0x2b: {  	[tilespmem:s21], [sflag:$0x2] =	stream.indirect.gather @!p3 [hbm4b:s3+s22], $0x80, s22, s22, $0xb8;
	[tilespmem:$0x8100] =	vst v63  }
0x2c: {  	s21 =	simm.s32 @!p1 $0x1  }
0x2d: {  	_ =	swait.ge @!p1 [sflag:s21], $0x4000  }
0x2e: {  	s23 =	simm.s32 @!p1 $0x100;
	p3 =	seq.s32 @!p1 s20, $0x0;
	[sflag:s21] =	ssyncset.done @!p1 $0x0  }
0x2f: {  	p2 =	por @!p0 p2, !p3;
	[sflag:s21] =	ssyncadd.s32 @!p1 $0xFFFFC000;
	s21 =	sand.u32 @!p1 $0x1FFFF000, s17  }
0x30: {  	s22 =	simm.s32 @!p1 $0x0;
	p0 =	por p0, !p2;
	s21 =	sadd.s32 @!p1 s4, s21  }
0x31: {  	[hbm4b:s21+s22] =	stream.linear.scatter @!p1 [tilespmem:s23], [sflag:$0x4], $0x4000, $0x38;
	[tilespmem:$0x8100] =	vst v63  }
.Ltmp4:
0x32: {  	_ = 	snop;
	(pc) =	sbr.rel @p0 .LBB2_4-.Ltmp4, $4  }
0x33: {  	s21 =	simm.s32 @!p1 $0x4  }
0x34: {  	_ =	swait.ge @!p1 [sflag:s21], $0x4000  }
0x35: {  	[sflag:s21] =	ssyncset.done @!p1 $0x0  }
0x36: {  	[sflag:s21] =	ssyncadd.s32 @!p1 $0xFFFFC000  }
0x37: {  	s20 =	sadd.s32 $0x1, s19  }
0x38: {  	p0 =	sge.u32 s20, s6  }
0x39: {  	s20 =	simm.s32 @!p0 $0x0;
	s21 =	simm.s32 @!p0 $0x4  }
0x3a: {  	[tilespmem:s20], [sflag:$0x4] =	stream.linear.gather @!p0 [hbm4b:s18+s20], $0x80, $0x38;
	[tilespmem:$0x8100] =	vst v63  }
0x3b: {  	_ =	swait.ge @!p0 [sflag:s21], $0x80  }
0x3c: {  	[sflag:s21] =	ssyncset.done @!p0 $0x0  }
0x3d: {  	s22 =	simm.s32 @!p0 $0x100;
	[sflag:s21] =	ssyncadd.s32 @!p0 $0xFFFFFF80;
	s21 =	simm.s32 @!p0 $0x80  }
0x3e: {  	[tilespmem:s22], [sflag:$0x1] =	stream.indirect.gather @!p0 [hbm4b:s3+s21], $0x80, s20, s21, $0xb8;
	[tilespmem:$0x8100] =	vst v63  }
0x3f: {  	_ =	swait.ge [sflag:s14], $0x4000  }
0x40: {  	[sflag:s14] =	ssyncset.done $0x0  }
.Ltmp5:
0x41: {  	s31 =	sadd.s32 s17, s4;
	[sflag:s14] =	ssyncadd.s32 $0xFFFFC000;
	(pc) =	sbr.rel .LBB2_4-.Ltmp5, $4  }
0x42: {  	[hbm4b:s31+s2] =	stream.linear.scatter [tilespmem:s15], [sflag:$0x3], $0x4000, $0x38;
	[tilespmem:$0x8100] =	vst v63  }
0x43: {  	_ =	swait.ge [sflag:s11], $0x4000  }
0x44: {  	[sflag:s11] =	ssyncset.done $0x0  }
0x45: {  	[sflag:s11] =	ssyncadd.s32 $0xFFFFC000  }
.LBB2_6:
0x46: {  	_ =	sfence.sel $0x180000  }
0x47: {  	[bflag:$0x0] =	sbarrier.arrive $0xFFFF  }
0x48: {  	p0 =	sne.s32 s0, $0x0;
	_ =	strace $0x9000004A  }
0x49: {  	s0 =	sadd.s32 @!p0 $0x100000, s1;
	[bflag:$0x2] =	sbarrier.arrive $0xFFFF  }
0x4a: {  	[sflag:s0] =	ssyncadd.tile.s32 @!p0 $0x1;
	_ =	shalt  }
.Lfunc_end2:
_tile_overlayer_lowered:
.L_overlay_start_2:
0x4b: {  	(tag) =	ssettag $0x2  }
0x4c: {  	s0 =	rddreg [dreg:$0x0];
	s2 =	stileid.u32  }
0x4d: {  	s1 =	rddreg [dreg:$0x1];
	p0 =	sne.s32 s2, $0x0  }
0x4e: {  	s3 =	rddreg [dreg:$0x2];
	[bflag:$0x3] =	sbarrier.arrive $0xFFFF;
	s2 =	simm.s32 @!p0 $0x1C03  }
0x4f: {  	[timem:s3], [sflag:s2] =	dma.local @!p0 [hbm:s0], s1  }
0x50: {  	s0 =	simm.s32 @!p0 $0x3  }
0x51: {  	_ =	swait.ge @!p0 [sflag:s0], s1  }
0x52: {  	s1 =	ssub.s32 @!p0 $0x0, s1;
	[sflag:s0] =	ssyncset.done @!p0 $0x0  }
0x53: {  	[sflag:s0] =	ssyncadd.s32 @!p0 s1  }
0x54: {  	[bflag:$0x3] =	sbarrier.arrive $0xFFFF  }
0x55: {  	_ =	shalt  }

// kernel: kernel.23.cloned.1.call-start
scs
__scs_entry_jumppad:
0x0: {  	(pc) =	sbr.rel $0x88, $3  }
0x1: {  	(tag) =	ssettag $0x0;
	lr =	simm.s32 $0x1  }
0x2: {  	[smem:$0x3F86] =	sst lr;
	_ =	strace $0xD0000000  }
0x3: {  	_ = 	snop  }
0x4: {  	_ = 	snop  }
0x5: {  	_ = 	snop  }
0x6: {  	_ = 	snop  }
0x7: {  	_ = 	snop  }
__scs_overlays_trampoline_lowered:
0x8: {  	[smem:$0x3F95] =	sst s0  }
0x9: {  	[smem:$0x3F96] =	sst s1  }
0xa: {  	[smem:$0x3F97] =	sst s2  }
0xb: {  	[smem:$0x3F98] =	sst s3  }
0xc: {  	[smem:$0x3F99] =	sst s4  }
0xd: {  	[smem:$0x3F9A] =	sst s5  }
0xe: {  	[smem:$0x3F9B] =	sst s6  }
0xf: {  	[smem:$0x3F9C] =	sst s7  }
0x10: {  	[smem:$0x3F9D] =	sst s8  }
0x11: {  	[smem:$0x3F9E] =	sst s9;
	s0 =	simm.s32 @!p0 $0x0  }
0x12: {  	s1 =	sld [smem:$0x3F84];
	s0 =	simm.s32 @p0 $0x1  }
0x13: {  	[smem:$0x3F9F] =	sst s0;
	s0 =	simm.s32 @!p1 $0x0  }
0x14: {  	s2 =	sld [smem:$0x3F83];
	s0 =	simm.s32 @p1 $0x1  }
0x15: {  	[smem:$0x3FA0] =	sst s0;
	s0 =	simm.s32 @!p2 $0x0  }
0x16: {  	s3 =	sld [smem:$0x3FDB];
	s0 =	simm.s32 @p2 $0x1  }
0x17: {  	s4 =	simm.s32 $0x1BF5;
	[smem:$0x3FA2] =	sst s0  }
0x18: {  	s0 =	sld [smem:$0x3F85];
	_ =	swait.ge [sflag:s4], $0x0  }
0x19: {  	s7 =	sld [smem:$0x3F86]  }
0x1a: {  	s8 =	sadd.s32 $0xFFFFE003, lr  }
0x1b: {  	s9 =	sadd.s32 $0xFFFFFEF7, lr;
	s5 =	simm.s32 $0xFFFFFFFF;
	p2 =	slt.u32 s8, $0xFFFFF086  }
0x1c: {  	p1 =	slt.u32 s9, $0xF7A;
	s5 =	simm.s32 @!p2 $0x0  }
0x1d: {  	s5 =	simm.s32 @p1 $0x1;
	p0 =	seq.s32 s7, s2  }
0x1e: {  	s7 =	smul.u32 @!p0 $0xF7A, s2;
	p2 =	seq.s32 @!p0 s5, $0x0  }
0x1f: {  	s9 =	smul.u32 $0xF7A, s1;
	s8 =	simm.s32 @!p0 $0x1BF5;
	p2 =	por !p2, p0  }
0x20: {  	[sflag:s8] =	ssyncset.s32 @!p0 $0xFFFFF086;
	s6 =	sadd.s32 @!p0 s3, s7;
	s7 =	simm.s32 @!p0 $0x108  }
0x21: {  	s3 =	sadd.s32 s3, s9;
	s6 =	sadd.s32 @!p0 $0x88, s6;
	s7 =	simm.s32 @p2 $0x1082  }
0x22: {  	[simem:s7], [sflag:s8] =	dma.local @!p0 [hbm:s6], $0xF7A  }
0x23: {  	s9 =	sor.u32 $0xD0000000, s2;
	s6 =	simm.s32 $0x108;
	_ =	swait.ge @!p0 [sflag:s8], $0x0  }
0x24: {  	s3 =	sadd.s32 $0x88, s3;
	s6 =	simm.s32 @!p1 $0x1082;
	[sflag:s4] =	ssyncset.s32 $0xFFFFF086  }
0x25: {  	[simem:s6], [sflag:s4] =	dma.local [hbm:s3], $0xF7A  }
0x26: {  	[smem:$0x3F86] =	sst s1;
	(tag) =	ssettag s2;
	_ =	strace s9  }
0x27: {  	s1 =	sld [smem:$0x3F96]  }
0x28: {  	s2 =	sld [smem:$0x3F97]  }
0x29: {  	s4 =	sld [smem:$0x3F99]  }
0x2a: {  	p0 =	seq.s32 s5, $0x0;
	s5 =	sld [smem:$0x3F9A]  }
0x2b: {  	s6 =	sld [smem:$0x3F9B]  }
0x2c: {  	s7 =	sld [smem:$0x3F9C]  }
0x2d: {  	s3 =	simm.s32 $0x108;
	s8 =	sld [smem:$0x3F9D]  }
0x2e: {  	s3 =	simm.s32 @!p0 $0x1082;
	s9 =	sld [smem:$0x3F9E]  }
0x2f: {  	lr =	sadd.s32 s0, s3;
	s0 =	sld [smem:$0x3F95]  }
0x30: {  	s3 =	sld [smem:$0x3F98]  }
0x31: {  	[smem:$0x3FA1] =	sst s10  }
0x32: {  	s10 =	sld [smem:$0x3F9F];
	_ =	sdelay $0x3  }
0x33: {  	p0 =	seq.s32 s10, $0x1;
	s10 =	sld [smem:$0x3FA1];
	_ =	sdelay $0x3  }
0x34: {  	[smem:$0x3FA1] =	sst s10  }
0x35: {  	s10 =	sld [smem:$0x3FA0];
	_ =	sdelay $0x3  }
0x36: {  	p1 =	seq.s32 s10, $0x1;
	s10 =	sld [smem:$0x3FA1];
	_ =	sdelay $0x3  }
0x37: {  	[smem:$0x3FA1] =	sst s10  }
0x38: {  	s10 =	sld [smem:$0x3FA2]  }
0x39: {  	_ = 	snop;
	(pc) =	sbr.ind lr, $3  }
0x3a: {  	_ = 	snop  }
0x3b: {  	_ = 	snop  }
0x3c: {  	p2 =	seq.s32 s10, $0x1;
	s10 =	sld [smem:$0x3FA1]  }
0x3d: {  	_ =	shalt  }
0x3e: {  	_ =	shalt  }
0x3f: {  	_ =	shalt  }
0x40: {  	_ =	shalt  }
0x41: {  	_ =	shalt  }
0x42: {  	_ =	shalt  }
0x43: {  	_ =	shalt  }
0x44: {  	_ =	shalt  }
0x45: {  	_ =	shalt  }
0x46: {  	_ =	shalt  }
0x47: {  	_ =	shalt  }
0x48: {  	_ =	shalt  }
0x49: {  	_ =	shalt  }
0x4a: {  	_ =	shalt  }
0x4b: {  	_ =	shalt  }
0x4c: {  	_ =	shalt  }
0x4d: {  	_ =	shalt  }
0x4e: {  	_ =	shalt  }
0x4f: {  	_ =	shalt  }
0x50: {  	_ =	shalt  }
0x51: {  	_ =	shalt  }
0x52: {  	_ =	shalt  }
0x53: {  	_ =	shalt  }
0x54: {  	_ =	shalt  }
0x55: {  	_ =	shalt  }
0x56: {  	_ =	shalt  }
0x57: {  	_ =	shalt  }
0x58: {  	_ =	shalt  }
0x59: {  	_ =	shalt  }
0x5a: {  	_ =	shalt  }
0x5b: {  	_ =	shalt  }
0x5c: {  	_ =	shalt  }
0x5d: {  	_ =	shalt  }
0x5e: {  	_ =	shalt  }
0x5f: {  	_ =	shalt  }
0x60: {  	_ =	shalt  }
0x61: {  	_ =	shalt  }
0x62: {  	_ =	shalt  }
0x63: {  	_ =	shalt  }
0x64: {  	_ =	shalt  }
0x65: {  	_ =	shalt  }
0x66: {  	_ =	shalt  }
0x67: {  	_ =	shalt  }
0x68: {  	_ =	shalt  }
0x69: {  	_ =	shalt  }
0x6a: {  	_ =	shalt  }
0x6b: {  	_ =	shalt  }
0x6c: {  	_ =	shalt  }
0x6d: {  	_ =	shalt  }
0x6e: {  	_ =	shalt  }
0x6f: {  	_ =	shalt  }
0x70: {  	_ =	shalt  }
0x71: {  	_ =	shalt  }
0x72: {  	_ =	shalt  }
0x73: {  	_ =	shalt  }
0x74: {  	_ =	shalt  }
0x75: {  	_ =	shalt  }
0x76: {  	_ =	shalt  }
0x77: {  	_ =	shalt  }
0x78: {  	_ =	shalt  }
0x79: {  	_ =	shalt  }
0x7a: {  	_ =	shalt  }
0x7b: {  	_ =	shalt  }
0x7c: {  	_ =	shalt  }
0x7d: {  	_ =	shalt  }
0x7e: {  	_ =	shalt  }
0x7f: {  	_ =	shalt  }
0x80: {  	_ =	shalt  }
0x81: {  	_ =	shalt  }
0x82: {  	_ =	shalt  }
0x83: {  	_ =	shalt  }
0x84: {  	_ =	shalt  }
0x85: {  	_ =	shalt  }
0x86: {  	_ =	shalt  }
0x87: {  	_ =	shalt  }
.Lfunc_end0:
.L_simem_size_0:
called_computation.2_lowered:
.L_overlay_start_0:
0x88: {  	s2 =	sld [smem:$0x3FD9]  }
0x89: {  	s3 =	sld [smem:$0x3FFE];
	_ =	sdelay $0x1  }
0x8a: {  	s1 =	srdreg.scid  }
0x8b: {  	s0 =	sand.u32 $0x1, s1  }
0x8c: {  	s17 =	sshll.u32 s0, $0xA;
	s2 =	sadd.s32 s3, s2  }
0x8d: {  	s2 =	sadd.s32 s2, s17  }
0x8e: {  	[smem:$0x3FAD] =	sst s2  }
0x8f: {  	_ = 	snop  }
0x90: {  	(tm) =	ssettm $0x1  }
0x91: {  	s18 =	sld [smem:$0x3FFB];
	_ =	sdelay $0x3  }
0x92: {  	_ =	strace s18  }
0x93: {  	s2 =	sld [smem:$0x3FFC];
	_ =	sdelay $0x3  }
0x94: {  	_ =	strace s2  }
0x95: {  	s2 =	sld [smem:$0x3FFD];
	_ =	sdelay $0x3  }
0x96: {  	_ =	strace s2  }
0x97: {  	_ =	strace $0x8FFFFFFF  }
0x98: {  	s19 =	sld [smem:$0x3FDB];
	_ =	sdelay $0x1  }
0x99: {  	s20 =	simm.s32 $_scs_section_size  }
0x9a: {  	s4 =	simm.s32 $_size__tile_overlayer_lowered;
	s5 =	simm.s32 $_tile_overlayer_lowered  }
0x9b: {  	s6 =	simm.s32 $0x1BFF;
	s21 =	sshll.u32 s5, $0x1;
	s3 =	sadd.s32 s20, s19  }
0x9c: {  	s22 =	simm.s32 $0x0;
	s4 =	sshll.u32 s4, $0x1;
	s5 =	sadd.s32 s21, s3  }
0x9d: {  	[timem:s22], [sflag:s6] =	dma.local [hbm:s5], s4  }
0x9e: {  	_ =	swait.ge [sflag:s6], s4  }
0x9f: {  	s4 =	ssub.s32 $0x0, s4;
	[sflag:s6] =	ssyncset.done $0x0  }
0xa0: {  	[sflag:s6] =	ssyncadd.s32 s4;
	_ =	sdelay $0x1  }
0xa1: {  	s23 =	simm.s32 $0x1B8B  }
0xa2: {  	_ =	swait.ge [sflag:s23], $0x1  }
0xa3: {  	[sflag:s23] =	ssyncset.done $0x0  }
0xa4: {  	[sflag:s23] =	ssyncadd.s32 $0xFFFFFFFF  }
0xa5: {  	s4 =	sld [smem:$0x0]  }
0xa6: {  	s5 =	sand.u32 $0xFFFFFFFE, s1  }
0xa7: {  	p0 =	sne.s32 s1, s5  }
0xa8: {  	s5 =	sshll.u32 @p0 s5, $0xE  }
0xa9: {  	s5 =	sadd.s32 @p0 $0x11B8D, s5;
	s6 =	sshll.u32 @p0 s4, $0x11  }
0xaa: {  	s5 =	sor.u32 @p0 s6, s5  }
0xab: {  	[sflag:s5] =	ssyncadd.remote.s32 @p0 $0x1;
	_ =	sdelay $0x1  }
0xac: {  	s5 =	simm.s32 @p0 $0x1B8D  }
0xad: {  	_ =	swait.eq @p0 [sflag:s5], $0x1  }
0xae: {  	[sflag:s5] =	ssyncadd.s32 @p0 $0xFFFFFFFF  }
0xaf: {  	s6 =	sshll.u32 @!p0 s1, $0xE  }
0xb0: {  	s6 =	sor.u32 @!p0 $0x4000, s6;
	s5 =	simm.s32 @!p0 $0x1B8D  }
0xb1: {  	s4 =	sshll.u32 @!p0 s4, $0x11;
	s6 =	sadd.s32 @!p0 $0x11B8D, s6;
	_ =	swait.eq @!p0 [sflag:s5], $0x1  }
0xb2: {  	s4 =	sor.u32 @!p0 s4, s6;
	[sflag:s5] =	ssyncadd.s32 @!p0 $0xFFFFFFFF  }
0xb3: {  	s25 =	simm.s32 $0x1B8E;
	s24 =	sld [smem:$0x3FFE];
	[sflag:s4] =	ssyncadd.remote.s32 @!p0 $0x1  }
0xb4: {  	s26 =	simm.s32 $execute0_lowered;
	[smem:$0x3FD2] =	sst s25  }
0xb5: {  	s5 =	sshll.u32 s26, $0x1;
	_ =	strace $0x8000004C;
	[dreg:$0x1] =	wrdreg $0xFFFFFFFF  }
0xb6: {  	s28 =	simm.s32 $_size_execute0_lowered;
	s3 =	sadd.s32 s3, s5;
	[dreg:$0x0] =	wrdreg $0x0  }
0xb7: {  	s5 =	sshll.u32 s28, $0x1;
	[dreg:$0x2] =	wrdreg s3  }
0xb8: {  	[dreg:$0x3] =	wrdreg s5  }
0xb9: {  	[dreg:$0x4] =	wrdreg $0xC0  }
0xba: {  	_ =	task [dreg:s22], $0x5FFFF  }
0xbb: {  	[dreg:$0x1] =	wrdreg $0xFFFFFFFF  }
0xbc: {  	[dreg:$0x0] =	wrdreg $0x60  }
0xbd: {  	[dreg:$0x2] =	wrdreg s24  }
0xbe: {  	[dreg:$0x3] =	wrdreg $0xA  }
0xbf: {  	_ =	task.clear_ibuf [dreg:s22], $0x4FFFF;
	_ =	strace $0x9000004C  }
0xc0: {  	s29 =	simm.s32 $0xA;
	_ =	strace $0x8000004E  }
0xc1: {  	_ =	swait.ge [sflag:s29], $0x1  }
0xc2: {  	[sflag:s29] =	ssyncadd.s32 $0xFFFFFFFF  }
0xc3: {  	_ =	strace $0x9000004E  }
0xc4: {  	_ =	sfence  }
0xc5: {  	s30 =	sld [smem:$0x0];
	_ =	sdelay $0x2  }
0xc6: {  	s31 =	sshll.u32 s1, $0xD;
	s1 =	sshrl.u32 s1, $0x2  }
0xc7: {  	s4 =	sand.u32 $0x4000, s31;
	s1 =	sadd.s32 s1, s30  }
0xc8: {  	s0 =	sor.u32 s4, s0;
	s1 =	sshll.u32 s1, $0x11  }
0xc9: {  	s0 =	sor.u32 s1, s0  }
0xca: {  	s0 =	sadd.s32 $0x8F2B, s0  }
0xcb: {  	[sflag:s0] =	ssyncadd.remote.s32 $0x1  }
0xcc: {  	_ =	sfence.sel $0xFFFF  }
0xcd: {  	[dreg:$0x0] =	wrdreg $0xFFFFFFFF;
	(pc) =	sbr.abs _section_cstart, $3  }
0xce: {  	[dreg:$0x1] =	wrdreg $0xFFFFFFFF  }
0xcf: {  	_ =	task.clear_ibuf [dreg:s22], $0x2FFFF;
	_ =	strace $0x9FFFFFFF  }
0xd0: {  	(tm) =	ssettm $0x7FFFFFFF  }
0xd1: {  	_ =	shalt  }
tec
execute0_lowered:
.L_overlay_start_1:
0x0: {  	(tag) =	ssettag $0x1  }
0x1: {  	s1 =	srdreg.scid;
	s0 =	stileid.u32  }
0x2: {  	s4 =	rddreg [dreg:$0x0];
	s2 =	simm.s32 $0x0;
	s14 =	simm.s32 $0x2  }
0x3: {  	s15 =	simm.s32 $0x4100;
	s16 =	simm.s32 $0x0;
	s8 =	smul.u32 $0x50, s0  }
0x4: {  	s6 =	sand.u32 $0x1, s1;
	s1 =	rddreg [dreg:$0x1];
	s30 =	smul.u32 $0x28000, s0  }
0x5: {  	s3 =	sshll.u32 s0, $0x1;
	[smem:$0x7FF] =	sst s2;
	s11 =	smul.u32 $0x28, s6  }
0x6: {  	s9 =	sadd.s32 $0xA200, s4;
	s5 =	sor.u32 s6, s3;
	s31 =	smul.u32 $0x14000, s6  }
0x7: {  	_ =	strace $0x8000004D;
	s10 =	ssub.s32 $0x2, s6;
	s7 =	smul.u32 $0x28, s5  }
0x8: {  	s3 =	sadd.s32 $0x73C00, s4;
	s12 =	sshrl.u32 s10, $0x1;
	s13 =	smul.u32 $0x280, s5  }
.Ltmp0:
0x9: {  	s4 =	sadd.s32 $0x30BE00, s4;
	s10 =	ssub.s32 s10, s12;
	(pc) =	sbr.rel .LBB2_1-.Ltmp0, $4  }
0xa: {  	s8 =	sadd.s32 s11, s8;
	s11 =	simm.s32 $0x3;
	s12 =	simm.s32 $0x80  }
0xb: {  	s5 =	ssub.s32 $0x4E2, s7;
	s8 =	sshll.u32 s8, $0x4;
	s7 =	sadd.s32 s9, s13  }
0xc: {  	s13 =	simm.s32 $0x100;
	s6 =	smin.u32 s5, $0x28;
	s9 =	sadd.s32 s8, s9  }
0xd: {  	s8 =	smax.u32 s10, $0x1;
	s10 =	sadd.s32 s31, s30;
	s9 =	sadd.s32 $0x10, s9  }
.LBB2_5:
0xe: {  	s16 =	sadd.s32 $0x1, s16  }
0xf: {  	p0 =	sne.s32 s16, s8  }
.Ltmp1:
0x10: {  	_ = 	snop;
	(pc) =	sbr.rel @!p0 .LBB2_6-.Ltmp1, $1  }
0x11: {  	_ =	sdelay $0x3  }
.LBB2_1:
0x12: {  	[tilespmem:s2], [sflag:$0x3] =	stream.linear.gather [hbm4b:s7+s2], $0x80, $0x38;
	[tilespmem:$0x8100] =	vst v63  }
.Ltmp2:
0x13: {  	_ = 	snop;
	(pc) =	sbr.rel .LBB2_2-.Ltmp2, $4  }
0x14: {  	_ =	swait.ge [sflag:s11], $0x80  }
0x15: {  	s17 =	smov.u32 s10;
	[sflag:s11] =	ssyncset.done $0x0  }
0x16: {  	s18 =	smov.u32 s9;
	s19 =	simm.s32 $0x0;
	[sflag:s11] =	ssyncadd.s32 $0xFFFFFF80  }
0x17: {  	[tilespmem:s13], [sflag:$0x1] =	stream.indirect.gather [hbm4b:s3+s12], $0x80, s2, s12, $0xb8;
	[tilespmem:$0x8100] =	vst v63  }
.LBB2_4:
0x18: {  	s19 =	sadd.s32 $0x1, s19  }
0x19: {  	p0 =	sne.s32 s19, $0x28  }
.Ltmp3:
0x1a: {  	_ = 	snop;
	(pc) =	sbr.rel @!p0 .LBB2_5-.Ltmp3, $2  }
0x1b: {  	_ =	sdelay $0x2  }
0x1c: {  	s18 =	sadd.s32 $0x10, s18;
	s17 =	sadd.s32 $0x800, s17  }
.LBB2_2:
0x1d: {  	p0 =	sle.u32 s5, s19  }
0x1e: {  	s20 =	sand.u32 @!p0 $0x1, s19  }
0x1f: {  	p2 =	seq.s32 @!p0 s20, $0x1  }
0x20: {  	p1 =	por p2, p0  }
0x21: {  	s21 =	sadd.s32 @!p1 $0x1, s19  }
0x22: {  	p3 =	sge.u32 @!p1 s21, s6  }
0x23: {  	p3 =	por @!p0 p3, p2  }
0x24: {  	p3 =	por p3, p0  }
0x25: {  	s21 =	simm.s32 @!p3 $0x0;
	s22 =	simm.s32 @!p3 $0x80  }
0x26: {  	[tilespmem:s22], [sflag:$0x4] =	stream.linear.gather @!p3 [hbm4b:s18+s21], $0x80, $0x38;
	[tilespmem:$0x8100] =	vst v63  }
0x27: {  	s21 =	simm.s32 @!p3 $0x4  }
0x28: {  	_ =	swait.ge @!p3 [sflag:s21], $0x80  }
0x29: {  	[sflag:s21] =	ssyncset.done @!p3 $0x0  }
0x2a: {  	[sflag:s21] =	ssyncadd.s32 @!p3 $0xFFFFFF80;
	s21 =	simm.s32 @!p3 $0x4100  }
0x2b: {  	[tilespmem:s21], [sflag:$0x2] =	stream.indirect.gather @!p3 [hbm4b:s3+s22], $0x80, s22, s22, $0xb8;
	[tilespmem:$0x8100] =	vst v63  }
0x2c: {  	s21 =	simm.s32 @!p1 $0x1  }
0x2d: {  	_ =	swait.ge @!p1 [sflag:s21], $0x4000  }
0x2e: {  	s23 =	simm.s32 @!p1 $0x100;
	p3 =	seq.s32 @!p1 s20, $0x0;
	[sflag:s21] =	ssyncset.done @!p1 $0x0  }
0x2f: {  	p2 =	por @!p0 p2, !p3;
	[sflag:s21] =	ssyncadd.s32 @!p1 $0xFFFFC000;
	s21 =	sand.u32 @!p1 $0x1FFFF000, s17  }
0x30: {  	s22 =	simm.s32 @!p1 $0x0;
	p0 =	por p0, !p2;
	s21 =	sadd.s32 @!p1 s4, s21  }
0x31: {  	[hbm4b:s21+s22] =	stream.linear.scatter @!p1 [tilespmem:s23], [sflag:$0x4], $0x4000, $0x38;
	[tilespmem:$0x8100] =	vst v63  }
.Ltmp4:
0x32: {  	_ = 	snop;
	(pc) =	sbr.rel @p0 .LBB2_4-.Ltmp4, $4  }
0x33: {  	s21 =	simm.s32 @!p1 $0x4  }
0x34: {  	_ =	swait.ge @!p1 [sflag:s21], $0x4000  }
0x35: {  	[sflag:s21] =	ssyncset.done @!p1 $0x0  }
0x36: {  	[sflag:s21] =	ssyncadd.s32 @!p1 $0xFFFFC000  }
0x37: {  	s20 =	sadd.s32 $0x1, s19  }
0x38: {  	p0 =	sge.u32 s20, s6  }
0x39: {  	s20 =	simm.s32 @!p0 $0x0;
	s21 =	simm.s32 @!p0 $0x4  }
0x3a: {  	[tilespmem:s20], [sflag:$0x4] =	stream.linear.gather @!p0 [hbm4b:s18+s20], $0x80, $0x38;
	[tilespmem:$0x8100] =	vst v63  }
0x3b: {  	_ =	swait.ge @!p0 [sflag:s21], $0x80  }
0x3c: {  	[sflag:s21] =	ssyncset.done @!p0 $0x0  }
0x3d: {  	s22 =	simm.s32 @!p0 $0x100;
	[sflag:s21] =	ssyncadd.s32 @!p0 $0xFFFFFF80;
	s21 =	simm.s32 @!p0 $0x80  }
0x3e: {  	[tilespmem:s22], [sflag:$0x1] =	stream.indirect.gather @!p0 [hbm4b:s3+s21], $0x80, s20, s21, $0xb8;
	[tilespmem:$0x8100] =	vst v63  }
0x3f: {  	_ =	swait.ge [sflag:s14], $0x4000  }
0x40: {  	[sflag:s14] =	ssyncset.done $0x0  }
.Ltmp5:
0x41: {  	s31 =	sadd.s32 s17, s4;
	[sflag:s14] =	ssyncadd.s32 $0xFFFFC000;
	(pc) =	sbr.rel .LBB2_4-.Ltmp5, $4  }
0x42: {  	[hbm4b:s31+s2] =	stream.linear.scatter [tilespmem:s15], [sflag:$0x3], $0x4000, $0x38;
	[tilespmem:$0x8100] =	vst v63  }
0x43: {  	_ =	swait.ge [sflag:s11], $0x4000  }
0x44: {  	[sflag:s11] =	ssyncset.done $0x0  }
0x45: {  	[sflag:s11] =	ssyncadd.s32 $0xFFFFC000  }
.LBB2_6:
0x46: {  	_ =	sfence.sel $0x180000  }
0x47: {  	[bflag:$0x0] =	sbarrier.arrive $0xFFFF  }
0x48: {  	p0 =	sne.s32 s0, $0x0;
	_ =	strace $0x9000004D  }
0x49: {  	s0 =	sadd.s32 @!p0 $0x100000, s1;
	[bflag:$0x2] =	sbarrier.arrive $0xFFFF  }
0x4a: {  	[sflag:s0] =	ssyncadd.tile.s32 @!p0 $0x1;
	_ =	shalt  }
.Lfunc_end2:
_tile_overlayer_lowered:
.L_overlay_start_2:
0x4b: {  	(tag) =	ssettag $0x2  }
0x4c: {  	s0 =	rddreg [dreg:$0x0];
	s2 =	stileid.u32  }
0x4d: {  	s1 =	rddreg [dreg:$0x1];
	p0 =	sne.s32 s2, $0x0  }
0x4e: {  	s3 =	rddreg [dreg:$0x2];
	[bflag:$0x3] =	sbarrier.arrive $0xFFFF;
	s2 =	simm.s32 @!p0 $0x1C03  }
0x4f: {  	[timem:s3], [sflag:s2] =	dma.local @!p0 [hbm:s0], s1  }
0x50: {  	s0 =	simm.s32 @!p0 $0x3  }
0x51: {  	_ =	swait.ge @!p0 [sflag:s0], s1  }
0x52: {  	s1 =	ssub.s32 @!p0 $0x0, s1;
	[sflag:s0] =	ssyncset.done @!p0 $0x0  }
0x53: {  	[sflag:s0] =	ssyncadd.s32 @!p0 s1  }
0x54: {  	[bflag:$0x3] =	sbarrier.arrive $0xFFFF  }
0x55: {  	_ =	shalt  }

// kernel: kernel.26.cloned.1.call-start
scs
__scs_entry_jumppad:
0x0: {  	(pc) =	sbr.rel $0x88, $3  }
0x1: {  	(tag) =	ssettag $0x0;
	lr =	simm.s32 $0x1  }
0x2: {  	[smem:$0x3F86] =	sst lr;
	_ =	strace $0xD0000000  }
0x3: {  	_ = 	snop  }
0x4: {  	_ = 	snop  }
0x5: {  	_ = 	snop  }
0x6: {  	_ = 	snop  }
0x7: {  	_ = 	snop  }
__scs_overlays_trampoline_lowered:
0x8: {  	[smem:$0x3F95] =	sst s0  }
0x9: {  	[smem:$0x3F96] =	sst s1  }
0xa: {  	[smem:$0x3F97] =	sst s2  }
0xb: {  	[smem:$0x3F98] =	sst s3  }
0xc: {  	[smem:$0x3F99] =	sst s4  }
0xd: {  	[smem:$0x3F9A] =	sst s5  }
0xe: {  	[smem:$0x3F9B] =	sst s6  }
0xf: {  	[smem:$0x3F9C] =	sst s7  }
0x10: {  	[smem:$0x3F9D] =	sst s8  }
0x11: {  	[smem:$0x3F9E] =	sst s9;
	s0 =	simm.s32 @!p0 $0x0  }
0x12: {  	s1 =	sld [smem:$0x3F84];
	s0 =	simm.s32 @p0 $0x1  }
0x13: {  	[smem:$0x3F9F] =	sst s0;
	s0 =	simm.s32 @!p1 $0x0  }
0x14: {  	s2 =	sld [smem:$0x3F83];
	s0 =	simm.s32 @p1 $0x1  }
0x15: {  	[smem:$0x3FA0] =	sst s0;
	s0 =	simm.s32 @!p2 $0x0  }
0x16: {  	s3 =	sld [smem:$0x3FDB];
	s0 =	simm.s32 @p2 $0x1  }
0x17: {  	s4 =	simm.s32 $0x1BF5;
	[smem:$0x3FA2] =	sst s0  }
0x18: {  	s0 =	sld [smem:$0x3F85];
	_ =	swait.ge [sflag:s4], $0x0  }
0x19: {  	s7 =	sld [smem:$0x3F86]  }
0x1a: {  	s8 =	sadd.s32 $0xFFFFE003, lr  }
0x1b: {  	s9 =	sadd.s32 $0xFFFFFEF7, lr;
	s5 =	simm.s32 $0xFFFFFFFF;
	p2 =	slt.u32 s8, $0xFFFFF086  }
0x1c: {  	p1 =	slt.u32 s9, $0xF7A;
	s5 =	simm.s32 @!p2 $0x0  }
0x1d: {  	s5 =	simm.s32 @p1 $0x1;
	p0 =	seq.s32 s7, s2  }
0x1e: {  	s7 =	smul.u32 @!p0 $0xF7A, s2;
	p2 =	seq.s32 @!p0 s5, $0x0  }
0x1f: {  	s9 =	smul.u32 $0xF7A, s1;
	s8 =	simm.s32 @!p0 $0x1BF5;
	p2 =	por !p2, p0  }
0x20: {  	[sflag:s8] =	ssyncset.s32 @!p0 $0xFFFFF086;
	s6 =	sadd.s32 @!p0 s3, s7;
	s7 =	simm.s32 @!p0 $0x108  }
0x21: {  	s3 =	sadd.s32 s3, s9;
	s6 =	sadd.s32 @!p0 $0x88, s6;
	s7 =	simm.s32 @p2 $0x1082  }
0x22: {  	[simem:s7], [sflag:s8] =	dma.local @!p0 [hbm:s6], $0xF7A  }
0x23: {  	s9 =	sor.u32 $0xD0000000, s2;
	s6 =	simm.s32 $0x108;
	_ =	swait.ge @!p0 [sflag:s8], $0x0  }
0x24: {  	s3 =	sadd.s32 $0x88, s3;
	s6 =	simm.s32 @!p1 $0x1082;
	[sflag:s4] =	ssyncset.s32 $0xFFFFF086  }
0x25: {  	[simem:s6], [sflag:s4] =	dma.local [hbm:s3], $0xF7A  }
0x26: {  	[smem:$0x3F86] =	sst s1;
	(tag) =	ssettag s2;
	_ =	strace s9  }
0x27: {  	s1 =	sld [smem:$0x3F96]  }
0x28: {  	s2 =	sld [smem:$0x3F97]  }
0x29: {  	s4 =	sld [smem:$0x3F99]  }
0x2a: {  	p0 =	seq.s32 s5, $0x0;
	s5 =	sld [smem:$0x3F9A]  }
0x2b: {  	s6 =	sld [smem:$0x3F9B]  }
0x2c: {  	s7 =	sld [smem:$0x3F9C]  }
0x2d: {  	s3 =	simm.s32 $0x108;
	s8 =	sld [smem:$0x3F9D]  }
0x2e: {  	s3 =	simm.s32 @!p0 $0x1082;
	s9 =	sld [smem:$0x3F9E]  }
0x2f: {  	lr =	sadd.s32 s0, s3;
	s0 =	sld [smem:$0x3F95]  }
0x30: {  	s3 =	sld [smem:$0x3F98]  }
0x31: {  	[smem:$0x3FA1] =	sst s10  }
0x32: {  	s10 =	sld [smem:$0x3F9F];
	_ =	sdelay $0x3  }
0x33: {  	p0 =	seq.s32 s10, $0x1;
	s10 =	sld [smem:$0x3FA1];
	_ =	sdelay $0x3  }
0x34: {  	[smem:$0x3FA1] =	sst s10  }
0x35: {  	s10 =	sld [smem:$0x3FA0];
	_ =	sdelay $0x3  }
0x36: {  	p1 =	seq.s32 s10, $0x1;
	s10 =	sld [smem:$0x3FA1];
	_ =	sdelay $0x3  }
0x37: {  	[smem:$0x3FA1] =	sst s10  }
0x38: {  	s10 =	sld [smem:$0x3FA2]  }
0x39: {  	_ = 	snop;
	(pc) =	sbr.ind lr, $3  }
0x3a: {  	_ = 	snop  }
0x3b: {  	_ = 	snop  }
0x3c: {  	p2 =	seq.s32 s10, $0x1;
	s10 =	sld [smem:$0x3FA1]  }
0x3d: {  	_ =	shalt  }
0x3e: {  	_ =	shalt  }
0x3f: {  	_ =	shalt  }
0x40: {  	_ =	shalt  }
0x41: {  	_ =	shalt  }
0x42: {  	_ =	shalt  }
0x43: {  	_ =	shalt  }
0x44: {  	_ =	shalt  }
0x45: {  	_ =	shalt  }
0x46: {  	_ =	shalt  }
0x47: {  	_ =	shalt  }
0x48: {  	_ =	shalt  }
0x49: {  	_ =	shalt  }
0x4a: {  	_ =	shalt  }
0x4b: {  	_ =	shalt  }
0x4c: {  	_ =	shalt  }
0x4d: {  	_ =	shalt  }
0x4e: {  	_ =	shalt  }
0x4f: {  	_ =	shalt  }
0x50: {  	_ =	shalt  }
0x51: {  	_ =	shalt  }
0x52: {  	_ =	shalt  }
0x53: {  	_ =	shalt  }
0x54: {  	_ =	shalt  }
0x55: {  	_ =	shalt  }
0x56: {  	_ =	shalt  }
0x57: {  	_ =	shalt  }
0x58: {  	_ =	shalt  }
0x59: {  	_ =	shalt  }
0x5a: {  	_ =	shalt  }
0x5b: {  	_ =	shalt  }
0x5c: {  	_ =	shalt  }
0x5d: {  	_ =	shalt  }
0x5e: {  	_ =	shalt  }
0x5f: {  	_ =	shalt  }
0x60: {  	_ =	shalt  }
0x61: {  	_ =	shalt  }
0x62: {  	_ =	shalt  }
0x63: {  	_ =	shalt  }
0x64: {  	_ =	shalt  }
0x65: {  	_ =	shalt  }
0x66: {  	_ =	shalt  }
0x67: {  	_ =	shalt  }
0x68: {  	_ =	shalt  }
0x69: {  	_ =	shalt  }
0x6a: {  	_ =	shalt  }
0x6b: {  	_ =	shalt  }
0x6c: {  	_ =	shalt  }
0x6d: {  	_ =	shalt  }
0x6e: {  	_ =	shalt  }
0x6f: {  	_ =	shalt  }
0x70: {  	_ =	shalt  }
0x71: {  	_ =	shalt  }
0x72: {  	_ =	shalt  }
0x73: {  	_ =	shalt  }
0x74: {  	_ =	shalt  }
0x75: {  	_ =	shalt  }
0x76: {  	_ =	shalt  }
0x77: {  	_ =	shalt  }
0x78: {  	_ =	shalt  }
0x79: {  	_ =	shalt  }
0x7a: {  	_ =	shalt  }
0x7b: {  	_ =	shalt  }
0x7c: {  	_ =	shalt  }
0x7d: {  	_ =	shalt  }
0x7e: {  	_ =	shalt  }
0x7f: {  	_ =	shalt  }
0x80: {  	_ =	shalt  }
0x81: {  	_ =	shalt  }
0x82: {  	_ =	shalt  }
0x83: {  	_ =	shalt  }
0x84: {  	_ =	shalt  }
0x85: {  	_ =	shalt  }
0x86: {  	_ =	shalt  }
0x87: {  	_ =	shalt  }
.Lfunc_end0:
.L_simem_size_0:
called_computation.3_lowered:
.L_overlay_start_0:
0x88: {  	s2 =	sld [smem:$0x3FD9]  }
0x89: {  	s3 =	sld [smem:$0x3FFE];
	_ =	sdelay $0x1  }
0x8a: {  	s1 =	srdreg.scid  }
0x8b: {  	s0 =	sand.u32 $0x1, s1  }
0x8c: {  	s16 =	sshll.u32 s0, $0xA;
	s2 =	sadd.s32 s3, s2  }
0x8d: {  	s2 =	sadd.s32 s2, s16  }
0x8e: {  	[smem:$0x3FAD] =	sst s2  }
0x8f: {  	_ = 	snop  }
0x90: {  	(tm) =	ssettm $0x1  }
0x91: {  	s17 =	sld [smem:$0x3FFB];
	_ =	sdelay $0x3  }
0x92: {  	_ =	strace s17  }
0x93: {  	s2 =	sld [smem:$0x3FFC];
	_ =	sdelay $0x3  }
0x94: {  	_ =	strace s2  }
0x95: {  	s2 =	sld [smem:$0x3FFD];
	_ =	sdelay $0x3  }
0x96: {  	_ =	strace s2  }
0x97: {  	_ =	strace $0x8FFFFFFF  }
0x98: {  	s18 =	sld [smem:$0x3FDB];
	_ =	sdelay $0x1  }
0x99: {  	s19 =	simm.s32 $_scs_section_size  }
0x9a: {  	s4 =	simm.s32 $_size__tile_overlayer_lowered;
	s5 =	simm.s32 $_tile_overlayer_lowered  }
0x9b: {  	s22 =	simm.s32 $0x1BFF;
	s21 =	sshll.u32 s5, $0x1;
	s2 =	sadd.s32 s19, s18  }
0x9c: {  	s6 =	simm.s32 $0x0;
	s20 =	sshll.u32 s4, $0x1;
	s4 =	sadd.s32 s21, s2  }
0x9d: {  	[timem:s6], [sflag:s22] =	dma.local [hbm:s4], s20  }
0x9e: {  	_ =	swait.ge [sflag:s22], s20  }
0x9f: {  	s3 =	ssub.s32 $0x0, s20;
	[sflag:s22] =	ssyncset.done $0x0  }
0xa0: {  	[sflag:s22] =	ssyncadd.s32 s3;
	_ =	sdelay $0x1  }
0xa1: {  	s23 =	simm.s32 $0x1B8B  }
0xa2: {  	_ =	swait.ge [sflag:s23], $0x1  }
0xa3: {  	[sflag:s23] =	ssyncset.done $0x0  }
0xa4: {  	s25 =	simm.s32 $0x1B8E;
	s24 =	sld [smem:$0x3FFE];
	[sflag:s23] =	ssyncadd.s32 $0xFFFFFFFF  }
0xa5: {  	s26 =	simm.s32 $execute0_lowered;
	[smem:$0x3FD2] =	sst s25  }
0xa6: {  	s4 =	sshll.u32 s26, $0x1;
	_ =	strace $0x8000004F;
	[dreg:$0x1] =	wrdreg $0xFFFFFFFF  }
0xa7: {  	s28 =	simm.s32 $_size_execute0_lowered;
	s2 =	sadd.s32 s2, s4;
	[dreg:$0x0] =	wrdreg $0x0  }
0xa8: {  	s4 =	sshll.u32 s28, $0x1;
	[dreg:$0x2] =	wrdreg s2  }
0xa9: {  	[dreg:$0x3] =	wrdreg s4  }
0xaa: {  	[dreg:$0x4] =	wrdreg $0xC0  }
0xab: {  	_ =	task [dreg:s6], $0x5FFFF  }
0xac: {  	[dreg:$0x1] =	wrdreg $0xFFFFFFFF  }
0xad: {  	[dreg:$0x0] =	wrdreg $0x60  }
0xae: {  	[dreg:$0x2] =	wrdreg s24  }
0xaf: {  	[dreg:$0x3] =	wrdreg $0x9  }
0xb0: {  	_ =	task.clear_ibuf [dreg:s6], $0x4FFFF;
	_ =	strace $0x9000004F  }
0xb1: {  	s29 =	simm.s32 $0x9;
	_ =	strace $0x80000051  }
0xb2: {  	_ =	swait.ge [sflag:s29], $0x1  }
0xb3: {  	[sflag:s29] =	ssyncadd.s32 $0xFFFFFFFF  }
0xb4: {  	_ =	strace $0x90000051  }
0xb5: {  	_ =	sfence  }
0xb6: {  	s30 =	sld [smem:$0x0];
	_ =	sdelay $0x2  }
0xb7: {  	s31 =	sshll.u32 s1, $0xD;
	s1 =	sshrl.u32 s1, $0x2  }
0xb8: {  	s3 =	sand.u32 $0x4000, s31;
	s1 =	sadd.s32 s1, s30  }
0xb9: {  	s0 =	sor.u32 s3, s0;
	s1 =	sshll.u32 s1, $0x11  }
0xba: {  	s0 =	sor.u32 s1, s0  }
0xbb: {  	s0 =	sadd.s32 $0x8F2B, s0  }
0xbc: {  	[sflag:s0] =	ssyncadd.remote.s32 $0x1  }
0xbd: {  	_ =	sfence.sel $0xFFFF  }
0xbe: {  	[dreg:$0x0] =	wrdreg $0xFFFFFFFF;
	(pc) =	sbr.abs _section_cstart, $3  }
0xbf: {  	[dreg:$0x1] =	wrdreg $0xFFFFFFFF  }
0xc0: {  	_ =	task.clear_ibuf [dreg:s6], $0x2FFFF;
	_ =	strace $0x9FFFFFFF  }
0xc1: {  	(tm) =	ssettm $0x7FFFFFFF  }
tec
execute0_lowered:
.L_overlay_start_1:
0x0: {  	(tag) =	ssettag $0x1  }
0x1: {  	s1 =	srdreg.scid;
	s0 =	stileid.u32  }
0x2: {  	s4 =	rddreg [dreg:$0x0];
	s2 =	simm.s32 $0x0;
	s14 =	simm.s32 $0x2  }
0x3: {  	s15 =	simm.s32 $0x4100;
	s16 =	simm.s32 $0x0;
	s8 =	smul.u32 $0x50, s0  }
0x4: {  	s6 =	sand.u32 $0x1, s1;
	s1 =	rddreg [dreg:$0x1];
	s30 =	smul.u32 $0x28000, s0  }
0x5: {  	s3 =	sshll.u32 s0, $0x1;
	[smem:$0x7FF] =	sst s2;
	s11 =	smul.u32 $0x28, s6  }
0x6: {  	s9 =	sadd.s32 $0x31E00, s4;
	s5 =	sor.u32 s6, s3;
	s31 =	smul.u32 $0x14000, s6  }
0x7: {  	_ =	strace $0x80000050;
	s10 =	ssub.s32 $0x2, s6;
	s7 =	smul.u32 $0x28, s5  }
0x8: {  	s3 =	sadd.s32 $0x185000, s4;
	s12 =	sshrl.u32 s10, $0x1;
	s13 =	smul.u32 $0x280, s5  }
.Ltmp0:
0x9: {  	s4 =	sadd.s32 $0x1AC200, s4;
	s10 =	ssub.s32 s10, s12;
	(pc) =	sbr.rel .LBB2_1-.Ltmp0, $4  }
0xa: {  	s8 =	sadd.s32 s11, s8;
	s11 =	simm.s32 $0x3;
	s12 =	simm.s32 $0x80  }
0xb: {  	s5 =	ssub.s32 $0x4E2, s7;
	s8 =	sshll.u32 s8, $0x4;
	s7 =	sadd.s32 s9, s13  }
0xc: {  	s13 =	simm.s32 $0x100;
	s6 =	smin.u32 s5, $0x28;
	s9 =	sadd.s32 s8, s9  }
0xd: {  	s8 =	smax.u32 s10, $0x1;
	s10 =	sadd.s32 s31, s30;
	s9 =	sadd.s32 $0x10, s9  }
.LBB2_5:
0xe: {  	s16 =	sadd.s32 $0x1, s16  }
0xf: {  	p0 =	sne.s32 s16, s8  }
.Ltmp1:
0x10: {  	_ = 	snop;
	(pc) =	sbr.rel @!p0 .LBB2_6-.Ltmp1, $1  }
0x11: {  	_ =	sdelay $0x3  }
.LBB2_1:
0x12: {  	[tilespmem:s2], [sflag:$0x3] =	stream.linear.gather [hbm4b:s7+s2], $0x80, $0x38;
	[tilespmem:$0x8100] =	vst v63  }
.Ltmp2:
0x13: {  	_ = 	snop;
	(pc) =	sbr.rel .LBB2_2-.Ltmp2, $4  }
0x14: {  	_ =	swait.ge [sflag:s11], $0x80  }
0x15: {  	s17 =	smov.u32 s10;
	[sflag:s11] =	ssyncset.done $0x0  }
0x16: {  	s18 =	smov.u32 s9;
	s19 =	simm.s32 $0x0;
	[sflag:s11] =	ssyncadd.s32 $0xFFFFFF80  }
0x17: {  	[tilespmem:s13], [sflag:$0x1] =	stream.indirect.gather [hbm4b:s3+s12], $0x80, s2, s12, $0xb8;
	[tilespmem:$0x8100] =	vst v63  }
.LBB2_4:
0x18: {  	s19 =	sadd.s32 $0x1, s19  }
0x19: {  	p0 =	sne.s32 s19, $0x28  }
.Ltmp3:
0x1a: {  	_ = 	snop;
	(pc) =	sbr.rel @!p0 .LBB2_5-.Ltmp3, $2  }
0x1b: {  	_ =	sdelay $0x2  }
0x1c: {  	s18 =	sadd.s32 $0x10, s18;
	s17 =	sadd.s32 $0x800, s17  }
.LBB2_2:
0x1d: {  	p0 =	sle.u32 s5, s19  }
0x1e: {  	s20 =	sand.u32 @!p0 $0x1, s19  }
0x1f: {  	p2 =	seq.s32 @!p0 s20, $0x1  }
0x20: {  	p1 =	por p2, p0  }
0x21: {  	s21 =	sadd.s32 @!p1 $0x1, s19  }
0x22: {  	p3 =	sge.u32 @!p1 s21, s6  }
0x23: {  	p3 =	por @!p0 p3, p2  }
0x24: {  	p3 =	por p3, p0  }
0x25: {  	s21 =	simm.s32 @!p3 $0x0;
	s22 =	simm.s32 @!p3 $0x80  }
0x26: {  	[tilespmem:s22], [sflag:$0x4] =	stream.linear.gather @!p3 [hbm4b:s18+s21], $0x80, $0x38;
	[tilespmem:$0x8100] =	vst v63  }
0x27: {  	s21 =	simm.s32 @!p3 $0x4  }
0x28: {  	_ =	swait.ge @!p3 [sflag:s21], $0x80  }
0x29: {  	[sflag:s21] =	ssyncset.done @!p3 $0x0  }
0x2a: {  	[sflag:s21] =	ssyncadd.s32 @!p3 $0xFFFFFF80;
	s21 =	simm.s32 @!p3 $0x4100  }
0x2b: {  	[tilespmem:s21], [sflag:$0x2] =	stream.indirect.gather @!p3 [hbm4b:s3+s22], $0x80, s22, s22, $0xb8;
	[tilespmem:$0x8100] =	vst v63  }
0x2c: {  	s21 =	simm.s32 @!p1 $0x1  }
0x2d: {  	_ =	swait.ge @!p1 [sflag:s21], $0x4000  }
0x2e: {  	s23 =	simm.s32 @!p1 $0x100;
	p3 =	seq.s32 @!p1 s20, $0x0;
	[sflag:s21] =	ssyncset.done @!p1 $0x0  }
0x2f: {  	p2 =	por @!p0 p2, !p3;
	[sflag:s21] =	ssyncadd.s32 @!p1 $0xFFFFC000;
	s21 =	sand.u32 @!p1 $0x1FFFF000, s17  }
0x30: {  	s22 =	simm.s32 @!p1 $0x0;
	p0 =	por p0, !p2;
	s21 =	sadd.s32 @!p1 s4, s21  }
0x31: {  	[hbm4b:s21+s22] =	stream.linear.scatter @!p1 [tilespmem:s23], [sflag:$0x4], $0x4000, $0x38;
	[tilespmem:$0x8100] =	vst v63  }
.Ltmp4:
0x32: {  	_ = 	snop;
	(pc) =	sbr.rel @p0 .LBB2_4-.Ltmp4, $4  }
0x33: {  	s21 =	simm.s32 @!p1 $0x4  }
0x34: {  	_ =	swait.ge @!p1 [sflag:s21], $0x4000  }
0x35: {  	[sflag:s21] =	ssyncset.done @!p1 $0x0  }
0x36: {  	[sflag:s21] =	ssyncadd.s32 @!p1 $0xFFFFC000  }
0x37: {  	s20 =	sadd.s32 $0x1, s19  }
0x38: {  	p0 =	sge.u32 s20, s6  }
0x39: {  	s20 =	simm.s32 @!p0 $0x0;
	s21 =	simm.s32 @!p0 $0x4  }
0x3a: {  	[tilespmem:s20], [sflag:$0x4] =	stream.linear.gather @!p0 [hbm4b:s18+s20], $0x80, $0x38;
	[tilespmem:$0x8100] =	vst v63  }
0x3b: {  	_ =	swait.ge @!p0 [sflag:s21], $0x80  }
0x3c: {  	[sflag:s21] =	ssyncset.done @!p0 $0x0  }
0x3d: {  	s22 =	simm.s32 @!p0 $0x100;
	[sflag:s21] =	ssyncadd.s32 @!p0 $0xFFFFFF80;
	s21 =	simm.s32 @!p0 $0x80  }
0x3e: {  	[tilespmem:s22], [sflag:$0x1] =	stream.indirect.gather @!p0 [hbm4b:s3+s21], $0x80, s20, s21, $0xb8;
	[tilespmem:$0x8100] =	vst v63  }
0x3f: {  	_ =	swait.ge [sflag:s14], $0x4000  }
0x40: {  	[sflag:s14] =	ssyncset.done $0x0  }
.Ltmp5:
0x41: {  	s31 =	sadd.s32 s17, s4;
	[sflag:s14] =	ssyncadd.s32 $0xFFFFC000;
	(pc) =	sbr.rel .LBB2_4-.Ltmp5, $4  }
0x42: {  	[hbm4b:s31+s2] =	stream.linear.scatter [tilespmem:s15], [sflag:$0x3], $0x4000, $0x38;
	[tilespmem:$0x8100] =	vst v63  }
0x43: {  	_ =	swait.ge [sflag:s11], $0x4000  }
0x44: {  	[sflag:s11] =	ssyncset.done $0x0  }
0x45: {  	[sflag:s11] =	ssyncadd.s32 $0xFFFFC000  }
.LBB2_6:
0x46: {  	_ =	sfence.sel $0x180000  }
0x47: {  	[bflag:$0x0] =	sbarrier.arrive $0xFFFF  }
0x48: {  	p0 =	sne.s32 s0, $0x0;
	_ =	strace $0x90000050  }
0x49: {  	s0 =	sadd.s32 @!p0 $0x100000, s1;
	[bflag:$0x2] =	sbarrier.arrive $0xFFFF  }
0x4a: {  	[sflag:s0] =	ssyncadd.tile.s32 @!p0 $0x1;
	_ =	shalt  }
.Lfunc_end2:
_tile_overlayer_lowered:
.L_overlay_start_2:
0x4b: {  	(tag) =	ssettag $0x2  }
0x4c: {  	s0 =	rddreg [dreg:$0x0];
	s2 =	stileid.u32  }
0x4d: {  	s1 =	rddreg [dreg:$0x1];
	p0 =	sne.s32 s2, $0x0  }
0x4e: {  	s3 =	rddreg [dreg:$0x2];
	[bflag:$0x3] =	sbarrier.arrive $0xFFFF;
	s2 =	simm.s32 @!p0 $0x1C03  }
0x4f: {  	[timem:s3], [sflag:s2] =	dma.local @!p0 [hbm:s0], s1  }
0x50: {  	s0 =	simm.s32 @!p0 $0x3  }
0x51: {  	_ =	swait.ge @!p0 [sflag:s0], s1  }
0x52: {  	s1 =	ssub.s32 @!p0 $0x0, s1;
	[sflag:s0] =	ssyncset.done @!p0 $0x0  }
0x53: {  	[sflag:s0] =	ssyncadd.s32 @!p0 s1  }
0x54: {  	[bflag:$0x3] =	sbarrier.arrive $0xFFFF  }
0x55: {  	_ =	shalt  }

// kernel: kernel.29.cloned.1.call-start
scs
__scs_entry_jumppad:
0x0: {  	(pc) =	sbr.rel $0x88, $3  }
0x1: {  	(tag) =	ssettag $0x0;
	lr =	simm.s32 $0x1  }
0x2: {  	[smem:$0x3F86] =	sst lr;
	_ =	strace $0xD0000000  }
0x3: {  	_ = 	snop  }
0x4: {  	_ = 	snop  }
0x5: {  	_ = 	snop  }
0x6: {  	_ = 	snop  }
0x7: {  	_ = 	snop  }
__scs_overlays_trampoline_lowered:
0x8: {  	[smem:$0x3F95] =	sst s0  }
0x9: {  	[smem:$0x3F96] =	sst s1  }
0xa: {  	[smem:$0x3F97] =	sst s2  }
0xb: {  	[smem:$0x3F98] =	sst s3  }
0xc: {  	[smem:$0x3F99] =	sst s4  }
0xd: {  	[smem:$0x3F9A] =	sst s5  }
0xe: {  	[smem:$0x3F9B] =	sst s6  }
0xf: {  	[smem:$0x3F9C] =	sst s7  }
0x10: {  	[smem:$0x3F9D] =	sst s8  }
0x11: {  	[smem:$0x3F9E] =	sst s9;
	s0 =	simm.s32 @!p0 $0x0  }
0x12: {  	s1 =	sld [smem:$0x3F84];
	s0 =	simm.s32 @p0 $0x1  }
0x13: {  	[smem:$0x3F9F] =	sst s0;
	s0 =	simm.s32 @!p1 $0x0  }
0x14: {  	s2 =	sld [smem:$0x3F83];
	s0 =	simm.s32 @p1 $0x1  }
0x15: {  	[smem:$0x3FA0] =	sst s0;
	s0 =	simm.s32 @!p2 $0x0  }
0x16: {  	s3 =	sld [smem:$0x3FDB];
	s0 =	simm.s32 @p2 $0x1  }
0x17: {  	s4 =	simm.s32 $0x1BF5;
	[smem:$0x3FA2] =	sst s0  }
0x18: {  	s0 =	sld [smem:$0x3F85];
	_ =	swait.ge [sflag:s4], $0x0  }
0x19: {  	s7 =	sld [smem:$0x3F86]  }
0x1a: {  	s8 =	sadd.s32 $0xFFFFE003, lr  }
0x1b: {  	s9 =	sadd.s32 $0xFFFFFEF7, lr;
	s5 =	simm.s32 $0xFFFFFFFF;
	p2 =	slt.u32 s8, $0xFFFFF086  }
0x1c: {  	p1 =	slt.u32 s9, $0xF7A;
	s5 =	simm.s32 @!p2 $0x0  }
0x1d: {  	s5 =	simm.s32 @p1 $0x1;
	p0 =	seq.s32 s7, s2  }
0x1e: {  	s7 =	smul.u32 @!p0 $0xF7A, s2;
	p2 =	seq.s32 @!p0 s5, $0x0  }
0x1f: {  	s9 =	smul.u32 $0xF7A, s1;
	s8 =	simm.s32 @!p0 $0x1BF5;
	p2 =	por !p2, p0  }
0x20: {  	[sflag:s8] =	ssyncset.s32 @!p0 $0xFFFFF086;
	s6 =	sadd.s32 @!p0 s3, s7;
	s7 =	simm.s32 @!p0 $0x108  }
0x21: {  	s3 =	sadd.s32 s3, s9;
	s6 =	sadd.s32 @!p0 $0x88, s6;
	s7 =	simm.s32 @p2 $0x1082  }
0x22: {  	[simem:s7], [sflag:s8] =	dma.local @!p0 [hbm:s6], $0xF7A  }
0x23: {  	s9 =	sor.u32 $0xD0000000, s2;
	s6 =	simm.s32 $0x108;
	_ =	swait.ge @!p0 [sflag:s8], $0x0  }
0x24: {  	s3 =	sadd.s32 $0x88, s3;
	s6 =	simm.s32 @!p1 $0x1082;
	[sflag:s4] =	ssyncset.s32 $0xFFFFF086  }
0x25: {  	[simem:s6], [sflag:s4] =	dma.local [hbm:s3], $0xF7A  }
0x26: {  	[smem:$0x3F86] =	sst s1;
	(tag) =	ssettag s2;
	_ =	strace s9  }
0x27: {  	s1 =	sld [smem:$0x3F96]  }
0x28: {  	s2 =	sld [smem:$0x3F97]  }
0x29: {  	s4 =	sld [smem:$0x3F99]  }
0x2a: {  	p0 =	seq.s32 s5, $0x0;
	s5 =	sld [smem:$0x3F9A]  }
0x2b: {  	s6 =	sld [smem:$0x3F9B]  }
0x2c: {  	s7 =	sld [smem:$0x3F9C]  }
0x2d: {  	s3 =	simm.s32 $0x108;
	s8 =	sld [smem:$0x3F9D]  }
0x2e: {  	s3 =	simm.s32 @!p0 $0x1082;
	s9 =	sld [smem:$0x3F9E]  }
0x2f: {  	lr =	sadd.s32 s0, s3;
	s0 =	sld [smem:$0x3F95]  }
0x30: {  	s3 =	sld [smem:$0x3F98]  }
0x31: {  	[smem:$0x3FA1] =	sst s10  }
0x32: {  	s10 =	sld [smem:$0x3F9F];
	_ =	sdelay $0x3  }
0x33: {  	p0 =	seq.s32 s10, $0x1;
	s10 =	sld [smem:$0x3FA1];
	_ =	sdelay $0x3  }
0x34: {  	[smem:$0x3FA1] =	sst s10  }
0x35: {  	s10 =	sld [smem:$0x3FA0];
	_ =	sdelay $0x3  }
0x36: {  	p1 =	seq.s32 s10, $0x1;
	s10 =	sld [smem:$0x3FA1];
	_ =	sdelay $0x3  }
0x37: {  	[smem:$0x3FA1] =	sst s10  }
0x38: {  	s10 =	sld [smem:$0x3FA2]  }
0x39: {  	_ = 	snop;
	(pc) =	sbr.ind lr, $3  }
0x3a: {  	_ = 	snop  }
0x3b: {  	_ = 	snop  }
0x3c: {  	p2 =	seq.s32 s10, $0x1;
	s10 =	sld [smem:$0x3FA1]  }
0x3d: {  	_ =	shalt  }
0x3e: {  	_ =	shalt  }
0x3f: {  	_ =	shalt  }
0x40: {  	_ =	shalt  }
0x41: {  	_ =	shalt  }
0x42: {  	_ =	shalt  }
0x43: {  	_ =	shalt  }
0x44: {  	_ =	shalt  }
0x45: {  	_ =	shalt  }
0x46: {  	_ =	shalt  }
0x47: {  	_ =	shalt  }
0x48: {  	_ =	shalt  }
0x49: {  	_ =	shalt  }
0x4a: {  	_ =	shalt  }
0x4b: {  	_ =	shalt  }
0x4c: {  	_ =	shalt  }
0x4d: {  	_ =	shalt  }
0x4e: {  	_ =	shalt  }
0x4f: {  	_ =	shalt  }
0x50: {  	_ =	shalt  }
0x51: {  	_ =	shalt  }
0x52: {  	_ =	shalt  }
0x53: {  	_ =	shalt  }
0x54: {  	_ =	shalt  }
0x55: {  	_ =	shalt  }
0x56: {  	_ =	shalt  }
0x57: {  	_ =	shalt  }
0x58: {  	_ =	shalt  }
0x59: {  	_ =	shalt  }
0x5a: {  	_ =	shalt  }
0x5b: {  	_ =	shalt  }
0x5c: {  	_ =	shalt  }
0x5d: {  	_ =	shalt  }
0x5e: {  	_ =	shalt  }
0x5f: {  	_ =	shalt  }
0x60: {  	_ =	shalt  }
0x61: {  	_ =	shalt  }
0x62: {  	_ =	shalt  }
0x63: {  	_ =	shalt  }
0x64: {  	_ =	shalt  }
0x65: {  	_ =	shalt  }
0x66: {  	_ =	shalt  }
0x67: {  	_ =	shalt  }
0x68: {  	_ =	shalt  }
0x69: {  	_ =	shalt  }
0x6a: {  	_ =	shalt  }
0x6b: {  	_ =	shalt  }
0x6c: {  	_ =	shalt  }
0x6d: {  	_ =	shalt  }
0x6e: {  	_ =	shalt  }
0x6f: {  	_ =	shalt  }
0x70: {  	_ =	shalt  }
0x71: {  	_ =	shalt  }
0x72: {  	_ =	shalt  }
0x73: {  	_ =	shalt  }
0x74: {  	_ =	shalt  }
0x75: {  	_ =	shalt  }
0x76: {  	_ =	shalt  }
0x77: {  	_ =	shalt  }
0x78: {  	_ =	shalt  }
0x79: {  	_ =	shalt  }
0x7a: {  	_ =	shalt  }
0x7b: {  	_ =	shalt  }
0x7c: {  	_ =	shalt  }
0x7d: {  	_ =	shalt  }
0x7e: {  	_ =	shalt  }
0x7f: {  	_ =	shalt  }
0x80: {  	_ =	shalt  }
0x81: {  	_ =	shalt  }
0x82: {  	_ =	shalt  }
0x83: {  	_ =	shalt  }
0x84: {  	_ =	shalt  }
0x85: {  	_ =	shalt  }
0x86: {  	_ =	shalt  }
0x87: {  	_ =	shalt  }
.Lfunc_end0:
.L_simem_size_0:
called_computation.4_lowered:
.L_overlay_start_0:
0x88: {  	s2 =	sld [smem:$0x3FD9]  }
0x89: {  	s3 =	sld [smem:$0x3FFE];
	_ =	sdelay $0x1  }
0x8a: {  	s1 =	srdreg.scid  }
0x8b: {  	s0 =	sand.u32 $0x1, s1  }
0x8c: {  	s17 =	sshll.u32 s0, $0xA;
	s2 =	sadd.s32 s3, s2  }
0x8d: {  	s2 =	sadd.s32 s2, s17  }
0x8e: {  	[smem:$0x3FAD] =	sst s2  }
0x8f: {  	_ = 	snop  }
0x90: {  	(tm) =	ssettm $0x1  }
0x91: {  	s18 =	sld [smem:$0x3FFB];
	_ =	sdelay $0x3  }
0x92: {  	_ =	strace s18  }
0x93: {  	s2 =	sld [smem:$0x3FFC];
	_ =	sdelay $0x3  }
0x94: {  	_ =	strace s2  }
0x95: {  	s2 =	sld [smem:$0x3FFD];
	_ =	sdelay $0x3  }
0x96: {  	_ =	strace s2  }
0x97: {  	_ =	strace $0x8FFFFFFF  }
0x98: {  	s19 =	sld [smem:$0x3FDB];
	_ =	sdelay $0x1  }
0x99: {  	s20 =	simm.s32 $_scs_section_size  }
0x9a: {  	s4 =	simm.s32 $_size__tile_overlayer_lowered;
	s5 =	simm.s32 $_tile_overlayer_lowered  }
0x9b: {  	s6 =	simm.s32 $0x1BFF;
	s21 =	sshll.u32 s5, $0x1;
	s3 =	sadd.s32 s20, s19  }
0x9c: {  	s22 =	simm.s32 $0x0;
	s4 =	sshll.u32 s4, $0x1;
	s5 =	sadd.s32 s21, s3  }
0x9d: {  	[timem:s22], [sflag:s6] =	dma.local [hbm:s5], s4  }
0x9e: {  	_ =	swait.ge [sflag:s6], s4  }
0x9f: {  	s4 =	ssub.s32 $0x0, s4;
	[sflag:s6] =	ssyncset.done $0x0  }
0xa0: {  	[sflag:s6] =	ssyncadd.s32 s4;
	_ =	sdelay $0x1  }
0xa1: {  	s23 =	simm.s32 $0x1B8B  }
0xa2: {  	_ =	swait.ge [sflag:s23], $0x1  }
0xa3: {  	[sflag:s23] =	ssyncset.done $0x0  }
0xa4: {  	[sflag:s23] =	ssyncadd.s32 $0xFFFFFFFF  }
0xa5: {  	s4 =	sld [smem:$0x0]  }
0xa6: {  	s5 =	sand.u32 $0xFFFFFFFE, s1  }
0xa7: {  	p0 =	sne.s32 s1, s5  }
0xa8: {  	s5 =	sshll.u32 @p0 s5, $0xE  }
0xa9: {  	s5 =	sadd.s32 @p0 $0x11B8D, s5;
	s6 =	sshll.u32 @p0 s4, $0x11  }
0xaa: {  	s5 =	sor.u32 @p0 s6, s5  }
0xab: {  	[sflag:s5] =	ssyncadd.remote.s32 @p0 $0x1;
	_ =	sdelay $0x1  }
0xac: {  	s5 =	simm.s32 @p0 $0x1B8D  }
0xad: {  	_ =	swait.eq @p0 [sflag:s5], $0x1  }
0xae: {  	[sflag:s5] =	ssyncadd.s32 @p0 $0xFFFFFFFF  }
0xaf: {  	s6 =	sshll.u32 @!p0 s1, $0xE  }
0xb0: {  	s6 =	sor.u32 @!p0 $0x4000, s6;
	s5 =	simm.s32 @!p0 $0x1B8D  }
0xb1: {  	s4 =	sshll.u32 @!p0 s4, $0x11;
	s6 =	sadd.s32 @!p0 $0x11B8D, s6;
	_ =	swait.eq @!p0 [sflag:s5], $0x1  }
0xb2: {  	s4 =	sor.u32 @!p0 s4, s6;
	[sflag:s5] =	ssyncadd.s32 @!p0 $0xFFFFFFFF  }
0xb3: {  	s25 =	simm.s32 $0x1B8E;
	s24 =	sld [smem:$0x3FFE];
	[sflag:s4] =	ssyncadd.remote.s32 @!p0 $0x1  }
0xb4: {  	s26 =	simm.s32 $execute0_lowered;
	[smem:$0x3FD2] =	sst s25  }
0xb5: {  	s5 =	sshll.u32 s26, $0x1;
	_ =	strace $0x80000052;
	[dreg:$0x1] =	wrdreg $0xFFFFFFFF  }
0xb6: {  	s28 =	simm.s32 $_size_execute0_lowered;
	s3 =	sadd.s32 s3, s5;
	[dreg:$0x0] =	wrdreg $0x0  }
0xb7: {  	s5 =	sshll.u32 s28, $0x1;
	[dreg:$0x2] =	wrdreg s3  }
0xb8: {  	[dreg:$0x3] =	wrdreg s5  }
0xb9: {  	[dreg:$0x4] =	wrdreg $0xC0  }
0xba: {  	_ =	task [dreg:s22], $0x5FFFF  }
0xbb: {  	[dreg:$0x1] =	wrdreg $0xFFFFFFFF  }
0xbc: {  	[dreg:$0x0] =	wrdreg $0x60  }
0xbd: {  	[dreg:$0x2] =	wrdreg s24  }
0xbe: {  	[dreg:$0x3] =	wrdreg $0xA  }
0xbf: {  	_ =	task.clear_ibuf [dreg:s22], $0x4FFFF;
	_ =	strace $0x90000052  }
0xc0: {  	s29 =	simm.s32 $0xA;
	_ =	strace $0x80000054  }
0xc1: {  	_ =	swait.ge [sflag:s29], $0x1  }
0xc2: {  	[sflag:s29] =	ssyncadd.s32 $0xFFFFFFFF  }
0xc3: {  	_ =	strace $0x90000054  }
0xc4: {  	_ =	sfence  }
0xc5: {  	s30 =	sld [smem:$0x0];
	_ =	sdelay $0x2  }
0xc6: {  	s31 =	sshll.u32 s1, $0xD;
	s1 =	sshrl.u32 s1, $0x2  }
0xc7: {  	s4 =	sand.u32 $0x4000, s31;
	s1 =	sadd.s32 s1, s30  }
0xc8: {  	s0 =	sor.u32 s4, s0;
	s1 =	sshll.u32 s1, $0x11  }
0xc9: {  	s0 =	sor.u32 s1, s0  }
0xca: {  	s0 =	sadd.s32 $0x8F2B, s0  }
0xcb: {  	[sflag:s0] =	ssyncadd.remote.s32 $0x1  }
0xcc: {  	_ =	sfence.sel $0xFFFF  }
0xcd: {  	[dreg:$0x0] =	wrdreg $0xFFFFFFFF;
	(pc) =	sbr.abs _section_cstart, $3  }
0xce: {  	[dreg:$0x1] =	wrdreg $0xFFFFFFFF  }
0xcf: {  	_ =	task.clear_ibuf [dreg:s22], $0x2FFFF;
	_ =	strace $0x9FFFFFFF  }
0xd0: {  	(tm) =	ssettm $0x7FFFFFFF  }
0xd1: {  	_ =	shalt  }
tec
execute0_lowered:
.L_overlay_start_1:
0x0: {  	(tag) =	ssettag $0x1  }
0x1: {  	s1 =	srdreg.scid;
	s0 =	stileid.u32  }
0x2: {  	s4 =	rddreg [dreg:$0x0];
	s2 =	simm.s32 $0x0;
	s14 =	simm.s32 $0x2  }
0x3: {  	s15 =	simm.s32 $0x4100;
	s16 =	simm.s32 $0x0;
	s8 =	smul.u32 $0x50, s0  }
0x4: {  	s6 =	sand.u32 $0x1, s1;
	s1 =	rddreg [dreg:$0x1];
	s30 =	smul.u32 $0x28000, s0  }
0x5: {  	s3 =	sshll.u32 s0, $0x1;
	[smem:$0x7FF] =	sst s2;
	s11 =	smul.u32 $0x28, s6  }
0x6: {  	s9 =	sadd.s32 $0xA200, s4;
	s5 =	sor.u32 s6, s3;
	s31 =	smul.u32 $0x14000, s6  }
0x7: {  	_ =	strace $0x80000053;
	s10 =	ssub.s32 $0x2, s6;
	s7 =	smul.u32 $0x28, s5  }
0x8: {  	s3 =	sadd.s32 $0x185000, s4;
	s12 =	sshrl.u32 s10, $0x1;
	s13 =	smul.u32 $0x280, s5  }
.Ltmp0:
0x9: {  	s4 =	sadd.s32 $0x6B5600, s4;
	s10 =	ssub.s32 s10, s12;
	(pc) =	sbr.rel .LBB2_1-.Ltmp0, $4  }
0xa: {  	s8 =	sadd.s32 s11, s8;
	s11 =	simm.s32 $0x3;
	s12 =	simm.s32 $0x80  }
0xb: {  	s5 =	ssub.s32 $0x4E2, s7;
	s8 =	sshll.u32 s8, $0x4;
	s7 =	sadd.s32 s9, s13  }
0xc: {  	s13 =	simm.s32 $0x100;
	s6 =	smin.u32 s5, $0x28;
	s9 =	sadd.s32 s8, s9  }
0xd: {  	s8 =	smax.u32 s10, $0x1;
	s10 =	sadd.s32 s31, s30;
	s9 =	sadd.s32 $0x10, s9  }
.LBB2_5:
0xe: {  	s16 =	sadd.s32 $0x1, s16  }
0xf: {  	p0 =	sne.s32 s16, s8  }
.Ltmp1:
0x10: {  	_ = 	snop;
	(pc) =	sbr.rel @!p0 .LBB2_6-.Ltmp1, $1  }
0x11: {  	_ =	sdelay $0x3  }
.LBB2_1:
0x12: {  	[tilespmem:s2], [sflag:$0x3] =	stream.linear.gather [hbm4b:s7+s2], $0x80, $0x38;
	[tilespmem:$0x8100] =	vst v63  }
.Ltmp2:
0x13: {  	_ = 	snop;
	(pc) =	sbr.rel .LBB2_2-.Ltmp2, $4  }
0x14: {  	_ =	swait.ge [sflag:s11], $0x80  }
0x15: {  	s17 =	smov.u32 s10;
	[sflag:s11] =	ssyncset.done $0x0  }
0x16: {  	s18 =	smov.u32 s9;
	s19 =	simm.s32 $0x0;
	[sflag:s11] =	ssyncadd.s32 $0xFFFFFF80  }
0x17: {  	[tilespmem:s13], [sflag:$0x1] =	stream.indirect.gather [hbm4b:s3+s12], $0x80, s2, s12, $0xb8;
	[tilespmem:$0x8100] =	vst v63  }
.LBB2_4:
0x18: {  	s19 =	sadd.s32 $0x1, s19  }
0x19: {  	p0 =	sne.s32 s19, $0x28  }
.Ltmp3:
0x1a: {  	_ = 	snop;
	(pc) =	sbr.rel @!p0 .LBB2_5-.Ltmp3, $2  }
0x1b: {  	_ =	sdelay $0x2  }
0x1c: {  	s18 =	sadd.s32 $0x10, s18;
	s17 =	sadd.s32 $0x800, s17  }
.LBB2_2:
0x1d: {  	p0 =	sle.u32 s5, s19  }
0x1e: {  	s20 =	sand.u32 @!p0 $0x1, s19  }
0x1f: {  	p2 =	seq.s32 @!p0 s20, $0x1  }
0x20: {  	p1 =	por p2, p0  }
0x21: {  	s21 =	sadd.s32 @!p1 $0x1, s19  }
0x22: {  	p3 =	sge.u32 @!p1 s21, s6  }
0x23: {  	p3 =	por @!p0 p3, p2  }
0x24: {  	p3 =	por p3, p0  }
0x25: {  	s21 =	simm.s32 @!p3 $0x0;
	s22 =	simm.s32 @!p3 $0x80  }
0x26: {  	[tilespmem:s22], [sflag:$0x4] =	stream.linear.gather @!p3 [hbm4b:s18+s21], $0x80, $0x38;
	[tilespmem:$0x8100] =	vst v63  }
0x27: {  	s21 =	simm.s32 @!p3 $0x4  }
0x28: {  	_ =	swait.ge @!p3 [sflag:s21], $0x80  }
0x29: {  	[sflag:s21] =	ssyncset.done @!p3 $0x0  }
0x2a: {  	[sflag:s21] =	ssyncadd.s32 @!p3 $0xFFFFFF80;
	s21 =	simm.s32 @!p3 $0x4100  }
0x2b: {  	[tilespmem:s21], [sflag:$0x2] =	stream.indirect.gather @!p3 [hbm4b:s3+s22], $0x80, s22, s22, $0xb8;
	[tilespmem:$0x8100] =	vst v63  }
0x2c: {  	s21 =	simm.s32 @!p1 $0x1  }
0x2d: {  	_ =	swait.ge @!p1 [sflag:s21], $0x4000  }
0x2e: {  	s23 =	simm.s32 @!p1 $0x100;
	p3 =	seq.s32 @!p1 s20, $0x0;
	[sflag:s21] =	ssyncset.done @!p1 $0x0  }
0x2f: {  	p2 =	por @!p0 p2, !p3;
	[sflag:s21] =	ssyncadd.s32 @!p1 $0xFFFFC000;
	s21 =	sand.u32 @!p1 $0x1FFFF000, s17  }
0x30: {  	s22 =	simm.s32 @!p1 $0x0;
	p0 =	por p0, !p2;
	s21 =	sadd.s32 @!p1 s4, s21  }
0x31: {  	[hbm4b:s21+s22] =	stream.linear.scatter @!p1 [tilespmem:s23], [sflag:$0x4], $0x4000, $0x38;
	[tilespmem:$0x8100] =	vst v63  }
.Ltmp4:
0x32: {  	_ = 	snop;
	(pc) =	sbr.rel @p0 .LBB2_4-.Ltmp4, $4  }
0x33: {  	s21 =	simm.s32 @!p1 $0x4  }
0x34: {  	_ =	swait.ge @!p1 [sflag:s21], $0x4000  }
0x35: {  	[sflag:s21] =	ssyncset.done @!p1 $0x0  }
0x36: {  	[sflag:s21] =	ssyncadd.s32 @!p1 $0xFFFFC000  }
0x37: {  	s20 =	sadd.s32 $0x1, s19  }
0x38: {  	p0 =	sge.u32 s20, s6  }
0x39: {  	s20 =	simm.s32 @!p0 $0x0;
	s21 =	simm.s32 @!p0 $0x4  }
0x3a: {  	[tilespmem:s20], [sflag:$0x4] =	stream.linear.gather @!p0 [hbm4b:s18+s20], $0x80, $0x38;
	[tilespmem:$0x8100] =	vst v63  }
0x3b: {  	_ =	swait.ge @!p0 [sflag:s21], $0x80  }
0x3c: {  	[sflag:s21] =	ssyncset.done @!p0 $0x0  }
0x3d: {  	s22 =	simm.s32 @!p0 $0x100;
	[sflag:s21] =	ssyncadd.s32 @!p0 $0xFFFFFF80;
	s21 =	simm.s32 @!p0 $0x80  }
0x3e: {  	[tilespmem:s22], [sflag:$0x1] =	stream.indirect.gather @!p0 [hbm4b:s3+s21], $0x80, s20, s21, $0xb8;
	[tilespmem:$0x8100] =	vst v63  }
0x3f: {  	_ =	swait.ge [sflag:s14], $0x4000  }
0x40: {  	[sflag:s14] =	ssyncset.done $0x0  }
.Ltmp5:
0x41: {  	s31 =	sadd.s32 s17, s4;
	[sflag:s14] =	ssyncadd.s32 $0xFFFFC000;
	(pc) =	sbr.rel .LBB2_4-.Ltmp5, $4  }
0x42: {  	[hbm4b:s31+s2] =	stream.linear.scatter [tilespmem:s15], [sflag:$0x3], $0x4000, $0x38;
	[tilespmem:$0x8100] =	vst v63  }
0x43: {  	_ =	swait.ge [sflag:s11], $0x4000  }
0x44: {  	[sflag:s11] =	ssyncset.done $0x0  }
0x45: {  	[sflag:s11] =	ssyncadd.s32 $0xFFFFC000  }
.LBB2_6:
0x46: {  	_ =	sfence.sel $0x180000  }
0x47: {  	[bflag:$0x0] =	sbarrier.arrive $0xFFFF  }
0x48: {  	p0 =	sne.s32 s0, $0x0;
	_ =	strace $0x90000053  }
0x49: {  	s0 =	sadd.s32 @!p0 $0x100000, s1;
	[bflag:$0x2] =	sbarrier.arrive $0xFFFF  }
0x4a: {  	[sflag:s0] =	ssyncadd.tile.s32 @!p0 $0x1;
	_ =	shalt  }
.Lfunc_end2:
_tile_overlayer_lowered:
.L_overlay_start_2:
0x4b: {  	(tag) =	ssettag $0x2  }
0x4c: {  	s0 =	rddreg [dreg:$0x0];
	s2 =	stileid.u32  }
0x4d: {  	s1 =	rddreg [dreg:$0x1];
	p0 =	sne.s32 s2, $0x0  }
0x4e: {  	s3 =	rddreg [dreg:$0x2];
	[bflag:$0x3] =	sbarrier.arrive $0xFFFF;
	s2 =	simm.s32 @!p0 $0x1C03  }
0x4f: {  	[timem:s3], [sflag:s2] =	dma.local @!p0 [hbm:s0], s1  }
0x50: {  	s0 =	simm.s32 @!p0 $0x3  }
0x51: {  	_ =	swait.ge @!p0 [sflag:s0], s1  }
0x52: {  	s1 =	ssub.s32 @!p0 $0x0, s1;
	[sflag:s0] =	ssyncset.done @!p0 $0x0  }
0x53: {  	[sflag:s0] =	ssyncadd.s32 @!p0 s1  }
0x54: {  	[bflag:$0x3] =	sbarrier.arrive $0xFFFF  }
0x55: {  	_ =	shalt  }

// kernel: kernel.32.cloned.1.call-start
scs
__scs_entry_jumppad:
0x0: {  	(pc) =	sbr.rel $0x88, $3  }
0x1: {  	(tag) =	ssettag $0x0;
	lr =	simm.s32 $0x1  }
0x2: {  	[smem:$0x3F86] =	sst lr;
	_ =	strace $0xD0000000  }
0x3: {  	_ = 	snop  }
0x4: {  	_ = 	snop  }
0x5: {  	_ = 	snop  }
0x6: {  	_ = 	snop  }
0x7: {  	_ = 	snop  }
__scs_overlays_trampoline_lowered:
0x8: {  	[smem:$0x3F95] =	sst s0  }
0x9: {  	[smem:$0x3F96] =	sst s1  }
0xa: {  	[smem:$0x3F97] =	sst s2  }
0xb: {  	[smem:$0x3F98] =	sst s3  }
0xc: {  	[smem:$0x3F99] =	sst s4  }
0xd: {  	[smem:$0x3F9A] =	sst s5  }
0xe: {  	[smem:$0x3F9B] =	sst s6  }
0xf: {  	[smem:$0x3F9C] =	sst s7  }
0x10: {  	[smem:$0x3F9D] =	sst s8  }
0x11: {  	[smem:$0x3F9E] =	sst s9;
	s0 =	simm.s32 @!p0 $0x0  }
0x12: {  	s1 =	sld [smem:$0x3F84];
	s0 =	simm.s32 @p0 $0x1  }
0x13: {  	[smem:$0x3F9F] =	sst s0;
	s0 =	simm.s32 @!p1 $0x0  }
0x14: {  	s2 =	sld [smem:$0x3F83];
	s0 =	simm.s32 @p1 $0x1  }
0x15: {  	[smem:$0x3FA0] =	sst s0;
	s0 =	simm.s32 @!p2 $0x0  }
0x16: {  	s3 =	sld [smem:$0x3FDB];
	s0 =	simm.s32 @p2 $0x1  }
0x17: {  	s4 =	simm.s32 $0x1BF5;
	[smem:$0x3FA2] =	sst s0  }
0x18: {  	s0 =	sld [smem:$0x3F85];
	_ =	swait.ge [sflag:s4], $0x0  }
0x19: {  	s7 =	sld [smem:$0x3F86]  }
0x1a: {  	s8 =	sadd.s32 $0xFFFFE003, lr  }
0x1b: {  	s9 =	sadd.s32 $0xFFFFFEF7, lr;
	s5 =	simm.s32 $0xFFFFFFFF;
	p2 =	slt.u32 s8, $0xFFFFF086  }
0x1c: {  	p1 =	slt.u32 s9, $0xF7A;
	s5 =	simm.s32 @!p2 $0x0  }
0x1d: {  	s5 =	simm.s32 @p1 $0x1;
	p0 =	seq.s32 s7, s2  }
0x1e: {  	s7 =	smul.u32 @!p0 $0xF7A, s2;
	p2 =	seq.s32 @!p0 s5, $0x0  }
0x1f: {  	s9 =	smul.u32 $0xF7A, s1;
	s8 =	simm.s32 @!p0 $0x1BF5;
	p2 =	por !p2, p0  }
0x20: {  	[sflag:s8] =	ssyncset.s32 @!p0 $0xFFFFF086;
	s6 =	sadd.s32 @!p0 s3, s7;
	s7 =	simm.s32 @!p0 $0x108  }
0x21: {  	s3 =	sadd.s32 s3, s9;
	s6 =	sadd.s32 @!p0 $0x88, s6;
	s7 =	simm.s32 @p2 $0x1082  }
0x22: {  	[simem:s7], [sflag:s8] =	dma.local @!p0 [hbm:s6], $0xF7A  }
0x23: {  	s9 =	sor.u32 $0xD0000000, s2;
	s6 =	simm.s32 $0x108;
	_ =	swait.ge @!p0 [sflag:s8], $0x0  }
0x24: {  	s3 =	sadd.s32 $0x88, s3;
	s6 =	simm.s32 @!p1 $0x1082;
	[sflag:s4] =	ssyncset.s32 $0xFFFFF086  }
0x25: {  	[simem:s6], [sflag:s4] =	dma.local [hbm:s3], $0xF7A  }
0x26: {  	[smem:$0x3F86] =	sst s1;
	(tag) =	ssettag s2;
	_ =	strace s9  }
0x27: {  	s1 =	sld [smem:$0x3F96]  }
0x28: {  	s2 =	sld [smem:$0x3F97]  }
0x29: {  	s4 =	sld [smem:$0x3F99]  }
0x2a: {  	p0 =	seq.s32 s5, $0x0;
	s5 =	sld [smem:$0x3F9A]  }
0x2b: {  	s6 =	sld [smem:$0x3F9B]  }
0x2c: {  	s7 =	sld [smem:$0x3F9C]  }
0x2d: {  	s3 =	simm.s32 $0x108;
	s8 =	sld [smem:$0x3F9D]  }
0x2e: {  	s3 =	simm.s32 @!p0 $0x1082;
	s9 =	sld [smem:$0x3F9E]  }
0x2f: {  	lr =	sadd.s32 s0, s3;
	s0 =	sld [smem:$0x3F95]  }
0x30: {  	s3 =	sld [smem:$0x3F98]  }
0x31: {  	[smem:$0x3FA1] =	sst s10  }
0x32: {  	s10 =	sld [smem:$0x3F9F];
	_ =	sdelay $0x3  }
0x33: {  	p0 =	seq.s32 s10, $0x1;
	s10 =	sld [smem:$0x3FA1];
	_ =	sdelay $0x3  }
0x34: {  	[smem:$0x3FA1] =	sst s10  }
0x35: {  	s10 =	sld [smem:$0x3FA0];
	_ =	sdelay $0x3  }
0x36: {  	p1 =	seq.s32 s10, $0x1;
	s10 =	sld [smem:$0x3FA1];
	_ =	sdelay $0x3  }
0x37: {  	[smem:$0x3FA1] =	sst s10  }
0x38: {  	s10 =	sld [smem:$0x3FA2]  }
0x39: {  	_ = 	snop;
	(pc) =	sbr.ind lr, $3  }
0x3a: {  	_ = 	snop  }
0x3b: {  	_ = 	snop  }
0x3c: {  	p2 =	seq.s32 s10, $0x1;
	s10 =	sld [smem:$0x3FA1]  }
0x3d: {  	_ =	shalt  }
0x3e: {  	_ =	shalt  }
0x3f: {  	_ =	shalt  }
0x40: {  	_ =	shalt  }
0x41: {  	_ =	shalt  }
0x42: {  	_ =	shalt  }
0x43: {  	_ =	shalt  }
0x44: {  	_ =	shalt  }
0x45: {  	_ =	shalt  }
0x46: {  	_ =	shalt  }
0x47: {  	_ =	shalt  }
0x48: {  	_ =	shalt  }
0x49: {  	_ =	shalt  }
0x4a: {  	_ =	shalt  }
0x4b: {  	_ =	shalt  }
0x4c: {  	_ =	shalt  }
0x4d: {  	_ =	shalt  }
0x4e: {  	_ =	shalt  }
0x4f: {  	_ =	shalt  }
0x50: {  	_ =	shalt  }
0x51: {  	_ =	shalt  }
0x52: {  	_ =	shalt  }
0x53: {  	_ =	shalt  }
0x54: {  	_ =	shalt  }
0x55: {  	_ =	shalt  }
0x56: {  	_ =	shalt  }
0x57: {  	_ =	shalt  }
0x58: {  	_ =	shalt  }
0x59: {  	_ =	shalt  }
0x5a: {  	_ =	shalt  }
0x5b: {  	_ =	shalt  }
0x5c: {  	_ =	shalt  }
0x5d: {  	_ =	shalt  }
0x5e: {  	_ =	shalt  }
0x5f: {  	_ =	shalt  }
0x60: {  	_ =	shalt  }
0x61: {  	_ =	shalt  }
0x62: {  	_ =	shalt  }
0x63: {  	_ =	shalt  }
0x64: {  	_ =	shalt  }
0x65: {  	_ =	shalt  }
0x66: {  	_ =	shalt  }
0x67: {  	_ =	shalt  }
0x68: {  	_ =	shalt  }
0x69: {  	_ =	shalt  }
0x6a: {  	_ =	shalt  }
0x6b: {  	_ =	shalt  }
0x6c: {  	_ =	shalt  }
0x6d: {  	_ =	shalt  }
0x6e: {  	_ =	shalt  }
0x6f: {  	_ =	shalt  }
0x70: {  	_ =	shalt  }
0x71: {  	_ =	shalt  }
0x72: {  	_ =	shalt  }
0x73: {  	_ =	shalt  }
0x74: {  	_ =	shalt  }
0x75: {  	_ =	shalt  }
0x76: {  	_ =	shalt  }
0x77: {  	_ =	shalt  }
0x78: {  	_ =	shalt  }
0x79: {  	_ =	shalt  }
0x7a: {  	_ =	shalt  }
0x7b: {  	_ =	shalt  }
0x7c: {  	_ =	shalt  }
0x7d: {  	_ =	shalt  }
0x7e: {  	_ =	shalt  }
0x7f: {  	_ =	shalt  }
0x80: {  	_ =	shalt  }
0x81: {  	_ =	shalt  }
0x82: {  	_ =	shalt  }
0x83: {  	_ =	shalt  }
0x84: {  	_ =	shalt  }
0x85: {  	_ =	shalt  }
0x86: {  	_ =	shalt  }
0x87: {  	_ =	shalt  }
.Lfunc_end0:
.L_simem_size_0:
called_computation.5_lowered:
.L_overlay_start_0:
0x88: {  	s2 =	sld [smem:$0x3FD9]  }
0x89: {  	s3 =	sld [smem:$0x3FFE];
	_ =	sdelay $0x1  }
0x8a: {  	s1 =	srdreg.scid  }
0x8b: {  	s0 =	sand.u32 $0x1, s1  }
0x8c: {  	s16 =	sshll.u32 s0, $0xA;
	s2 =	sadd.s32 s3, s2  }
0x8d: {  	s2 =	sadd.s32 s2, s16  }
0x8e: {  	[smem:$0x3FAD] =	sst s2  }
0x8f: {  	_ = 	snop  }
0x90: {  	(tm) =	ssettm $0x1  }
0x91: {  	s17 =	sld [smem:$0x3FFB];
	_ =	sdelay $0x3  }
0x92: {  	_ =	strace s17  }
0x93: {  	s2 =	sld [smem:$0x3FFC];
	_ =	sdelay $0x3  }
0x94: {  	_ =	strace s2  }
0x95: {  	s2 =	sld [smem:$0x3FFD];
	_ =	sdelay $0x3  }
0x96: {  	_ =	strace s2  }
0x97: {  	_ =	strace $0x8FFFFFFF  }
0x98: {  	s18 =	sld [smem:$0x3FDB];
	_ =	sdelay $0x1  }
0x99: {  	s19 =	simm.s32 $_scs_section_size  }
0x9a: {  	s4 =	simm.s32 $_size__tile_overlayer_lowered;
	s5 =	simm.s32 $_tile_overlayer_lowered  }
0x9b: {  	s22 =	simm.s32 $0x1BFF;
	s21 =	sshll.u32 s5, $0x1;
	s2 =	sadd.s32 s19, s18  }
0x9c: {  	s6 =	simm.s32 $0x0;
	s20 =	sshll.u32 s4, $0x1;
	s4 =	sadd.s32 s21, s2  }
0x9d: {  	[timem:s6], [sflag:s22] =	dma.local [hbm:s4], s20  }
0x9e: {  	_ =	swait.ge [sflag:s22], s20  }
0x9f: {  	s3 =	ssub.s32 $0x0, s20;
	[sflag:s22] =	ssyncset.done $0x0  }
0xa0: {  	[sflag:s22] =	ssyncadd.s32 s3;
	_ =	sdelay $0x1  }
0xa1: {  	s23 =	simm.s32 $0x1B8B  }
0xa2: {  	_ =	swait.ge [sflag:s23], $0x1  }
0xa3: {  	[sflag:s23] =	ssyncset.done $0x0  }
0xa4: {  	s25 =	simm.s32 $0x1B8E;
	s24 =	sld [smem:$0x3FFE];
	[sflag:s23] =	ssyncadd.s32 $0xFFFFFFFF  }
0xa5: {  	s26 =	simm.s32 $execute0_lowered;
	[smem:$0x3FD2] =	sst s25  }
0xa6: {  	s4 =	sshll.u32 s26, $0x1;
	_ =	strace $0x80000055;
	[dreg:$0x1] =	wrdreg $0xFFFFFFFF  }
0xa7: {  	s28 =	simm.s32 $_size_execute0_lowered;
	s2 =	sadd.s32 s2, s4;
	[dreg:$0x0] =	wrdreg $0x0  }
0xa8: {  	s4 =	sshll.u32 s28, $0x1;
	[dreg:$0x2] =	wrdreg s2  }
0xa9: {  	[dreg:$0x3] =	wrdreg s4  }
0xaa: {  	[dreg:$0x4] =	wrdreg $0xC0  }
0xab: {  	_ =	task [dreg:s6], $0x5FFFF  }
0xac: {  	[dreg:$0x1] =	wrdreg $0xFFFFFFFF  }
0xad: {  	[dreg:$0x0] =	wrdreg $0x60  }
0xae: {  	[dreg:$0x2] =	wrdreg s24  }
0xaf: {  	[dreg:$0x3] =	wrdreg $0x9  }
0xb0: {  	_ =	task.clear_ibuf [dreg:s6], $0x4FFFF;
	_ =	strace $0x90000055  }
0xb1: {  	s29 =	simm.s32 $0x9;
	_ =	strace $0x80000057  }
0xb2: {  	_ =	swait.ge [sflag:s29], $0x1  }
0xb3: {  	[sflag:s29] =	ssyncadd.s32 $0xFFFFFFFF  }
0xb4: {  	_ =	strace $0x90000057  }
0xb5: {  	_ =	sfence  }
0xb6: {  	s30 =	sld [smem:$0x0];
	_ =	sdelay $0x2  }
0xb7: {  	s31 =	sshll.u32 s1, $0xD;
	s1 =	sshrl.u32 s1, $0x2  }
0xb8: {  	s3 =	sand.u32 $0x4000, s31;
	s1 =	sadd.s32 s1, s30  }
0xb9: {  	s0 =	sor.u32 s3, s0;
	s1 =	sshll.u32 s1, $0x11  }
0xba: {  	s0 =	sor.u32 s1, s0  }
0xbb: {  	s0 =	sadd.s32 $0x8F2B, s0  }
0xbc: {  	[sflag:s0] =	ssyncadd.remote.s32 $0x1  }
0xbd: {  	_ =	sfence.sel $0xFFFF  }
0xbe: {  	[dreg:$0x0] =	wrdreg $0xFFFFFFFF;
	(pc) =	sbr.abs _section_cstart, $3  }
0xbf: {  	[dreg:$0x1] =	wrdreg $0xFFFFFFFF  }
0xc0: {  	_ =	task.clear_ibuf [dreg:s6], $0x2FFFF;
	_ =	strace $0x9FFFFFFF  }
0xc1: {  	(tm) =	ssettm $0x7FFFFFFF  }
tec
execute0_lowered:
.L_overlay_start_1:
0x0: {  	(tag) =	ssettag $0x1  }
0x1: {  	s1 =	srdreg.scid;
	s0 =	stileid.u32  }
0x2: {  	s4 =	rddreg [dreg:$0x0];
	s2 =	simm.s32 $0x0;
	s14 =	simm.s32 $0x2  }
0x3: {  	s15 =	simm.s32 $0x4100;
	s16 =	simm.s32 $0x0;
	s8 =	smul.u32 $0x50, s0  }
0x4: {  	s6 =	sand.u32 $0x1, s1;
	s1 =	rddreg [dreg:$0x1];
	s30 =	smul.u32 $0x28000, s0  }
0x5: {  	s3 =	sshll.u32 s0, $0x1;
	[smem:$0x7FF] =	sst s2;
	s11 =	smul.u32 $0x28, s6  }
0x6: {  	s9 =	sadd.s32 $0x31E00, s4;
	s5 =	sor.u32 s6, s3;
	s31 =	smul.u32 $0x14000, s6  }
0x7: {  	_ =	strace $0x80000056;
	s10 =	ssub.s32 $0x2, s6;
	s7 =	smul.u32 $0x28, s5  }
0x8: {  	s3 =	sadd.s32 $0x4B800, s4;
	s12 =	sshrl.u32 s10, $0x1;
	s13 =	smul.u32 $0x280, s5  }
.Ltmp0:
0x9: {  	s4 =	sadd.s32 $0x72A00, s4;
	s10 =	ssub.s32 s10, s12;
	(pc) =	sbr.rel .LBB2_1-.Ltmp0, $4  }
0xa: {  	s8 =	sadd.s32 s11, s8;
	s11 =	simm.s32 $0x3;
	s12 =	simm.s32 $0x80  }
0xb: {  	s5 =	ssub.s32 $0x4E2, s7;
	s8 =	sshll.u32 s8, $0x4;
	s7 =	sadd.s32 s9, s13  }
0xc: {  	s13 =	simm.s32 $0x100;
	s6 =	smin.u32 s5, $0x28;
	s9 =	sadd.s32 s8, s9  }
0xd: {  	s8 =	smax.u32 s10, $0x1;
	s10 =	sadd.s32 s31, s30;
	s9 =	sadd.s32 $0x10, s9  }
.LBB2_5:
0xe: {  	s16 =	sadd.s32 $0x1, s16  }
0xf: {  	p0 =	sne.s32 s16, s8  }
.Ltmp1:
0x10: {  	_ = 	snop;
	(pc) =	sbr.rel @!p0 .LBB2_6-.Ltmp1, $1  }
0x11: {  	_ =	sdelay $0x3  }
.LBB2_1:
0x12: {  	[tilespmem:s2], [sflag:$0x3] =	stream.linear.gather [hbm4b:s7+s2], $0x80, $0x38;
	[tilespmem:$0x8100] =	vst v63  }
.Ltmp2:
0x13: {  	_ = 	snop;
	(pc) =	sbr.rel .LBB2_2-.Ltmp2, $4  }
0x14: {  	_ =	swait.ge [sflag:s11], $0x80  }
0x15: {  	s17 =	smov.u32 s10;
	[sflag:s11] =	ssyncset.done $0x0  }
0x16: {  	s18 =	smov.u32 s9;
	s19 =	simm.s32 $0x0;
	[sflag:s11] =	ssyncadd.s32 $0xFFFFFF80  }
0x17: {  	[tilespmem:s13], [sflag:$0x1] =	stream.indirect.gather [hbm4b:s3+s12], $0x80, s2, s12, $0xb8;
	[tilespmem:$0x8100] =	vst v63  }
.LBB2_4:
0x18: {  	s19 =	sadd.s32 $0x1, s19  }
0x19: {  	p0 =	sne.s32 s19, $0x28  }
.Ltmp3:
0x1a: {  	_ = 	snop;
	(pc) =	sbr.rel @!p0 .LBB2_5-.Ltmp3, $2  }
0x1b: {  	_ =	sdelay $0x2  }
0x1c: {  	s18 =	sadd.s32 $0x10, s18;
	s17 =	sadd.s32 $0x800, s17  }
.LBB2_2:
0x1d: {  	p0 =	sle.u32 s5, s19  }
0x1e: {  	s20 =	sand.u32 @!p0 $0x1, s19  }
0x1f: {  	p2 =	seq.s32 @!p0 s20, $0x1  }
0x20: {  	p1 =	por p2, p0  }
0x21: {  	s21 =	sadd.s32 @!p1 $0x1, s19  }
0x22: {  	p3 =	sge.u32 @!p1 s21, s6  }
0x23: {  	p3 =	por @!p0 p3, p2  }
0x24: {  	p3 =	por p3, p0  }
0x25: {  	s21 =	simm.s32 @!p3 $0x0;
	s22 =	simm.s32 @!p3 $0x80  }
0x26: {  	[tilespmem:s22], [sflag:$0x4] =	stream.linear.gather @!p3 [hbm4b:s18+s21], $0x80, $0x38;
	[tilespmem:$0x8100] =	vst v63  }
0x27: {  	s21 =	simm.s32 @!p3 $0x4  }
0x28: {  	_ =	swait.ge @!p3 [sflag:s21], $0x80  }
0x29: {  	[sflag:s21] =	ssyncset.done @!p3 $0x0  }
0x2a: {  	[sflag:s21] =	ssyncadd.s32 @!p3 $0xFFFFFF80;
	s21 =	simm.s32 @!p3 $0x4100  }
0x2b: {  	[tilespmem:s21], [sflag:$0x2] =	stream.indirect.gather @!p3 [hbm4b:s3+s22], $0x80, s22, s22, $0xb8;
	[tilespmem:$0x8100] =	vst v63  }
0x2c: {  	s21 =	simm.s32 @!p1 $0x1  }
0x2d: {  	_ =	swait.ge @!p1 [sflag:s21], $0x4000  }
0x2e: {  	s23 =	simm.s32 @!p1 $0x100;
	p3 =	seq.s32 @!p1 s20, $0x0;
	[sflag:s21] =	ssyncset.done @!p1 $0x0  }
0x2f: {  	p2 =	por @!p0 p2, !p3;
	[sflag:s21] =	ssyncadd.s32 @!p1 $0xFFFFC000;
	s21 =	sand.u32 @!p1 $0x1FFFF000, s17  }
0x30: {  	s22 =	simm.s32 @!p1 $0x0;
	p0 =	por p0, !p2;
	s21 =	sadd.s32 @!p1 s4, s21  }
0x31: {  	[hbm4b:s21+s22] =	stream.linear.scatter @!p1 [tilespmem:s23], [sflag:$0x4], $0x4000, $0x38;
	[tilespmem:$0x8100] =	vst v63  }
.Ltmp4:
0x32: {  	_ = 	snop;
	(pc) =	sbr.rel @p0 .LBB2_4-.Ltmp4, $4  }
0x33: {  	s21 =	simm.s32 @!p1 $0x4  }
0x34: {  	_ =	swait.ge @!p1 [sflag:s21], $0x4000  }
0x35: {  	[sflag:s21] =	ssyncset.done @!p1 $0x0  }
0x36: {  	[sflag:s21] =	ssyncadd.s32 @!p1 $0xFFFFC000  }
0x37: {  	s20 =	sadd.s32 $0x1, s19  }
0x38: {  	p0 =	sge.u32 s20, s6  }
0x39: {  	s20 =	simm.s32 @!p0 $0x0;
	s21 =	simm.s32 @!p0 $0x4  }
0x3a: {  	[tilespmem:s20], [sflag:$0x4] =	stream.linear.gather @!p0 [hbm4b:s18+s20], $0x80, $0x38;
	[tilespmem:$0x8100] =	vst v63  }
0x3b: {  	_ =	swait.ge @!p0 [sflag:s21], $0x80  }
0x3c: {  	[sflag:s21] =	ssyncset.done @!p0 $0x0  }
0x3d: {  	s22 =	simm.s32 @!p0 $0x100;
	[sflag:s21] =	ssyncadd.s32 @!p0 $0xFFFFFF80;
	s21 =	simm.s32 @!p0 $0x80  }
0x3e: {  	[tilespmem:s22], [sflag:$0x1] =	stream.indirect.gather @!p0 [hbm4b:s3+s21], $0x80, s20, s21, $0xb8;
	[tilespmem:$0x8100] =	vst v63  }
0x3f: {  	_ =	swait.ge [sflag:s14], $0x4000  }
0x40: {  	[sflag:s14] =	ssyncset.done $0x0  }
.Ltmp5:
0x41: {  	s31 =	sadd.s32 s17, s4;
	[sflag:s14] =	ssyncadd.s32 $0xFFFFC000;
	(pc) =	sbr.rel .LBB2_4-.Ltmp5, $4  }
0x42: {  	[hbm4b:s31+s2] =	stream.linear.scatter [tilespmem:s15], [sflag:$0x3], $0x4000, $0x38;
	[tilespmem:$0x8100] =	vst v63  }
0x43: {  	_ =	swait.ge [sflag:s11], $0x4000  }
0x44: {  	[sflag:s11] =	ssyncset.done $0x0  }
0x45: {  	[sflag:s11] =	ssyncadd.s32 $0xFFFFC000  }
.LBB2_6:
0x46: {  	_ =	sfence.sel $0x180000  }
0x47: {  	[bflag:$0x0] =	sbarrier.arrive $0xFFFF  }
0x48: {  	p0 =	sne.s32 s0, $0x0;
	_ =	strace $0x90000056  }
0x49: {  	s0 =	sadd.s32 @!p0 $0x100000, s1;
	[bflag:$0x2] =	sbarrier.arrive $0xFFFF  }
0x4a: {  	[sflag:s0] =	ssyncadd.tile.s32 @!p0 $0x1;
	_ =	shalt  }
.Lfunc_end2:
_tile_overlayer_lowered:
.L_overlay_start_2:
0x4b: {  	(tag) =	ssettag $0x2  }
0x4c: {  	s0 =	rddreg [dreg:$0x0];
	s2 =	stileid.u32  }
0x4d: {  	s1 =	rddreg [dreg:$0x1];
	p0 =	sne.s32 s2, $0x0  }
0x4e: {  	s3 =	rddreg [dreg:$0x2];
	[bflag:$0x3] =	sbarrier.arrive $0xFFFF;
	s2 =	simm.s32 @!p0 $0x1C03  }
0x4f: {  	[timem:s3], [sflag:s2] =	dma.local @!p0 [hbm:s0], s1  }
0x50: {  	s0 =	simm.s32 @!p0 $0x3  }
0x51: {  	_ =	swait.ge @!p0 [sflag:s0], s1  }
0x52: {  	s1 =	ssub.s32 @!p0 $0x0, s1;
	[sflag:s0] =	ssyncset.done @!p0 $0x0  }
0x53: {  	[sflag:s0] =	ssyncadd.s32 @!p0 s1  }
0x54: {  	[bflag:$0x3] =	sbarrier.arrive $0xFFFF  }
0x55: {  	_ =	shalt  }

// kernel: kernel.35.cloned.1.call-start
scs
__scs_entry_jumppad:
0x0: {  	(pc) =	sbr.rel $0x88, $3  }
0x1: {  	(tag) =	ssettag $0x0;
	lr =	simm.s32 $0x1  }
0x2: {  	[smem:$0x3F86] =	sst lr;
	_ =	strace $0xD0000000  }
0x3: {  	_ = 	snop  }
0x4: {  	_ = 	snop  }
0x5: {  	_ = 	snop  }
0x6: {  	_ = 	snop  }
0x7: {  	_ = 	snop  }
__scs_overlays_trampoline_lowered:
0x8: {  	[smem:$0x3F95] =	sst s0  }
0x9: {  	[smem:$0x3F96] =	sst s1  }
0xa: {  	[smem:$0x3F97] =	sst s2  }
0xb: {  	[smem:$0x3F98] =	sst s3  }
0xc: {  	[smem:$0x3F99] =	sst s4  }
0xd: {  	[smem:$0x3F9A] =	sst s5  }
0xe: {  	[smem:$0x3F9B] =	sst s6  }
0xf: {  	[smem:$0x3F9C] =	sst s7  }
0x10: {  	[smem:$0x3F9D] =	sst s8  }
0x11: {  	[smem:$0x3F9E] =	sst s9;
	s0 =	simm.s32 @!p0 $0x0  }
0x12: {  	s1 =	sld [smem:$0x3F84];
	s0 =	simm.s32 @p0 $0x1  }
0x13: {  	[smem:$0x3F9F] =	sst s0;
	s0 =	simm.s32 @!p1 $0x0  }
0x14: {  	s2 =	sld [smem:$0x3F83];
	s0 =	simm.s32 @p1 $0x1  }
0x15: {  	[smem:$0x3FA0] =	sst s0;
	s0 =	simm.s32 @!p2 $0x0  }
0x16: {  	s3 =	sld [smem:$0x3FDB];
	s0 =	simm.s32 @p2 $0x1  }
0x17: {  	s4 =	simm.s32 $0x1BF5;
	[smem:$0x3FA2] =	sst s0  }
0x18: {  	s0 =	sld [smem:$0x3F85];
	_ =	swait.ge [sflag:s4], $0x0  }
0x19: {  	s7 =	sld [smem:$0x3F86]  }
0x1a: {  	s8 =	sadd.s32 $0xFFFFE003, lr  }
0x1b: {  	s9 =	sadd.s32 $0xFFFFFEF7, lr;
	s5 =	simm.s32 $0xFFFFFFFF;
	p2 =	slt.u32 s8, $0xFFFFF086  }
0x1c: {  	p1 =	slt.u32 s9, $0xF7A;
	s5 =	simm.s32 @!p2 $0x0  }
0x1d: {  	s5 =	simm.s32 @p1 $0x1;
	p0 =	seq.s32 s7, s2  }
0x1e: {  	s7 =	smul.u32 @!p0 $0xF7A, s2;
	p2 =	seq.s32 @!p0 s5, $0x0  }
0x1f: {  	s9 =	smul.u32 $0xF7A, s1;
	s8 =	simm.s32 @!p0 $0x1BF5;
	p2 =	por !p2, p0  }
0x20: {  	[sflag:s8] =	ssyncset.s32 @!p0 $0xFFFFF086;
	s6 =	sadd.s32 @!p0 s3, s7;
	s7 =	simm.s32 @!p0 $0x108  }
0x21: {  	s3 =	sadd.s32 s3, s9;
	s6 =	sadd.s32 @!p0 $0x88, s6;
	s7 =	simm.s32 @p2 $0x1082  }
0x22: {  	[simem:s7], [sflag:s8] =	dma.local @!p0 [hbm:s6], $0xF7A  }
0x23: {  	s9 =	sor.u32 $0xD0000000, s2;
	s6 =	simm.s32 $0x108;
	_ =	swait.ge @!p0 [sflag:s8], $0x0  }
0x24: {  	s3 =	sadd.s32 $0x88, s3;
	s6 =	simm.s32 @!p1 $0x1082;
	[sflag:s4] =	ssyncset.s32 $0xFFFFF086  }
0x25: {  	[simem:s6], [sflag:s4] =	dma.local [hbm:s3], $0xF7A  }
0x26: {  	[smem:$0x3F86] =	sst s1;
	(tag) =	ssettag s2;
	_ =	strace s9  }
0x27: {  	s1 =	sld [smem:$0x3F96]  }
0x28: {  	s2 =	sld [smem:$0x3F97]  }
0x29: {  	s4 =	sld [smem:$0x3F99]  }
0x2a: {  	p0 =	seq.s32 s5, $0x0;
	s5 =	sld [smem:$0x3F9A]  }
0x2b: {  	s6 =	sld [smem:$0x3F9B]  }
0x2c: {  	s7 =	sld [smem:$0x3F9C]  }
0x2d: {  	s3 =	simm.s32 $0x108;
	s8 =	sld [smem:$0x3F9D]  }
0x2e: {  	s3 =	simm.s32 @!p0 $0x1082;
	s9 =	sld [smem:$0x3F9E]  }
0x2f: {  	lr =	sadd.s32 s0, s3;
	s0 =	sld [smem:$0x3F95]  }
0x30: {  	s3 =	sld [smem:$0x3F98]  }
0x31: {  	[smem:$0x3FA1] =	sst s10  }
0x32: {  	s10 =	sld [smem:$0x3F9F];
	_ =	sdelay $0x3  }
0x33: {  	p0 =	seq.s32 s10, $0x1;
	s10 =	sld [smem:$0x3FA1];
	_ =	sdelay $0x3  }
0x34: {  	[smem:$0x3FA1] =	sst s10  }
0x35: {  	s10 =	sld [smem:$0x3FA0];
	_ =	sdelay $0x3  }
0x36: {  	p1 =	seq.s32 s10, $0x1;
	s10 =	sld [smem:$0x3FA1];
	_ =	sdelay $0x3  }
0x37: {  	[smem:$0x3FA1] =	sst s10  }
0x38: {  	s10 =	sld [smem:$0x3FA2]  }
0x39: {  	_ = 	snop;
	(pc) =	sbr.ind lr, $3  }
0x3a: {  	_ = 	snop  }
0x3b: {  	_ = 	snop  }
0x3c: {  	p2 =	seq.s32 s10, $0x1;
	s10 =	sld [smem:$0x3FA1]  }
0x3d: {  	_ =	shalt  }
0x3e: {  	_ =	shalt  }
0x3f: {  	_ =	shalt  }
0x40: {  	_ =	shalt  }
0x41: {  	_ =	shalt  }
0x42: {  	_ =	shalt  }
0x43: {  	_ =	shalt  }
0x44: {  	_ =	shalt  }
0x45: {  	_ =	shalt  }
0x46: {  	_ =	shalt  }
0x47: {  	_ =	shalt  }
0x48: {  	_ =	shalt  }
0x49: {  	_ =	shalt  }
0x4a: {  	_ =	shalt  }
0x4b: {  	_ =	shalt  }
0x4c: {  	_ =	shalt  }
0x4d: {  	_ =	shalt  }
0x4e: {  	_ =	shalt  }
0x4f: {  	_ =	shalt  }
0x50: {  	_ =	shalt  }
0x51: {  	_ =	shalt  }
0x52: {  	_ =	shalt  }
0x53: {  	_ =	shalt  }
0x54: {  	_ =	shalt  }
0x55: {  	_ =	shalt  }
0x56: {  	_ =	shalt  }
0x57: {  	_ =	shalt  }
0x58: {  	_ =	shalt  }
0x59: {  	_ =	shalt  }
0x5a: {  	_ =	shalt  }
0x5b: {  	_ =	shalt  }
0x5c: {  	_ =	shalt  }
0x5d: {  	_ =	shalt  }
0x5e: {  	_ =	shalt  }
0x5f: {  	_ =	shalt  }
0x60: {  	_ =	shalt  }
0x61: {  	_ =	shalt  }
0x62: {  	_ =	shalt  }
0x63: {  	_ =	shalt  }
0x64: {  	_ =	shalt  }
0x65: {  	_ =	shalt  }
0x66: {  	_ =	shalt  }
0x67: {  	_ =	shalt  }
0x68: {  	_ =	shalt  }
0x69: {  	_ =	shalt  }
0x6a: {  	_ =	shalt  }
0x6b: {  	_ =	shalt  }
0x6c: {  	_ =	shalt  }
0x6d: {  	_ =	shalt  }
0x6e: {  	_ =	shalt  }
0x6f: {  	_ =	shalt  }
0x70: {  	_ =	shalt  }
0x71: {  	_ =	shalt  }
0x72: {  	_ =	shalt  }
0x73: {  	_ =	shalt  }
0x74: {  	_ =	shalt  }
0x75: {  	_ =	shalt  }
0x76: {  	_ =	shalt  }
0x77: {  	_ =	shalt  }
0x78: {  	_ =	shalt  }
0x79: {  	_ =	shalt  }
0x7a: {  	_ =	shalt  }
0x7b: {  	_ =	shalt  }
0x7c: {  	_ =	shalt  }
0x7d: {  	_ =	shalt  }
0x7e: {  	_ =	shalt  }
0x7f: {  	_ =	shalt  }
0x80: {  	_ =	shalt  }
0x81: {  	_ =	shalt  }
0x82: {  	_ =	shalt  }
0x83: {  	_ =	shalt  }
0x84: {  	_ =	shalt  }
0x85: {  	_ =	shalt  }
0x86: {  	_ =	shalt  }
0x87: {  	_ =	shalt  }
.Lfunc_end0:
.L_simem_size_0:
called_computation.6_lowered:
.L_overlay_start_0:
0x88: {  	s2 =	sld [smem:$0x3FD9]  }
0x89: {  	s3 =	sld [smem:$0x3FFE];
	_ =	sdelay $0x1  }
0x8a: {  	s1 =	srdreg.scid  }
0x8b: {  	s0 =	sand.u32 $0x1, s1  }
0x8c: {  	s17 =	sshll.u32 s0, $0xA;
	s2 =	sadd.s32 s3, s2  }
0x8d: {  	s2 =	sadd.s32 s2, s17  }
0x8e: {  	[smem:$0x3FAD] =	sst s2  }
0x8f: {  	_ = 	snop  }
0x90: {  	(tm) =	ssettm $0x1  }
0x91: {  	s18 =	sld [smem:$0x3FFB];
	_ =	sdelay $0x3  }
0x92: {  	_ =	strace s18  }
0x93: {  	s2 =	sld [smem:$0x3FFC];
	_ =	sdelay $0x3  }
0x94: {  	_ =	strace s2  }
0x95: {  	s2 =	sld [smem:$0x3FFD];
	_ =	sdelay $0x3  }
0x96: {  	_ =	strace s2  }
0x97: {  	_ =	strace $0x8FFFFFFF  }
0x98: {  	s19 =	sld [smem:$0x3FDB];
	_ =	sdelay $0x1  }
0x99: {  	s20 =	simm.s32 $_scs_section_size  }
0x9a: {  	s4 =	simm.s32 $_size__tile_overlayer_lowered;
	s5 =	simm.s32 $_tile_overlayer_lowered  }
0x9b: {  	s6 =	simm.s32 $0x1BFF;
	s21 =	sshll.u32 s5, $0x1;
	s3 =	sadd.s32 s20, s19  }
0x9c: {  	s22 =	simm.s32 $0x0;
	s4 =	sshll.u32 s4, $0x1;
	s5 =	sadd.s32 s21, s3  }
0x9d: {  	[timem:s22], [sflag:s6] =	dma.local [hbm:s5], s4  }
0x9e: {  	_ =	swait.ge [sflag:s6], s4  }
0x9f: {  	s4 =	ssub.s32 $0x0, s4;
	[sflag:s6] =	ssyncset.done $0x0  }
0xa0: {  	[sflag:s6] =	ssyncadd.s32 s4;
	_ =	sdelay $0x1  }
0xa1: {  	s23 =	simm.s32 $0x1B8B  }
0xa2: {  	_ =	swait.ge [sflag:s23], $0x1  }
0xa3: {  	[sflag:s23] =	ssyncset.done $0x0  }
0xa4: {  	[sflag:s23] =	ssyncadd.s32 $0xFFFFFFFF  }
0xa5: {  	s4 =	sld [smem:$0x0]  }
0xa6: {  	s5 =	sand.u32 $0xFFFFFFFE, s1  }
0xa7: {  	p0 =	sne.s32 s1, s5  }
0xa8: {  	s5 =	sshll.u32 @p0 s5, $0xE  }
0xa9: {  	s5 =	sadd.s32 @p0 $0x11B8D, s5;
	s6 =	sshll.u32 @p0 s4, $0x11  }
0xaa: {  	s5 =	sor.u32 @p0 s6, s5  }
0xab: {  	[sflag:s5] =	ssyncadd.remote.s32 @p0 $0x1;
	_ =	sdelay $0x1  }
0xac: {  	s5 =	simm.s32 @p0 $0x1B8D  }
0xad: {  	_ =	swait.eq @p0 [sflag:s5], $0x1  }
0xae: {  	[sflag:s5] =	ssyncadd.s32 @p0 $0xFFFFFFFF  }
0xaf: {  	s6 =	sshll.u32 @!p0 s1, $0xE  }
0xb0: {  	s6 =	sor.u32 @!p0 $0x4000, s6;
	s5 =	simm.s32 @!p0 $0x1B8D  }
0xb1: {  	s4 =	sshll.u32 @!p0 s4, $0x11;
	s6 =	sadd.s32 @!p0 $0x11B8D, s6;
	_ =	swait.eq @!p0 [sflag:s5], $0x1  }
0xb2: {  	s4 =	sor.u32 @!p0 s4, s6;
	[sflag:s5] =	ssyncadd.s32 @!p0 $0xFFFFFFFF  }
0xb3: {  	s25 =	simm.s32 $0x1B8E;
	s24 =	sld [smem:$0x3FFE];
	[sflag:s4] =	ssyncadd.remote.s32 @!p0 $0x1  }
0xb4: {  	s26 =	simm.s32 $execute0_lowered;
	[smem:$0x3FD2] =	sst s25  }
0xb5: {  	s5 =	sshll.u32 s26, $0x1;
	_ =	strace $0x80000058;
	[dreg:$0x1] =	wrdreg $0xFFFFFFFF  }
0xb6: {  	s28 =	simm.s32 $_size_execute0_lowered;
	s3 =	sadd.s32 s3, s5;
	[dreg:$0x0] =	wrdreg $0x0  }
0xb7: {  	s5 =	sshll.u32 s28, $0x1;
	[dreg:$0x2] =	wrdreg s3  }
0xb8: {  	[dreg:$0x3] =	wrdreg s5  }
0xb9: {  	[dreg:$0x4] =	wrdreg $0xC0  }
0xba: {  	_ =	task [dreg:s22], $0x5FFFF  }
0xbb: {  	[dreg:$0x1] =	wrdreg $0xFFFFFFFF  }
0xbc: {  	[dreg:$0x0] =	wrdreg $0x60  }
0xbd: {  	[dreg:$0x2] =	wrdreg s24  }
0xbe: {  	[dreg:$0x3] =	wrdreg $0xA  }
0xbf: {  	_ =	task.clear_ibuf [dreg:s22], $0x4FFFF;
	_ =	strace $0x90000058  }
0xc0: {  	s29 =	simm.s32 $0xA;
	_ =	strace $0x8000005A  }
0xc1: {  	_ =	swait.ge [sflag:s29], $0x1  }
0xc2: {  	[sflag:s29] =	ssyncadd.s32 $0xFFFFFFFF  }
0xc3: {  	_ =	strace $0x9000005A  }
0xc4: {  	_ =	sfence  }
0xc5: {  	s30 =	sld [smem:$0x0];
	_ =	sdelay $0x2  }
0xc6: {  	s31 =	sshll.u32 s1, $0xD;
	s1 =	sshrl.u32 s1, $0x2  }
0xc7: {  	s4 =	sand.u32 $0x4000, s31;
	s1 =	sadd.s32 s1, s30  }
0xc8: {  	s0 =	sor.u32 s4, s0;
	s1 =	sshll.u32 s1, $0x11  }
0xc9: {  	s0 =	sor.u32 s1, s0  }
0xca: {  	s0 =	sadd.s32 $0x8F2B, s0  }
0xcb: {  	[sflag:s0] =	ssyncadd.remote.s32 $0x1  }
0xcc: {  	_ =	sfence.sel $0xFFFF  }
0xcd: {  	[dreg:$0x0] =	wrdreg $0xFFFFFFFF;
	(pc) =	sbr.abs _section_cstart, $3  }
0xce: {  	[dreg:$0x1] =	wrdreg $0xFFFFFFFF  }
0xcf: {  	_ =	task.clear_ibuf [dreg:s22], $0x2FFFF;
	_ =	strace $0x9FFFFFFF  }
0xd0: {  	(tm) =	ssettm $0x7FFFFFFF  }
0xd1: {  	_ =	shalt  }
tec
execute0_lowered:
.L_overlay_start_1:
0x0: {  	(tag) =	ssettag $0x1  }
0x1: {  	s1 =	srdreg.scid;
	s0 =	stileid.u32  }
0x2: {  	s4 =	rddreg [dreg:$0x0];
	s2 =	simm.s32 $0x0;
	s14 =	simm.s32 $0x2  }
0x3: {  	s15 =	simm.s32 $0x4100;
	s16 =	simm.s32 $0x0;
	s8 =	smul.u32 $0x50, s0  }
0x4: {  	s6 =	sand.u32 $0x1, s1;
	s1 =	rddreg [dreg:$0x1];
	s30 =	smul.u32 $0x28000, s0  }
0x5: {  	s3 =	sshll.u32 s0, $0x1;
	[smem:$0x7FF] =	sst s2;
	s11 =	smul.u32 $0x28, s6  }
0x6: {  	s9 =	sadd.s32 $0xA200, s4;
	s5 =	sor.u32 s6, s3;
	s31 =	smul.u32 $0x14000, s6  }
0x7: {  	_ =	strace $0x80000059;
	s10 =	ssub.s32 $0x2, s6;
	s7 =	smul.u32 $0x28, s5  }
0x8: {  	s3 =	sadd.s32 $0x4B800, s4;
	s12 =	sshrl.u32 s10, $0x1;
	s13 =	smul.u32 $0x280, s5  }
.Ltmp0:
0x9: {  	s4 =	sadd.s32 $0x68E200, s4;
	s10 =	ssub.s32 s10, s12;
	(pc) =	sbr.rel .LBB2_1-.Ltmp0, $4  }
0xa: {  	s8 =	sadd.s32 s11, s8;
	s11 =	simm.s32 $0x3;
	s12 =	simm.s32 $0x80  }
0xb: {  	s5 =	ssub.s32 $0x4E2, s7;
	s8 =	sshll.u32 s8, $0x4;
	s7 =	sadd.s32 s9, s13  }
0xc: {  	s13 =	simm.s32 $0x100;
	s6 =	smin.u32 s5, $0x28;
	s9 =	sadd.s32 s8, s9  }
0xd: {  	s8 =	smax.u32 s10, $0x1;
	s10 =	sadd.s32 s31, s30;
	s9 =	sadd.s32 $0x10, s9  }
.LBB2_5:
0xe: {  	s16 =	sadd.s32 $0x1, s16  }
0xf: {  	p0 =	sne.s32 s16, s8  }
.Ltmp1:
0x10: {  	_ = 	snop;
	(pc) =	sbr.rel @!p0 .LBB2_6-.Ltmp1, $1  }
0x11: {  	_ =	sdelay $0x3  }
.LBB2_1:
0x12: {  	[tilespmem:s2], [sflag:$0x3] =	stream.linear.gather [hbm4b:s7+s2], $0x80, $0x38;
	[tilespmem:$0x8100] =	vst v63  }
.Ltmp2:
0x13: {  	_ = 	snop;
	(pc) =	sbr.rel .LBB2_2-.Ltmp2, $4  }
0x14: {  	_ =	swait.ge [sflag:s11], $0x80  }
0x15: {  	s17 =	smov.u32 s10;
	[sflag:s11] =	ssyncset.done $0x0  }
0x16: {  	s18 =	smov.u32 s9;
	s19 =	simm.s32 $0x0;
	[sflag:s11] =	ssyncadd.s32 $0xFFFFFF80  }
0x17: {  	[tilespmem:s13], [sflag:$0x1] =	stream.indirect.gather [hbm4b:s3+s12], $0x80, s2, s12, $0xb8;
	[tilespmem:$0x8100] =	vst v63  }
.LBB2_4:
0x18: {  	s19 =	sadd.s32 $0x1, s19  }
0x19: {  	p0 =	sne.s32 s19, $0x28  }
.Ltmp3:
0x1a: {  	_ = 	snop;
	(pc) =	sbr.rel @!p0 .LBB2_5-.Ltmp3, $2  }
0x1b: {  	_ =	sdelay $0x2  }
0x1c: {  	s18 =	sadd.s32 $0x10, s18;
	s17 =	sadd.s32 $0x800, s17  }
.LBB2_2:
0x1d: {  	p0 =	sle.u32 s5, s19  }
0x1e: {  	s20 =	sand.u32 @!p0 $0x1, s19  }
0x1f: {  	p2 =	seq.s32 @!p0 s20, $0x1  }
0x20: {  	p1 =	por p2, p0  }
0x21: {  	s21 =	sadd.s32 @!p1 $0x1, s19  }
0x22: {  	p3 =	sge.u32 @!p1 s21, s6  }
0x23: {  	p3 =	por @!p0 p3, p2  }
0x24: {  	p3 =	por p3, p0  }
0x25: {  	s21 =	simm.s32 @!p3 $0x0;
	s22 =	simm.s32 @!p3 $0x80  }
0x26: {  	[tilespmem:s22], [sflag:$0x4] =	stream.linear.gather @!p3 [hbm4b:s18+s21], $0x80, $0x38;
	[tilespmem:$0x8100] =	vst v63  }
0x27: {  	s21 =	simm.s32 @!p3 $0x4  }
0x28: {  	_ =	swait.ge @!p3 [sflag:s21], $0x80  }
0x29: {  	[sflag:s21] =	ssyncset.done @!p3 $0x0  }
0x2a: {  	[sflag:s21] =	ssyncadd.s32 @!p3 $0xFFFFFF80;
	s21 =	simm.s32 @!p3 $0x4100  }
0x2b: {  	[tilespmem:s21], [sflag:$0x2] =	stream.indirect.gather @!p3 [hbm4b:s3+s22], $0x80, s22, s22, $0xb8;
	[tilespmem:$0x8100] =	vst v63  }
0x2c: {  	s21 =	simm.s32 @!p1 $0x1  }
0x2d: {  	_ =	swait.ge @!p1 [sflag:s21], $0x4000  }
0x2e: {  	s23 =	simm.s32 @!p1 $0x100;
	p3 =	seq.s32 @!p1 s20, $0x0;
	[sflag:s21] =	ssyncset.done @!p1 $0x0  }
0x2f: {  	p2 =	por @!p0 p2, !p3;
	[sflag:s21] =	ssyncadd.s32 @!p1 $0xFFFFC000;
	s21 =	sand.u32 @!p1 $0x1FFFF000, s17  }
0x30: {  	s22 =	simm.s32 @!p1 $0x0;
	p0 =	por p0, !p2;
	s21 =	sadd.s32 @!p1 s4, s21  }
0x31: {  	[hbm4b:s21+s22] =	stream.linear.scatter @!p1 [tilespmem:s23], [sflag:$0x4], $0x4000, $0x38;
	[tilespmem:$0x8100] =	vst v63  }
.Ltmp4:
0x32: {  	_ = 	snop;
	(pc) =	sbr.rel @p0 .LBB2_4-.Ltmp4, $4  }
0x33: {  	s21 =	simm.s32 @!p1 $0x4  }
0x34: {  	_ =	swait.ge @!p1 [sflag:s21], $0x4000  }
0x35: {  	[sflag:s21] =	ssyncset.done @!p1 $0x0  }
0x36: {  	[sflag:s21] =	ssyncadd.s32 @!p1 $0xFFFFC000  }
0x37: {  	s20 =	sadd.s32 $0x1, s19  }
0x38: {  	p0 =	sge.u32 s20, s6  }
0x39: {  	s20 =	simm.s32 @!p0 $0x0;
	s21 =	simm.s32 @!p0 $0x4  }
0x3a: {  	[tilespmem:s20], [sflag:$0x4] =	stream.linear.gather @!p0 [hbm4b:s18+s20], $0x80, $0x38;
	[tilespmem:$0x8100] =	vst v63  }
0x3b: {  	_ =	swait.ge @!p0 [sflag:s21], $0x80  }
0x3c: {  	[sflag:s21] =	ssyncset.done @!p0 $0x0  }
0x3d: {  	s22 =	simm.s32 @!p0 $0x100;
	[sflag:s21] =	ssyncadd.s32 @!p0 $0xFFFFFF80;
	s21 =	simm.s32 @!p0 $0x80  }
0x3e: {  	[tilespmem:s22], [sflag:$0x1] =	stream.indirect.gather @!p0 [hbm4b:s3+s21], $0x80, s20, s21, $0xb8;
	[tilespmem:$0x8100] =	vst v63  }
0x3f: {  	_ =	swait.ge [sflag:s14], $0x4000  }
0x40: {  	[sflag:s14] =	ssyncset.done $0x0  }
.Ltmp5:
0x41: {  	s31 =	sadd.s32 s17, s4;
	[sflag:s14] =	ssyncadd.s32 $0xFFFFC000;
	(pc) =	sbr.rel .LBB2_4-.Ltmp5, $4  }
0x42: {  	[hbm4b:s31+s2] =	stream.linear.scatter [tilespmem:s15], [sflag:$0x3], $0x4000, $0x38;
	[tilespmem:$0x8100] =	vst v63  }
0x43: {  	_ =	swait.ge [sflag:s11], $0x4000  }
0x44: {  	[sflag:s11] =	ssyncset.done $0x0  }
0x45: {  	[sflag:s11] =	ssyncadd.s32 $0xFFFFC000  }
.LBB2_6:
0x46: {  	_ =	sfence.sel $0x180000  }
0x47: {  	[bflag:$0x0] =	sbarrier.arrive $0xFFFF  }
0x48: {  	p0 =	sne.s32 s0, $0x0;
	_ =	strace $0x90000059  }
0x49: {  	s0 =	sadd.s32 @!p0 $0x100000, s1;
	[bflag:$0x2] =	sbarrier.arrive $0xFFFF  }
0x4a: {  	[sflag:s0] =	ssyncadd.tile.s32 @!p0 $0x1;
	_ =	shalt  }
.Lfunc_end2:
_tile_overlayer_lowered:
.L_overlay_start_2:
0x4b: {  	(tag) =	ssettag $0x2  }
0x4c: {  	s0 =	rddreg [dreg:$0x0];
	s2 =	stileid.u32  }
0x4d: {  	s1 =	rddreg [dreg:$0x1];
	p0 =	sne.s32 s2, $0x0  }
0x4e: {  	s3 =	rddreg [dreg:$0x2];
	[bflag:$0x3] =	sbarrier.arrive $0xFFFF;
	s2 =	simm.s32 @!p0 $0x1C03  }
0x4f: {  	[timem:s3], [sflag:s2] =	dma.local @!p0 [hbm:s0], s1  }
0x50: {  	s0 =	simm.s32 @!p0 $0x3  }
0x51: {  	_ =	swait.ge @!p0 [sflag:s0], s1  }
0x52: {  	s1 =	ssub.s32 @!p0 $0x0, s1;
	[sflag:s0] =	ssyncset.done @!p0 $0x0  }
0x53: {  	[sflag:s0] =	ssyncadd.s32 @!p0 s1  }
0x54: {  	[bflag:$0x3] =	sbarrier.arrive $0xFFFF  }
0x55: {  	_ =	shalt  }

</sc_bundles>
